<compile_context>
chip_gen: v7x
topology: tpu7x:2x2x1
jax: 0.10.2.dev20260603
libtpu: 0.0.44.dev20260713+nightly
codegen_flags: <defaults>
</compile_context>

<pallas_src>
import jax
import jax.numpy as jnp
from jax import lax
from jax.experimental import pallas as pl
from jax.experimental.pallas import tpu as pltpu
from jax.experimental.pallas import tpu_sc as plsc

F = 100
C = 1000
D = 32
B = 16384
LANES = 16

BT = 128
N_BT = B // BT
G = 4
GB = G * BT


def _make_kernel():
  mesh = plsc.VectorSubcoreMesh(core_axis_name="c", subcore_axis_name="s")
  nw = mesh.num_cores * mesh.num_subcores
  assert N_BT == nw * G

  def body(xt_hbm, tbl_hbm, out_hbm, idx_all, rows0, rows1, trans0, trans1,
           gsem0, gsem1, osem0, osem1):
    wid = lax.axis_index("s") * mesh.num_cores + lax.axis_index("c")
    ri = lax.iota(jnp.int32, LANES)
    cr = []
    for bt in range(G):
      for dh in (0, LANES):
        dv = ri + dh
        cr.append(((dv >> 3) << 5) + (bt * 8) + (dv & 7))

    pltpu.sync_copy(xt_hbm.at[:, pl.ds(wid * G, G), :], idx_all)

    def adjust(f):
      off = f * C

      @plsc.parallel_loop(0, G * (BT // LANES), unroll=8)
      def adj(k):
        j = k >> 3
        i = k & 7
        sl = idx_all.at[f, j, pl.ds(i * LANES, LANES)]
        idx_all[f, j, pl.ds(i * LANES, LANES)] = sl[...] + off

    def fire_gathers(f, rows, gsem):
      for j in range(G):
        pltpu.async_copy(
            tbl_hbm.at[idx_all.at[f, j]],
            rows.at[pl.ds(j * BT, BT), pl.ds(0, D)],
            gsem,
        )

    def drain_gathers(rows, gsem):
      for j in range(G):
        pltpu.make_async_copy(
            tbl_hbm.at[idx_all.at[0, j]],
            rows.at[pl.ds(j * BT, BT), pl.ds(0, D)],
            gsem,
        ).wait()

    def transpose(rows, trans):
      for bt in range(G):
        c0, c1 = cr[2 * bt], cr[2 * bt + 1]

        @plsc.parallel_loop(0, BT, unroll=8)
        def rowloop(l):
          k = bt * BT + l
          lv = jnp.zeros((LANES,), jnp.int32) + l
          plsc.store_scatter(trans, [c0, lv], rows[k, pl.ds(0, LANES)])
          plsc.store_scatter(trans, [c1, lv], rows[k, pl.ds(LANES, LANES)])

    def fire_out(f, trans, osem):
      for dt in range(D // 8):
        pltpu.async_copy(
            trans.at[pl.ds(dt * 32, 32), pl.ds(0, BT)],
            out_hbm.at[f, dt, pl.ds(wid * G * 8, 32)],
            osem,
        )

    def drain_out(trans, osem):
      for dt in range(D // 8):
        pltpu.make_async_copy(
            trans.at[pl.ds(dt * 32, 32), pl.ds(0, BT)],
            out_hbm.at[0, dt, pl.ds(wid * G * 8, 32)],
            osem,
        ).wait()

    adjust(0)
    fire_gathers(0, rows0, gsem0)

    @pl.loop(0, F, step=2)
    def floop(f):
      adjust(f + 1)
      fire_gathers(f + 1, rows1, gsem1)
      drain_gathers(rows0, gsem0)

      @pl.when(f > 0)
      def _():
        drain_out(trans0, osem0)

      transpose(rows0, trans0)
      fire_out(f, trans0, osem0)

      @pl.when(f + 2 < F)
      def _():
        adjust(f + 2)
        fire_gathers(f + 2, rows0, gsem0)

      drain_gathers(rows1, gsem1)

      @pl.when(f > 0)
      def _():
        drain_out(trans1, osem1)

      transpose(rows1, trans1)
      fire_out(f + 1, trans1, osem1)

    drain_out(trans0, osem0)
    drain_out(trans1, osem1)

  return pl.kernel(
      body,
      out_type=jax.ShapeDtypeStruct((F, D // 8, N_BT * 8, BT), jnp.float32),
      mesh=mesh,
      scratch_types=[
          pltpu.VMEM((F, G, BT), jnp.int32),
          pltpu.VMEM((GB, D), jnp.float32),
          pltpu.VMEM((GB, D), jnp.float32),
          pltpu.VMEM((D // 8 * G * 8, BT + 1), jnp.float32),
          pltpu.VMEM((D // 8 * G * 8, BT + 1), jnp.float32),
          pltpu.SemaphoreType.DMA,
          pltpu.SemaphoreType.DMA,
          pltpu.SemaphoreType.DMA,
          pltpu.SemaphoreType.DMA,
      ],
      compiler_params=pltpu.CompilerParams(
          use_tc_tiling_on_sc=False, needs_layout_passes=False
      ),
  )


def kernel(x, weight):
  xt = x.astype(jnp.int32).T.reshape(F, N_BT, BT)
  tbl = weight.reshape(F * C, D)
  u = _make_kernel()(xt, tbl).reshape(F, D // 8, N_BT, 8, BT)
  return jnp.transpose(u, (2, 4, 0, 1, 3)).reshape(B, F, D)

# --- scband reference (transcript-rebuilt; emitter-appended) ---
"""Pipeline reference for scband-category-embedding-19387482374603 (READ-ONLY COPY).

The authoritative reference and input builder live on the scoring server;
editing this copy changes nothing except your own understanding.
"""

import jax, jax.numpy as jnp
import numpy as np

NUM_EMBEDDINGS = 100   # feat_num / number of per-field tables
CATEGORY_NUM = 1000    # categories per field
EMBEDDING_DIM = 32
BATCH = 16384


def setup_inputs(seed: int = 0) -> dict:
    key = jax.random.key(seed)
    k_x, k_w = jax.random.split(key)
    x = jax.random.randint(k_x, (BATCH, NUM_EMBEDDINGS), 0, CATEGORY_NUM, dtype=jnp.int64 if jax.config.jax_enable_x64 else jnp.int32)
    weight = jax.random.normal(k_w, (NUM_EMBEDDINGS, CATEGORY_NUM, EMBEDDING_DIM), dtype=jnp.float32)
    return {"x": x, "weight": weight}


def reference(x, weight):
    # look_up_category_embedding: for each field f, gather weight[f, x[:, f]]
    # weight: [F, C, D], x: [B, F] -> embed: [B, F, D]
    F = weight.shape[0]
    field_idx = jnp.arange(F)[None, :]          # [1, F]
    embed = weight[field_idx, x]                # advanced indexing -> [B, F, D]
    return embed

if __name__ == "__main__":
    import jax
    _d = setup_inputs()
    print(jax.jit(kernel)(*tuple(_d.values())))

</pallas_src>

<mosaic_0001>
#map = affine_map<(d0, d1) -> (0, 0, 0)>
#map1 = affine_map<(d0, d1) -> (0, 0)>
#map2 = affine_map<(d0, d1) -> (0, 0, 0, 0)>
module attributes {stable_mosaic.version = 14 : i64} {
  func.func @body(%arg0: i32, %arg1: i32, %arg2: memref<100x128x128xi32, #tpu.memory_space<hbm>>, %arg3: memref<100000x32xf32, #tpu.memory_space<hbm>>, %arg4: memref<100x4x1024x128xf32, #tpu.memory_space<hbm>>, %arg5: memref<100x4x128xi32, #tpu.memory_space<vmem>>, %arg6: memref<512x32xf32, #tpu.memory_space<vmem>>, %arg7: memref<512x32xf32, #tpu.memory_space<vmem>>, %arg8: memref<128x129xf32, #tpu.memory_space<vmem>>, %arg9: memref<128x129xf32, #tpu.memory_space<vmem>>, %arg10: memref<!tpu.dma_semaphore, #tpu.memory_space<semaphore_mem>>, %arg11: memref<!tpu.dma_semaphore, #tpu.memory_space<semaphore_mem>>, %arg12: memref<!tpu.dma_semaphore, #tpu.memory_space<semaphore_mem>>, %arg13: memref<!tpu.dma_semaphore, #tpu.memory_space<semaphore_mem>>) attributes {dimension_semantics = [#tpu.dimension_semantics<core_parallel>, #tpu.dimension_semantics<subcore_parallel>], iteration_bounds = array<i64: 2, 16>, scalar_prefetch = 0 : i64, scratch_operands = 9 : i64, tpu.core_type = #tpu.core_type<sc_vector_subcore>, window_params = [{transform_indices = #map}, {transform_indices = #map1}, {transform_indices = #map2}]} {
    %mul3A = arith.constant 2 : i32
    %mul3A_0 = arith.muli %arg1, %mul3A : i32
    %add3A = arith.addi %mul3A_0, %arg0 : i32
    %iota3A = tpu.iota {dimensions = array<i32: 0>} : vector<16xi32>
    %add3A_1 = arith.constant 0 : i32
    %add3A_2 = vector.broadcast %add3A_1 : i32 to vector<16xi32>
    %add3A_3 = arith.addi %iota3A, %add3A_2 : vector<16xi32>
    %shift_right_arithmetic3A = arith.constant 3 : i32
    %shift_right_arithmetic3A_4 = vector.broadcast %shift_right_arithmetic3A : i32 to vector<16xi32>
    %shift_right_arithmetic3A_5 = arith.shrsi %add3A_3, %shift_right_arithmetic3A_4 : vector<16xi32>
    %shift_left3A = arith.constant 5 : i32
    %shift_left3A_6 = vector.broadcast %shift_left3A : i32 to vector<16xi32>
    %shift_left3A_7 = arith.shli %shift_right_arithmetic3A_5, %shift_left3A_6 : vector<16xi32>
    %add3A_8 = arith.constant 0 : i32
    %add3A_9 = vector.broadcast %add3A_8 : i32 to vector<16xi32>
    %add3A_10 = arith.addi %shift_left3A_7, %add3A_9 : vector<16xi32>
    %and3A = arith.constant 7 : i32
    %and3A_11 = vector.broadcast %and3A : i32 to vector<16xi32>
    %and3A_12 = arith.andi %add3A_3, %and3A_11 : vector<16xi32>
    %add3A_13 = arith.addi %add3A_10, %and3A_12 : vector<16xi32>
    %add3A_14 = arith.constant 16 : i32
    %add3A_15 = vector.broadcast %add3A_14 : i32 to vector<16xi32>
    %add3A_16 = arith.addi %iota3A, %add3A_15 : vector<16xi32>
    %shift_right_arithmetic3A_17 = arith.constant 3 : i32
    %shift_right_arithmetic3A_18 = vector.broadcast %shift_right_arithmetic3A_17 : i32 to vector<16xi32>
    %shift_right_arithmetic3A_19 = arith.shrsi %add3A_16, %shift_right_arithmetic3A_18 : vector<16xi32>
    %shift_left3A_20 = arith.constant 5 : i32
    %shift_left3A_21 = vector.broadcast %shift_left3A_20 : i32 to vector<16xi32>
    %shift_left3A_22 = arith.shli %shift_right_arithmetic3A_19, %shift_left3A_21 : vector<16xi32>
    %add3A_23 = arith.constant 0 : i32
    %add3A_24 = vector.broadcast %add3A_23 : i32 to vector<16xi32>
    %add3A_25 = arith.addi %shift_left3A_22, %add3A_24 : vector<16xi32>
    %and3A_26 = arith.constant 7 : i32
    %and3A_27 = vector.broadcast %and3A_26 : i32 to vector<16xi32>
    %and3A_28 = arith.andi %add3A_16, %and3A_27 : vector<16xi32>
    %add3A_29 = arith.addi %add3A_25, %and3A_28 : vector<16xi32>
    %add3A_30 = arith.constant 0 : i32
    %add3A_31 = vector.broadcast %add3A_30 : i32 to vector<16xi32>
    %add3A_32 = arith.addi %iota3A, %add3A_31 : vector<16xi32>
    %shift_right_arithmetic3A_33 = arith.constant 3 : i32
    %shift_right_arithmetic3A_34 = vector.broadcast %shift_right_arithmetic3A_33 : i32 to vector<16xi32>
    %shift_right_arithmetic3A_35 = arith.shrsi %add3A_32, %shift_right_arithmetic3A_34 : vector<16xi32>
    %shift_left3A_36 = arith.constant 5 : i32
    %shift_left3A_37 = vector.broadcast %shift_left3A_36 : i32 to vector<16xi32>
    %shift_left3A_38 = arith.shli %shift_right_arithmetic3A_35, %shift_left3A_37 : vector<16xi32>
    %add3A_39 = arith.constant 8 : i32
    %add3A_40 = vector.broadcast %add3A_39 : i32 to vector<16xi32>
    %add3A_41 = arith.addi %shift_left3A_38, %add3A_40 : vector<16xi32>
    %and3A_42 = arith.constant 7 : i32
    %and3A_43 = vector.broadcast %and3A_42 : i32 to vector<16xi32>
    %and3A_44 = arith.andi %add3A_32, %and3A_43 : vector<16xi32>
    %add3A_45 = arith.addi %add3A_41, %and3A_44 : vector<16xi32>
    %add3A_46 = arith.constant 16 : i32
    %add3A_47 = vector.broadcast %add3A_46 : i32 to vector<16xi32>
    %add3A_48 = arith.addi %iota3A, %add3A_47 : vector<16xi32>
    %shift_right_arithmetic3A_49 = arith.constant 3 : i32
    %shift_right_arithmetic3A_50 = vector.broadcast %shift_right_arithmetic3A_49 : i32 to vector<16xi32>
    %shift_right_arithmetic3A_51 = arith.shrsi %add3A_48, %shift_right_arithmetic3A_50 : vector<16xi32>
    %shift_left3A_52 = arith.constant 5 : i32
    %shift_left3A_53 = vector.broadcast %shift_left3A_52 : i32 to vector<16xi32>
    %shift_left3A_54 = arith.shli %shift_right_arithmetic3A_51, %shift_left3A_53 : vector<16xi32>
    %add3A_55 = arith.constant 8 : i32
    %add3A_56 = vector.broadcast %add3A_55 : i32 to vector<16xi32>
    %add3A_57 = arith.addi %shift_left3A_54, %add3A_56 : vector<16xi32>
    %and3A_58 = arith.constant 7 : i32
    %and3A_59 = vector.broadcast %and3A_58 : i32 to vector<16xi32>
    %and3A_60 = arith.andi %add3A_48, %and3A_59 : vector<16xi32>
    %add3A_61 = arith.addi %add3A_57, %and3A_60 : vector<16xi32>
    %add3A_62 = arith.constant 0 : i32
    %add3A_63 = vector.broadcast %add3A_62 : i32 to vector<16xi32>
    %add3A_64 = arith.addi %iota3A, %add3A_63 : vector<16xi32>
    %shift_right_arithmetic3A_65 = arith.constant 3 : i32
    %shift_right_arithmetic3A_66 = vector.broadcast %shift_right_arithmetic3A_65 : i32 to vector<16xi32>
    %shift_right_arithmetic3A_67 = arith.shrsi %add3A_64, %shift_right_arithmetic3A_66 : vector<16xi32>
    %shift_left3A_68 = arith.constant 5 : i32
    %shift_left3A_69 = vector.broadcast %shift_left3A_68 : i32 to vector<16xi32>
    %shift_left3A_70 = arith.shli %shift_right_arithmetic3A_67, %shift_left3A_69 : vector<16xi32>
    %add3A_71 = arith.constant 16 : i32
    %add3A_72 = vector.broadcast %add3A_71 : i32 to vector<16xi32>
    %add3A_73 = arith.addi %shift_left3A_70, %add3A_72 : vector<16xi32>
    %and3A_74 = arith.constant 7 : i32
    %and3A_75 = vector.broadcast %and3A_74 : i32 to vector<16xi32>
    %and3A_76 = arith.andi %add3A_64, %and3A_75 : vector<16xi32>
    %add3A_77 = arith.addi %add3A_73, %and3A_76 : vector<16xi32>
    %add3A_78 = arith.constant 16 : i32
    %add3A_79 = vector.broadcast %add3A_78 : i32 to vector<16xi32>
    %add3A_80 = arith.addi %iota3A, %add3A_79 : vector<16xi32>
    %shift_right_arithmetic3A_81 = arith.constant 3 : i32
    %shift_right_arithmetic3A_82 = vector.broadcast %shift_right_arithmetic3A_81 : i32 to vector<16xi32>
    %shift_right_arithmetic3A_83 = arith.shrsi %add3A_80, %shift_right_arithmetic3A_82 : vector<16xi32>
    %shift_left3A_84 = arith.constant 5 : i32
    %shift_left3A_85 = vector.broadcast %shift_left3A_84 : i32 to vector<16xi32>
    %shift_left3A_86 = arith.shli %shift_right_arithmetic3A_83, %shift_left3A_85 : vector<16xi32>
    %add3A_87 = arith.constant 16 : i32
    %add3A_88 = vector.broadcast %add3A_87 : i32 to vector<16xi32>
    %add3A_89 = arith.addi %shift_left3A_86, %add3A_88 : vector<16xi32>
    %and3A_90 = arith.constant 7 : i32
    %and3A_91 = vector.broadcast %and3A_90 : i32 to vector<16xi32>
    %and3A_92 = arith.andi %add3A_80, %and3A_91 : vector<16xi32>
    %add3A_93 = arith.addi %add3A_89, %and3A_92 : vector<16xi32>
    %add3A_94 = arith.constant 0 : i32
    %add3A_95 = vector.broadcast %add3A_94 : i32 to vector<16xi32>
    %add3A_96 = arith.addi %iota3A, %add3A_95 : vector<16xi32>
    %shift_right_arithmetic3A_97 = arith.constant 3 : i32
    %shift_right_arithmetic3A_98 = vector.broadcast %shift_right_arithmetic3A_97 : i32 to vector<16xi32>
    %shift_right_arithmetic3A_99 = arith.shrsi %add3A_96, %shift_right_arithmetic3A_98 : vector<16xi32>
    %shift_left3A_100 = arith.constant 5 : i32
    %shift_left3A_101 = vector.broadcast %shift_left3A_100 : i32 to vector<16xi32>
    %shift_left3A_102 = arith.shli %shift_right_arithmetic3A_99, %shift_left3A_101 : vector<16xi32>
    %add3A_103 = arith.constant 24 : i32
    %add3A_104 = vector.broadcast %add3A_103 : i32 to vector<16xi32>
    %add3A_105 = arith.addi %shift_left3A_102, %add3A_104 : vector<16xi32>
    %and3A_106 = arith.constant 7 : i32
    %and3A_107 = vector.broadcast %and3A_106 : i32 to vector<16xi32>
    %and3A_108 = arith.andi %add3A_96, %and3A_107 : vector<16xi32>
    %add3A_109 = arith.addi %add3A_105, %and3A_108 : vector<16xi32>
    %add3A_110 = arith.constant 16 : i32
    %add3A_111 = vector.broadcast %add3A_110 : i32 to vector<16xi32>
    %add3A_112 = arith.addi %iota3A, %add3A_111 : vector<16xi32>
    %shift_right_arithmetic3A_113 = arith.constant 3 : i32
    %shift_right_arithmetic3A_114 = vector.broadcast %shift_right_arithmetic3A_113 : i32 to vector<16xi32>
    %shift_right_arithmetic3A_115 = arith.shrsi %add3A_112, %shift_right_arithmetic3A_114 : vector<16xi32>
    %shift_left3A_116 = arith.constant 5 : i32
    %shift_left3A_117 = vector.broadcast %shift_left3A_116 : i32 to vector<16xi32>
    %shift_left3A_118 = arith.shli %shift_right_arithmetic3A_115, %shift_left3A_117 : vector<16xi32>
    %add3A_119 = arith.constant 24 : i32
    %add3A_120 = vector.broadcast %add3A_119 : i32 to vector<16xi32>
    %add3A_121 = arith.addi %shift_left3A_118, %add3A_120 : vector<16xi32>
    %and3A_122 = arith.constant 7 : i32
    %and3A_123 = vector.broadcast %and3A_122 : i32 to vector<16xi32>
    %and3A_124 = arith.andi %add3A_112, %and3A_123 : vector<16xi32>
    %add3A_125 = arith.addi %add3A_121, %and3A_124 : vector<16xi32>
    %mul3A_126 = arith.constant 4 : i32
    %mul3A_127 = arith.muli %add3A, %mul3A_126 : i32
    "tpu.region"() ({
      %run_scoped3A = tpu.sem_alloc : memref<!tpu.dma_semaphore, #tpu.memory_space<semaphore_mem>>
      %dma_start3A_320 = arith.constant 0 : i32
      %dma_start3A_321 = arith.constant 0 : i32
      %dma_start3A_322 = tpu.memref_slice %arg2[%dma_start3A_320, %mul3A_127, %dma_start3A_321] : memref<100x128x128xi32, #tpu.memory_space<hbm>> -> memref<100x4x128xi32, #tpu.memory_space<hbm>>
      %dma_start3A_323 = arith.constant 0 : i32
      %dma_start3A_324 = arith.constant 0 : i32
      %dma_start3A_325 = tpu.memref_slice %arg2[%dma_start3A_323, %mul3A_127, %dma_start3A_324] : memref<100x128x128xi32, #tpu.memory_space<hbm>> -> memref<100x4x128xi32, #tpu.memory_space<hbm>>
      tpu.enqueue_dma source(%dma_start3A_325 : memref<100x4x128xi32, #tpu.memory_space<hbm>>) target(%arg5 : memref<100x4x128xi32, #tpu.memory_space<vmem>>) target_semaphore(%run_scoped3A : memref<!tpu.dma_semaphore, #tpu.memory_space<semaphore_mem>>)
      %dma_wait3A_326 = arith.constant 0 : i32
      %dma_wait3A_327 = arith.constant 0 : i32
      %dma_wait3A_328 = tpu.memref_slice %arg2[%dma_wait3A_326, %mul3A_127, %dma_wait3A_327] : memref<100x128x128xi32, #tpu.memory_space<hbm>> -> memref<100x4x128xi32, #tpu.memory_space<hbm>>
      %dma_wait3A_329 = arith.constant 0 : i32
      %dma_wait3A_330 = arith.constant 0 : i32
      %dma_wait3A_331 = tpu.memref_slice %arg2[%dma_wait3A_329, %mul3A_127, %dma_wait3A_330] : memref<100x128x128xi32, #tpu.memory_space<hbm>> -> memref<100x4x128xi32, #tpu.memory_space<hbm>>
      tpu.wait_dma2 semaphore(%run_scoped3A : memref<!tpu.dma_semaphore, #tpu.memory_space<semaphore_mem>>) src(%dma_wait3A_331 : memref<100x4x128xi32, #tpu.memory_space<hbm>>) dst(%arg5 : memref<100x4x128xi32, #tpu.memory_space<vmem>>)
      tpu.yield
    }) : () -> ()
    %parallel_loop3A = arith.constant 0 : i32
    %parallel_loop3A_128 = arith.constant 32 : i32
    %parallel_loop3A_129 = arith.constant 1 : i32
    scf.for %parallel_loop3A_320 = %parallel_loop3A to %parallel_loop3A_128 step %parallel_loop3A_129  : i32 {
      %parallel_loop3A_321 = arith.constant 3 : i32
      %parallel_loop3A_322 = arith.shrsi %parallel_loop3A_320, %parallel_loop3A_321 : i32
      %parallel_loop3A_323 = arith.constant 7 : i32
      %parallel_loop3A_324 = arith.andi %parallel_loop3A_320, %parallel_loop3A_323 : i32
      %parallel_loop3A_325 = arith.constant 16 : i32
      %parallel_loop3A_326 = arith.muli %parallel_loop3A_324, %parallel_loop3A_325 : i32
      %parallel_loop3A_327 = arith.constant 0 : i32
      %parallel_loop3A_328 = arith.index_cast %parallel_loop3A_327 : i32 to index
      %parallel_loop3A_329 = arith.index_cast %parallel_loop3A_322 : i32 to index
      %parallel_loop3A_330 = arith.index_cast %parallel_loop3A_326 : i32 to index
      %parallel_loop3A_331 = tpu.vector_load %arg5[%parallel_loop3A_328, %parallel_loop3A_329, %parallel_loop3A_330] {strides = array<i32>} : memref<100x4x128xi32, #tpu.memory_space<vmem>>, vector<16xi32>,
      %parallel_loop3A_332 = arith.constant 0 : i32
      %parallel_loop3A_333 = vector.broadcast %parallel_loop3A_332 : i32 to vector<16xi32>
      %parallel_loop3A_334 = arith.addi %parallel_loop3A_331, %parallel_loop3A_333 : vector<16xi32>
      %parallel_loop3A_335 = arith.constant 16 : i32
      %parallel_loop3A_336 = arith.muli %parallel_loop3A_324, %parallel_loop3A_335 : i32
      %parallel_loop3A_337 = arith.constant 0 : i32
      %parallel_loop3A_338 = arith.index_cast %parallel_loop3A_337 : i32 to index
      %parallel_loop3A_339 = arith.index_cast %parallel_loop3A_322 : i32 to index
      %parallel_loop3A_340 = arith.index_cast %parallel_loop3A_336 : i32 to index
      %parallel_loop3A_341 = tpu.vector_load %arg5[%parallel_loop3A_338, %parallel_loop3A_339, %parallel_loop3A_340] {strides = array<i32>} : memref<100x4x128xi32, #tpu.memory_space<vmem>>, vector<16xi32>,
      tpu.vector_store %arg5[%parallel_loop3A_338, %parallel_loop3A_339, %parallel_loop3A_340], %parallel_loop3A_334 {strides = array<i32>} : memref<100x4x128xi32, #tpu.memory_space<vmem>>, vector<16xi32>,
    } {sc.loop_unroll_factor = 8 : i64, sc.parallel_access}
    %dma_start3A = arith.constant 0 : i32
    %dma_start3A_130 = arith.constant 0 : i32
    %dma_start3A_131 = arith.constant 0 : i32
    %dma_start3A_132 = arith.constant 0 : i32
    %dma_start3A_133 = tpu.memref_slice %arg6[%dma_start3A_131, %dma_start3A_132] : memref<512x32xf32, #tpu.memory_space<vmem>> -> memref<128x32xf32, #tpu.memory_space<vmem>>
    %dma_start3A_134 = arith.constant 0 : i32
    %dma_start3A_135 = tpu.memref_slice %arg5[%dma_start3A, %dma_start3A_130, %dma_start3A_134] : memref<100x4x128xi32, #tpu.memory_space<vmem>> -> memref<1x1x128xi32, #tpu.memory_space<vmem>>
    %dma_start3A_136 = tpu.memref_squeeze %dma_start3A_135 : memref<1x1x128xi32, #tpu.memory_space<vmem>> -> memref<128xi32, #tpu.memory_space<vmem>>
    %dma_start3A_137 = arith.constant 0 : i32
    %dma_start3A_138 = arith.constant 0 : i32
    %dma_start3A_139 = tpu.memref_slice %arg3[%dma_start3A_137, %dma_start3A_138] : memref<100000x32xf32, #tpu.memory_space<hbm>> -> memref<100000x32xf32, #tpu.memory_space<hbm>>
    tpu.enqueue_indirect_dma source(%dma_start3A_139 : memref<100000x32xf32, #tpu.memory_space<hbm>>) target(%dma_start3A_133 : memref<128x32xf32, #tpu.memory_space<vmem>>) offsets(%dma_start3A_136 : memref<128xi32, #tpu.memory_space<vmem>>) semaphore(%arg10 : memref<!tpu.dma_semaphore, #tpu.memory_space<semaphore_mem>>)
    %dma_start3A_140 = arith.constant 0 : i32
    %dma_start3A_141 = arith.constant 1 : i32
    %dma_start3A_142 = arith.constant 128 : i32
    %dma_start3A_143 = arith.constant 0 : i32
    %dma_start3A_144 = tpu.memref_slice %arg6[%dma_start3A_142, %dma_start3A_143] : memref<512x32xf32, #tpu.memory_space<vmem>> -> memref<128x32xf32, #tpu.memory_space<vmem>>
    %dma_start3A_145 = arith.constant 0 : i32
    %dma_start3A_146 = tpu.memref_slice %arg5[%dma_start3A_140, %dma_start3A_141, %dma_start3A_145] : memref<100x4x128xi32, #tpu.memory_space<vmem>> -> memref<1x1x128xi32, #tpu.memory_space<vmem>>
    %dma_start3A_147 = tpu.memref_squeeze %dma_start3A_146 : memref<1x1x128xi32, #tpu.memory_space<vmem>> -> memref<128xi32, #tpu.memory_space<vmem>>
    %dma_start3A_148 = arith.constant 0 : i32
    %dma_start3A_149 = arith.constant 0 : i32
    %dma_start3A_150 = tpu.memref_slice %arg3[%dma_start3A_148, %dma_start3A_149] : memref<100000x32xf32, #tpu.memory_space<hbm>> -> memref<100000x32xf32, #tpu.memory_space<hbm>>
    tpu.enqueue_indirect_dma source(%dma_start3A_150 : memref<100000x32xf32, #tpu.memory_space<hbm>>) target(%dma_start3A_144 : memref<128x32xf32, #tpu.memory_space<vmem>>) offsets(%dma_start3A_147 : memref<128xi32, #tpu.memory_space<vmem>>) semaphore(%arg10 : memref<!tpu.dma_semaphore, #tpu.memory_space<semaphore_mem>>)
    %dma_start3A_151 = arith.constant 0 : i32
    %dma_start3A_152 = arith.constant 2 : i32
    %dma_start3A_153 = arith.constant 256 : i32
    %dma_start3A_154 = arith.constant 0 : i32
    %dma_start3A_155 = tpu.memref_slice %arg6[%dma_start3A_153, %dma_start3A_154] : memref<512x32xf32, #tpu.memory_space<vmem>> -> memref<128x32xf32, #tpu.memory_space<vmem>>
    %dma_start3A_156 = arith.constant 0 : i32
    %dma_start3A_157 = tpu.memref_slice %arg5[%dma_start3A_151, %dma_start3A_152, %dma_start3A_156] : memref<100x4x128xi32, #tpu.memory_space<vmem>> -> memref<1x1x128xi32, #tpu.memory_space<vmem>>
    %dma_start3A_158 = tpu.memref_squeeze %dma_start3A_157 : memref<1x1x128xi32, #tpu.memory_space<vmem>> -> memref<128xi32, #tpu.memory_space<vmem>>
    %dma_start3A_159 = arith.constant 0 : i32
    %dma_start3A_160 = arith.constant 0 : i32
    %dma_start3A_161 = tpu.memref_slice %arg3[%dma_start3A_159, %dma_start3A_160] : memref<100000x32xf32, #tpu.memory_space<hbm>> -> memref<100000x32xf32, #tpu.memory_space<hbm>>
    tpu.enqueue_indirect_dma source(%dma_start3A_161 : memref<100000x32xf32, #tpu.memory_space<hbm>>) target(%dma_start3A_155 : memref<128x32xf32, #tpu.memory_space<vmem>>) offsets(%dma_start3A_158 : memref<128xi32, #tpu.memory_space<vmem>>) semaphore(%arg10 : memref<!tpu.dma_semaphore, #tpu.memory_space<semaphore_mem>>)
    %dma_start3A_162 = arith.constant 0 : i32
    %dma_start3A_163 = arith.constant 3 : i32
    %dma_start3A_164 = arith.constant 384 : i32
    %dma_start3A_165 = arith.constant 0 : i32
    %dma_start3A_166 = tpu.memref_slice %arg6[%dma_start3A_164, %dma_start3A_165] : memref<512x32xf32, #tpu.memory_space<vmem>> -> memref<128x32xf32, #tpu.memory_space<vmem>>
    %dma_start3A_167 = arith.constant 0 : i32
    %dma_start3A_168 = tpu.memref_slice %arg5[%dma_start3A_162, %dma_start3A_163, %dma_start3A_167] : memref<100x4x128xi32, #tpu.memory_space<vmem>> -> memref<1x1x128xi32, #tpu.memory_space<vmem>>
    %dma_start3A_169 = tpu.memref_squeeze %dma_start3A_168 : memref<1x1x128xi32, #tpu.memory_space<vmem>> -> memref<128xi32, #tpu.memory_space<vmem>>
    %dma_start3A_170 = arith.constant 0 : i32
    %dma_start3A_171 = arith.constant 0 : i32
    %dma_start3A_172 = tpu.memref_slice %arg3[%dma_start3A_170, %dma_start3A_171] : memref<100000x32xf32, #tpu.memory_space<hbm>> -> memref<100000x32xf32, #tpu.memory_space<hbm>>
    tpu.enqueue_indirect_dma source(%dma_start3A_172 : memref<100000x32xf32, #tpu.memory_space<hbm>>) target(%dma_start3A_166 : memref<128x32xf32, #tpu.memory_space<vmem>>) offsets(%dma_start3A_169 : memref<128xi32, #tpu.memory_space<vmem>>) semaphore(%arg10 : memref<!tpu.dma_semaphore, #tpu.memory_space<semaphore_mem>>)
    %scan3A = arith.constant 0 : i32
    %scan3A_173 = arith.constant 50 : i32
    %scan3A_174 = arith.addi %scan3A, %scan3A_173 : i32
    %scan3A_175 = arith.constant 1 : i32
    scf.for %scan3A_320 = %scan3A to %scan3A_174 step %scan3A_175  : i32 {
      %mul3A_321 = arith.constant 2 : i32
      %mul3A_322 = arith.muli %scan3A_320, %mul3A_321 : i32
      %add3A_323 = arith.constant 0 : i32
      %add3A_324 = arith.addi %add3A_323, %mul3A_322 : i32
      %add3A_325 = arith.constant 1 : i32
      %add3A_326 = arith.addi %add3A_324, %add3A_325 : i32
      %mul3A_327 = arith.constant 1000 : i32
      %mul3A_328 = arith.muli %add3A_326, %mul3A_327 : i32
      %parallel_loop3A_329 = arith.constant 0 : i32
      %parallel_loop3A_330 = arith.constant 32 : i32
      %parallel_loop3A_331 = arith.constant 1 : i32
      scf.for %parallel_loop3A_637 = %parallel_loop3A_329 to %parallel_loop3A_330 step %parallel_loop3A_331  : i32 {
        %parallel_loop3A_638 = arith.constant 3 : i32
        %parallel_loop3A_639 = arith.shrsi %parallel_loop3A_637, %parallel_loop3A_638 : i32
        %parallel_loop3A_640 = arith.constant 7 : i32
        %parallel_loop3A_641 = arith.andi %parallel_loop3A_637, %parallel_loop3A_640 : i32
        %parallel_loop3A_642 = arith.constant 16 : i32
        %parallel_loop3A_643 = arith.muli %parallel_loop3A_641, %parallel_loop3A_642 : i32
        %parallel_loop3A_644 = arith.index_cast %add3A_326 : i32 to index
        %parallel_loop3A_645 = arith.index_cast %parallel_loop3A_639 : i32 to index
        %parallel_loop3A_646 = arith.index_cast %parallel_loop3A_643 : i32 to index
        %parallel_loop3A_647 = tpu.vector_load %arg5[%parallel_loop3A_644, %parallel_loop3A_645, %parallel_loop3A_646] {strides = array<i32>} : memref<100x4x128xi32, #tpu.memory_space<vmem>>, vector<16xi32>,
        %parallel_loop3A_648 = vector.broadcast %mul3A_328 : i32 to vector<16xi32>
        %parallel_loop3A_649 = arith.addi %parallel_loop3A_647, %parallel_loop3A_648 : vector<16xi32>
        %parallel_loop3A_650 = arith.constant 16 : i32
        %parallel_loop3A_651 = arith.muli %parallel_loop3A_641, %parallel_loop3A_650 : i32
        %parallel_loop3A_652 = arith.index_cast %add3A_326 : i32 to index
        %parallel_loop3A_653 = arith.index_cast %parallel_loop3A_639 : i32 to index
        %parallel_loop3A_654 = arith.index_cast %parallel_loop3A_651 : i32 to index
        %parallel_loop3A_655 = tpu.vector_load %arg5[%parallel_loop3A_652, %parallel_loop3A_653, %parallel_loop3A_654] {strides = array<i32>} : memref<100x4x128xi32, #tpu.memory_space<vmem>>, vector<16xi32>,
        tpu.vector_store %arg5[%parallel_loop3A_652, %parallel_loop3A_653, %parallel_loop3A_654], %parallel_loop3A_649 {strides = array<i32>} : memref<100x4x128xi32, #tpu.memory_space<vmem>>, vector<16xi32>,
      } {sc.loop_unroll_factor = 8 : i64, sc.parallel_access}
      %add3A_332 = arith.constant 1 : i32
      %add3A_333 = arith.addi %add3A_324, %add3A_332 : i32
      %dma_start3A_334 = arith.constant 0 : i32
      %dma_start3A_335 = arith.constant 0 : i32
      %dma_start3A_336 = arith.constant 0 : i32
      %dma_start3A_337 = tpu.memref_slice %arg7[%dma_start3A_335, %dma_start3A_336] : memref<512x32xf32, #tpu.memory_space<vmem>> -> memref<128x32xf32, #tpu.memory_space<vmem>>
      %dma_start3A_338 = arith.constant 0 : i32
      %dma_start3A_339 = tpu.memref_slice %arg5[%add3A_333, %dma_start3A_334, %dma_start3A_338] : memref<100x4x128xi32, #tpu.memory_space<vmem>> -> memref<1x1x128xi32, #tpu.memory_space<vmem>>
      %dma_start3A_340 = tpu.memref_squeeze %dma_start3A_339 : memref<1x1x128xi32, #tpu.memory_space<vmem>> -> memref<128xi32, #tpu.memory_space<vmem>>
      %dma_start3A_341 = arith.constant 0 : i32
      %dma_start3A_342 = arith.constant 0 : i32
      %dma_start3A_343 = tpu.memref_slice %arg3[%dma_start3A_341, %dma_start3A_342] : memref<100000x32xf32, #tpu.memory_space<hbm>> -> memref<100000x32xf32, #tpu.memory_space<hbm>>
      tpu.enqueue_indirect_dma source(%dma_start3A_343 : memref<100000x32xf32, #tpu.memory_space<hbm>>) target(%dma_start3A_337 : memref<128x32xf32, #tpu.memory_space<vmem>>) offsets(%dma_start3A_340 : memref<128xi32, #tpu.memory_space<vmem>>) semaphore(%arg11 : memref<!tpu.dma_semaphore, #tpu.memory_space<semaphore_mem>>)
      %dma_start3A_344 = arith.constant 1 : i32
      %dma_start3A_345 = arith.constant 128 : i32
      %dma_start3A_346 = arith.constant 0 : i32
      %dma_start3A_347 = tpu.memref_slice %arg7[%dma_start3A_345, %dma_start3A_346] : memref<512x32xf32, #tpu.memory_space<vmem>> -> memref<128x32xf32, #tpu.memory_space<vmem>>
      %dma_start3A_348 = arith.constant 0 : i32
      %dma_start3A_349 = tpu.memref_slice %arg5[%add3A_333, %dma_start3A_344, %dma_start3A_348] : memref<100x4x128xi32, #tpu.memory_space<vmem>> -> memref<1x1x128xi32, #tpu.memory_space<vmem>>
      %dma_start3A_350 = tpu.memref_squeeze %dma_start3A_349 : memref<1x1x128xi32, #tpu.memory_space<vmem>> -> memref<128xi32, #tpu.memory_space<vmem>>
      %dma_start3A_351 = arith.constant 0 : i32
      %dma_start3A_352 = arith.constant 0 : i32
      %dma_start3A_353 = tpu.memref_slice %arg3[%dma_start3A_351, %dma_start3A_352] : memref<100000x32xf32, #tpu.memory_space<hbm>> -> memref<100000x32xf32, #tpu.memory_space<hbm>>
      tpu.enqueue_indirect_dma source(%dma_start3A_353 : memref<100000x32xf32, #tpu.memory_space<hbm>>) target(%dma_start3A_347 : memref<128x32xf32, #tpu.memory_space<vmem>>) offsets(%dma_start3A_350 : memref<128xi32, #tpu.memory_space<vmem>>) semaphore(%arg11 : memref<!tpu.dma_semaphore, #tpu.memory_space<semaphore_mem>>)
      %dma_start3A_354 = arith.constant 2 : i32
      %dma_start3A_355 = arith.constant 256 : i32
      %dma_start3A_356 = arith.constant 0 : i32
      %dma_start3A_357 = tpu.memref_slice %arg7[%dma_start3A_355, %dma_start3A_356] : memref<512x32xf32, #tpu.memory_space<vmem>> -> memref<128x32xf32, #tpu.memory_space<vmem>>
      %dma_start3A_358 = arith.constant 0 : i32
      %dma_start3A_359 = tpu.memref_slice %arg5[%add3A_333, %dma_start3A_354, %dma_start3A_358] : memref<100x4x128xi32, #tpu.memory_space<vmem>> -> memref<1x1x128xi32, #tpu.memory_space<vmem>>
      %dma_start3A_360 = tpu.memref_squeeze %dma_start3A_359 : memref<1x1x128xi32, #tpu.memory_space<vmem>> -> memref<128xi32, #tpu.memory_space<vmem>>
      %dma_start3A_361 = arith.constant 0 : i32
      %dma_start3A_362 = arith.constant 0 : i32
      %dma_start3A_363 = tpu.memref_slice %arg3[%dma_start3A_361, %dma_start3A_362] : memref<100000x32xf32, #tpu.memory_space<hbm>> -> memref<100000x32xf32, #tpu.memory_space<hbm>>
      tpu.enqueue_indirect_dma source(%dma_start3A_363 : memref<100000x32xf32, #tpu.memory_space<hbm>>) target(%dma_start3A_357 : memref<128x32xf32, #tpu.memory_space<vmem>>) offsets(%dma_start3A_360 : memref<128xi32, #tpu.memory_space<vmem>>) semaphore(%arg11 : memref<!tpu.dma_semaphore, #tpu.memory_space<semaphore_mem>>)
      %dma_start3A_364 = arith.constant 3 : i32
      %dma_start3A_365 = arith.constant 384 : i32
      %dma_start3A_366 = arith.constant 0 : i32
      %dma_start3A_367 = tpu.memref_slice %arg7[%dma_start3A_365, %dma_start3A_366] : memref<512x32xf32, #tpu.memory_space<vmem>> -> memref<128x32xf32, #tpu.memory_space<vmem>>
      %dma_start3A_368 = arith.constant 0 : i32
      %dma_start3A_369 = tpu.memref_slice %arg5[%add3A_333, %dma_start3A_364, %dma_start3A_368] : memref<100x4x128xi32, #tpu.memory_space<vmem>> -> memref<1x1x128xi32, #tpu.memory_space<vmem>>
      %dma_start3A_370 = tpu.memref_squeeze %dma_start3A_369 : memref<1x1x128xi32, #tpu.memory_space<vmem>> -> memref<128xi32, #tpu.memory_space<vmem>>
      %dma_start3A_371 = arith.constant 0 : i32
      %dma_start3A_372 = arith.constant 0 : i32
      %dma_start3A_373 = tpu.memref_slice %arg3[%dma_start3A_371, %dma_start3A_372] : memref<100000x32xf32, #tpu.memory_space<hbm>> -> memref<100000x32xf32, #tpu.memory_space<hbm>>
      tpu.enqueue_indirect_dma source(%dma_start3A_373 : memref<100000x32xf32, #tpu.memory_space<hbm>>) target(%dma_start3A_367 : memref<128x32xf32, #tpu.memory_space<vmem>>) offsets(%dma_start3A_370 : memref<128xi32, #tpu.memory_space<vmem>>) semaphore(%arg11 : memref<!tpu.dma_semaphore, #tpu.memory_space<semaphore_mem>>)
      %dma_wait3A_374 = arith.constant 0 : i32
      %dma_wait3A_375 = arith.constant 0 : i32
      %dma_wait3A_376 = arith.constant 0 : i32
      %dma_wait3A_377 = arith.constant 0 : i32
      %dma_wait3A_378 = tpu.memref_slice %arg6[%dma_wait3A_376, %dma_wait3A_377] : memref<512x32xf32, #tpu.memory_space<vmem>> -> memref<128x32xf32, #tpu.memory_space<vmem>>
      %dma_wait3A_379 = arith.constant 0 : i32
      %dma_wait3A_380 = tpu.memref_slice %arg5[%dma_wait3A_374, %dma_wait3A_375, %dma_wait3A_379] : memref<100x4x128xi32, #tpu.memory_space<vmem>> -> memref<1x1x128xi32, #tpu.memory_space<vmem>>
      %dma_wait3A_381 = tpu.memref_squeeze %dma_wait3A_380 : memref<1x1x128xi32, #tpu.memory_space<vmem>> -> memref<128xi32, #tpu.memory_space<vmem>>
      %dma_wait3A_382 = arith.constant 0 : i32
      %dma_wait3A_383 = arith.constant 0 : i32
      %dma_wait3A_384 = tpu.memref_slice %arg3[%dma_wait3A_382, %dma_wait3A_383] : memref<100000x32xf32, #tpu.memory_space<hbm>> -> memref<100000x32xf32, #tpu.memory_space<hbm>>
      tpu.wait_indirect_dma semaphore(%arg10 : memref<!tpu.dma_semaphore, #tpu.memory_space<semaphore_mem>>) src(%dma_wait3A_384 : memref<100000x32xf32, #tpu.memory_space<hbm>>) dst(%dma_wait3A_378 : memref<128x32xf32, #tpu.memory_space<vmem>>)
      %dma_wait3A_385 = arith.constant 0 : i32
      %dma_wait3A_386 = arith.constant 1 : i32
      %dma_wait3A_387 = arith.constant 128 : i32
      %dma_wait3A_388 = arith.constant 0 : i32
      %dma_wait3A_389 = tpu.memref_slice %arg6[%dma_wait3A_387, %dma_wait3A_388] : memref<512x32xf32, #tpu.memory_space<vmem>> -> memref<128x32xf32, #tpu.memory_space<vmem>>
      %dma_wait3A_390 = arith.constant 0 : i32
      %dma_wait3A_391 = tpu.memref_slice %arg5[%dma_wait3A_385, %dma_wait3A_386, %dma_wait3A_390] : memref<100x4x128xi32, #tpu.memory_space<vmem>> -> memref<1x1x128xi32, #tpu.memory_space<vmem>>
      %dma_wait3A_392 = tpu.memref_squeeze %dma_wait3A_391 : memref<1x1x128xi32, #tpu.memory_space<vmem>> -> memref<128xi32, #tpu.memory_space<vmem>>
      %dma_wait3A_393 = arith.constant 0 : i32
      %dma_wait3A_394 = arith.constant 0 : i32
      %dma_wait3A_395 = tpu.memref_slice %arg3[%dma_wait3A_393, %dma_wait3A_394] : memref<100000x32xf32, #tpu.memory_space<hbm>> -> memref<100000x32xf32, #tpu.memory_space<hbm>>
      tpu.wait_indirect_dma semaphore(%arg10 : memref<!tpu.dma_semaphore, #tpu.memory_space<semaphore_mem>>) src(%dma_wait3A_395 : memref<100000x32xf32, #tpu.memory_space<hbm>>) dst(%dma_wait3A_389 : memref<128x32xf32, #tpu.memory_space<vmem>>)
      %dma_wait3A_396 = arith.constant 0 : i32
      %dma_wait3A_397 = arith.constant 2 : i32
      %dma_wait3A_398 = arith.constant 256 : i32
      %dma_wait3A_399 = arith.constant 0 : i32
      %dma_wait3A_400 = tpu.memref_slice %arg6[%dma_wait3A_398, %dma_wait3A_399] : memref<512x32xf32, #tpu.memory_space<vmem>> -> memref<128x32xf32, #tpu.memory_space<vmem>>
      %dma_wait3A_401 = arith.constant 0 : i32
      %dma_wait3A_402 = tpu.memref_slice %arg5[%dma_wait3A_396, %dma_wait3A_397, %dma_wait3A_401] : memref<100x4x128xi32, #tpu.memory_space<vmem>> -> memref<1x1x128xi32, #tpu.memory_space<vmem>>
      %dma_wait3A_403 = tpu.memref_squeeze %dma_wait3A_402 : memref<1x1x128xi32, #tpu.memory_space<vmem>> -> memref<128xi32, #tpu.memory_space<vmem>>
      %dma_wait3A_404 = arith.constant 0 : i32
      %dma_wait3A_405 = arith.constant 0 : i32
      %dma_wait3A_406 = tpu.memref_slice %arg3[%dma_wait3A_404, %dma_wait3A_405] : memref<100000x32xf32, #tpu.memory_space<hbm>> -> memref<100000x32xf32, #tpu.memory_space<hbm>>
      tpu.wait_indirect_dma semaphore(%arg10 : memref<!tpu.dma_semaphore, #tpu.memory_space<semaphore_mem>>) src(%dma_wait3A_406 : memref<100000x32xf32, #tpu.memory_space<hbm>>) dst(%dma_wait3A_400 : memref<128x32xf32, #tpu.memory_space<vmem>>)
      %dma_wait3A_407 = arith.constant 0 : i32
      %dma_wait3A_408 = arith.constant 3 : i32
      %dma_wait3A_409 = arith.constant 384 : i32
      %dma_wait3A_410 = arith.constant 0 : i32
      %dma_wait3A_411 = tpu.memref_slice %arg6[%dma_wait3A_409, %dma_wait3A_410] : memref<512x32xf32, #tpu.memory_space<vmem>> -> memref<128x32xf32, #tpu.memory_space<vmem>>
      %dma_wait3A_412 = arith.constant 0 : i32
      %dma_wait3A_413 = tpu.memref_slice %arg5[%dma_wait3A_407, %dma_wait3A_408, %dma_wait3A_412] : memref<100x4x128xi32, #tpu.memory_space<vmem>> -> memref<1x1x128xi32, #tpu.memory_space<vmem>>
      %dma_wait3A_414 = tpu.memref_squeeze %dma_wait3A_413 : memref<1x1x128xi32, #tpu.memory_space<vmem>> -> memref<128xi32, #tpu.memory_space<vmem>>
      %dma_wait3A_415 = arith.constant 0 : i32
      %dma_wait3A_416 = arith.constant 0 : i32
      %dma_wait3A_417 = tpu.memref_slice %arg3[%dma_wait3A_415, %dma_wait3A_416] : memref<100000x32xf32, #tpu.memory_space<hbm>> -> memref<100000x32xf32, #tpu.memory_space<hbm>>
      tpu.wait_indirect_dma semaphore(%arg10 : memref<!tpu.dma_semaphore, #tpu.memory_space<semaphore_mem>>) src(%dma_wait3A_417 : memref<100000x32xf32, #tpu.memory_space<hbm>>) dst(%dma_wait3A_411 : memref<128x32xf32, #tpu.memory_space<vmem>>)
      %gt3A = arith.constant 0 : i32
      %gt3A_418 = arith.cmpi sgt, %add3A_324, %gt3A : i32
      %convert_element_type3A = arith.extui %gt3A_418 : i1 to i32
      %cond3A = arith.constant 0 : i32
      %cond3A_419 = arith.cmpi ne, %convert_element_type3A, %cond3A : i32
      scf.if %cond3A_419 {
        %mul3A_637 = arith.constant 4 : i32
        %mul3A_638 = arith.muli %add3A, %mul3A_637 : i32
        %mul3A_639 = arith.constant 8 : i32
        %mul3A_640 = arith.muli %mul3A_638, %mul3A_639 : i32
        %dma_wait3A_641 = arith.constant 0 : i32
        %dma_wait3A_642 = arith.constant 0 : i32
        %dma_wait3A_643 = arith.constant 0 : i32
        %dma_wait3A_644 = arith.constant 0 : i32
        %dma_wait3A_645 = tpu.memref_slice %arg8[%dma_wait3A_643, %dma_wait3A_644] : memref<128x129xf32, #tpu.memory_space<vmem>> -> memref<32x128xf32, #tpu.memory_space<vmem>>
        %dma_wait3A_646 = arith.constant 0 : i32
        %dma_wait3A_647 = tpu.memref_slice %arg4[%dma_wait3A_641, %dma_wait3A_642, %mul3A_640, %dma_wait3A_646] : memref<100x4x1024x128xf32, #tpu.memory_space<hbm>> -> memref<1x1x32x128xf32, #tpu.memory_space<hbm>>
        %dma_wait3A_648 = tpu.memref_squeeze %dma_wait3A_647 : memref<1x1x32x128xf32, #tpu.memory_space<hbm>> -> memref<32x128xf32, #tpu.memory_space<hbm>>
        %dma_wait3A_649 = arith.constant 0 : i32
        %dma_wait3A_650 = tpu.memref_slice %arg4[%dma_wait3A_641, %dma_wait3A_642, %mul3A_640, %dma_wait3A_649] : memref<100x4x1024x128xf32, #tpu.memory_space<hbm>> -> memref<1x1x32x128xf32, #tpu.memory_space<hbm>>
        %dma_wait3A_651 = tpu.memref_squeeze %dma_wait3A_650 : memref<1x1x32x128xf32, #tpu.memory_space<hbm>> -> memref<32x128xf32, #tpu.memory_space<hbm>>
        %dma_wait3A_652 = arith.constant 0 : i32
        %dma_wait3A_653 = arith.constant 0 : i32
        %dma_wait3A_654 = tpu.memref_slice %arg8[%dma_wait3A_652, %dma_wait3A_653] : memref<128x129xf32, #tpu.memory_space<vmem>> -> memref<32x128xf32, #tpu.memory_space<vmem>>
        tpu.wait_dma2 semaphore(%arg12 : memref<!tpu.dma_semaphore, #tpu.memory_space<semaphore_mem>>) src(%dma_wait3A_654 : memref<32x128xf32, #tpu.memory_space<vmem>>) dst(%dma_wait3A_651 : memref<32x128xf32, #tpu.memory_space<hbm>>)
        %mul3A_655 = arith.constant 4 : i32
        %mul3A_656 = arith.muli %add3A, %mul3A_655 : i32
        %mul3A_657 = arith.constant 8 : i32
        %mul3A_658 = arith.muli %mul3A_656, %mul3A_657 : i32
        %dma_wait3A_659 = arith.constant 0 : i32
        %dma_wait3A_660 = arith.constant 1 : i32
        %dma_wait3A_661 = arith.constant 32 : i32
        %dma_wait3A_662 = arith.constant 0 : i32
        %dma_wait3A_663 = tpu.memref_slice %arg8[%dma_wait3A_661, %dma_wait3A_662] : memref<128x129xf32, #tpu.memory_space<vmem>> -> memref<32x128xf32, #tpu.memory_space<vmem>>
        %dma_wait3A_664 = arith.constant 0 : i32
        %dma_wait3A_665 = tpu.memref_slice %arg4[%dma_wait3A_659, %dma_wait3A_660, %mul3A_658, %dma_wait3A_664] : memref<100x4x1024x128xf32, #tpu.memory_space<hbm>> -> memref<1x1x32x128xf32, #tpu.memory_space<hbm>>
        %dma_wait3A_666 = tpu.memref_squeeze %dma_wait3A_665 : memref<1x1x32x128xf32, #tpu.memory_space<hbm>> -> memref<32x128xf32, #tpu.memory_space<hbm>>
        %dma_wait3A_667 = arith.constant 0 : i32
        %dma_wait3A_668 = tpu.memref_slice %arg4[%dma_wait3A_659, %dma_wait3A_660, %mul3A_658, %dma_wait3A_667] : memref<100x4x1024x128xf32, #tpu.memory_space<hbm>> -> memref<1x1x32x128xf32, #tpu.memory_space<hbm>>
        %dma_wait3A_669 = tpu.memref_squeeze %dma_wait3A_668 : memref<1x1x32x128xf32, #tpu.memory_space<hbm>> -> memref<32x128xf32, #tpu.memory_space<hbm>>
        %dma_wait3A_670 = arith.constant 32 : i32
        %dma_wait3A_671 = arith.constant 0 : i32
        %dma_wait3A_672 = tpu.memref_slice %arg8[%dma_wait3A_670, %dma_wait3A_671] : memref<128x129xf32, #tpu.memory_space<vmem>> -> memref<32x128xf32, #tpu.memory_space<vmem>>
        tpu.wait_dma2 semaphore(%arg12 : memref<!tpu.dma_semaphore, #tpu.memory_space<semaphore_mem>>) src(%dma_wait3A_672 : memref<32x128xf32, #tpu.memory_space<vmem>>) dst(%dma_wait3A_669 : memref<32x128xf32, #tpu.memory_space<hbm>>)
        %mul3A_673 = arith.constant 4 : i32
        %mul3A_674 = arith.muli %add3A, %mul3A_673 : i32
        %mul3A_675 = arith.constant 8 : i32
        %mul3A_676 = arith.muli %mul3A_674, %mul3A_675 : i32
        %dma_wait3A_677 = arith.constant 0 : i32
        %dma_wait3A_678 = arith.constant 2 : i32
        %dma_wait3A_679 = arith.constant 64 : i32
        %dma_wait3A_680 = arith.constant 0 : i32
        %dma_wait3A_681 = tpu.memref_slice %arg8[%dma_wait3A_679, %dma_wait3A_680] : memref<128x129xf32, #tpu.memory_space<vmem>> -> memref<32x128xf32, #tpu.memory_space<vmem>>
        %dma_wait3A_682 = arith.constant 0 : i32
        %dma_wait3A_683 = tpu.memref_slice %arg4[%dma_wait3A_677, %dma_wait3A_678, %mul3A_676, %dma_wait3A_682] : memref<100x4x1024x128xf32, #tpu.memory_space<hbm>> -> memref<1x1x32x128xf32, #tpu.memory_space<hbm>>
        %dma_wait3A_684 = tpu.memref_squeeze %dma_wait3A_683 : memref<1x1x32x128xf32, #tpu.memory_space<hbm>> -> memref<32x128xf32, #tpu.memory_space<hbm>>
        %dma_wait3A_685 = arith.constant 0 : i32
        %dma_wait3A_686 = tpu.memref_slice %arg4[%dma_wait3A_677, %dma_wait3A_678, %mul3A_676, %dma_wait3A_685] : memref<100x4x1024x128xf32, #tpu.memory_space<hbm>> -> memref<1x1x32x128xf32, #tpu.memory_space<hbm>>
        %dma_wait3A_687 = tpu.memref_squeeze %dma_wait3A_686 : memref<1x1x32x128xf32, #tpu.memory_space<hbm>> -> memref<32x128xf32, #tpu.memory_space<hbm>>
        %dma_wait3A_688 = arith.constant 64 : i32
        %dma_wait3A_689 = arith.constant 0 : i32
        %dma_wait3A_690 = tpu.memref_slice %arg8[%dma_wait3A_688, %dma_wait3A_689] : memref<128x129xf32, #tpu.memory_space<vmem>> -> memref<32x128xf32, #tpu.memory_space<vmem>>
        tpu.wait_dma2 semaphore(%arg12 : memref<!tpu.dma_semaphore, #tpu.memory_space<semaphore_mem>>) src(%dma_wait3A_690 : memref<32x128xf32, #tpu.memory_space<vmem>>) dst(%dma_wait3A_687 : memref<32x128xf32, #tpu.memory_space<hbm>>)
        %mul3A_691 = arith.constant 4 : i32
        %mul3A_692 = arith.muli %add3A, %mul3A_691 : i32
        %mul3A_693 = arith.constant 8 : i32
        %mul3A_694 = arith.muli %mul3A_692, %mul3A_693 : i32
        %dma_wait3A_695 = arith.constant 0 : i32
        %dma_wait3A_696 = arith.constant 3 : i32
        %dma_wait3A_697 = arith.constant 96 : i32
        %dma_wait3A_698 = arith.constant 0 : i32
        %dma_wait3A_699 = tpu.memref_slice %arg8[%dma_wait3A_697, %dma_wait3A_698] : memref<128x129xf32, #tpu.memory_space<vmem>> -> memref<32x128xf32, #tpu.memory_space<vmem>>
        %dma_wait3A_700 = arith.constant 0 : i32
        %dma_wait3A_701 = tpu.memref_slice %arg4[%dma_wait3A_695, %dma_wait3A_696, %mul3A_694, %dma_wait3A_700] : memref<100x4x1024x128xf32, #tpu.memory_space<hbm>> -> memref<1x1x32x128xf32, #tpu.memory_space<hbm>>
        %dma_wait3A_702 = tpu.memref_squeeze %dma_wait3A_701 : memref<1x1x32x128xf32, #tpu.memory_space<hbm>> -> memref<32x128xf32, #tpu.memory_space<hbm>>
        %dma_wait3A_703 = arith.constant 0 : i32
        %dma_wait3A_704 = tpu.memref_slice %arg4[%dma_wait3A_695, %dma_wait3A_696, %mul3A_694, %dma_wait3A_703] : memref<100x4x1024x128xf32, #tpu.memory_space<hbm>> -> memref<1x1x32x128xf32, #tpu.memory_space<hbm>>
        %dma_wait3A_705 = tpu.memref_squeeze %dma_wait3A_704 : memref<1x1x32x128xf32, #tpu.memory_space<hbm>> -> memref<32x128xf32, #tpu.memory_space<hbm>>
        %dma_wait3A_706 = arith.constant 96 : i32
        %dma_wait3A_707 = arith.constant 0 : i32
        %dma_wait3A_708 = tpu.memref_slice %arg8[%dma_wait3A_706, %dma_wait3A_707] : memref<128x129xf32, #tpu.memory_space<vmem>> -> memref<32x128xf32, #tpu.memory_space<vmem>>
        tpu.wait_dma2 semaphore(%arg12 : memref<!tpu.dma_semaphore, #tpu.memory_space<semaphore_mem>>) src(%dma_wait3A_708 : memref<32x128xf32, #tpu.memory_space<vmem>>) dst(%dma_wait3A_705 : memref<32x128xf32, #tpu.memory_space<hbm>>)
      } else {
      }
      %parallel_loop3A_420 = arith.constant 0 : i32
      %parallel_loop3A_421 = arith.constant 128 : i32
      %parallel_loop3A_422 = arith.constant 1 : i32
      scf.for %parallel_loop3A_637 = %parallel_loop3A_420 to %parallel_loop3A_421 step %parallel_loop3A_422  : i32 {
        %parallel_loop3A_638 = arith.constant 0 : i32
        %parallel_loop3A_639 = arith.addi %parallel_loop3A_638, %parallel_loop3A_637 : i32
        %parallel_loop3A_640 = arith.constant 0 : i32
        %parallel_loop3A_641 = vector.broadcast %parallel_loop3A_640 : i32 to vector<16xi32>
        %parallel_loop3A_642 = vector.broadcast %parallel_loop3A_637 : i32 to vector<16xi32>
        %parallel_loop3A_643 = arith.addi %parallel_loop3A_641, %parallel_loop3A_642 : vector<16xi32>
        %parallel_loop3A_644 = arith.index_cast %parallel_loop3A_639 : i32 to index
        %parallel_loop3A_645 = arith.constant 0 : index
        %parallel_loop3A_646 = tpu.vector_load %arg6[%parallel_loop3A_644, %parallel_loop3A_645] {strides = array<i32>} : memref<512x32xf32, #tpu.memory_space<vmem>>, vector<16xf32>,
        tpu.vector_store_idx %arg8[%add3A_13, %parallel_loop3A_643], %parallel_loop3A_646 : memref<128x129xf32, #tpu.memory_space<vmem>>[vector<16xi32>, vector<16xi32>], vector<16xf32>,
        %parallel_loop3A_647 = arith.index_cast %parallel_loop3A_639 : i32 to index
        %parallel_loop3A_648 = arith.constant 16 : index
        %parallel_loop3A_649 = tpu.vector_load %arg6[%parallel_loop3A_647, %parallel_loop3A_648] {strides = array<i32>} : memref<512x32xf32, #tpu.memory_space<vmem>>, vector<16xf32>,
        tpu.vector_store_idx %arg8[%add3A_29, %parallel_loop3A_643], %parallel_loop3A_649 : memref<128x129xf32, #tpu.memory_space<vmem>>[vector<16xi32>, vector<16xi32>], vector<16xf32>,
      } {sc.loop_unroll_factor = 8 : i64, sc.parallel_access}
      %parallel_loop3A_423 = arith.constant 0 : i32
      %parallel_loop3A_424 = arith.constant 128 : i32
      %parallel_loop3A_425 = arith.constant 1 : i32
      scf.for %parallel_loop3A_637 = %parallel_loop3A_423 to %parallel_loop3A_424 step %parallel_loop3A_425  : i32 {
        %parallel_loop3A_638 = arith.constant 128 : i32
        %parallel_loop3A_639 = arith.addi %parallel_loop3A_638, %parallel_loop3A_637 : i32
        %parallel_loop3A_640 = arith.constant 0 : i32
        %parallel_loop3A_641 = vector.broadcast %parallel_loop3A_640 : i32 to vector<16xi32>
        %parallel_loop3A_642 = vector.broadcast %parallel_loop3A_637 : i32 to vector<16xi32>
        %parallel_loop3A_643 = arith.addi %parallel_loop3A_641, %parallel_loop3A_642 : vector<16xi32>
        %parallel_loop3A_644 = arith.index_cast %parallel_loop3A_639 : i32 to index
        %parallel_loop3A_645 = arith.constant 0 : index
        %parallel_loop3A_646 = tpu.vector_load %arg6[%parallel_loop3A_644, %parallel_loop3A_645] {strides = array<i32>} : memref<512x32xf32, #tpu.memory_space<vmem>>, vector<16xf32>,
        tpu.vector_store_idx %arg8[%add3A_45, %parallel_loop3A_643], %parallel_loop3A_646 : memref<128x129xf32, #tpu.memory_space<vmem>>[vector<16xi32>, vector<16xi32>], vector<16xf32>,
        %parallel_loop3A_647 = arith.index_cast %parallel_loop3A_639 : i32 to index
        %parallel_loop3A_648 = arith.constant 16 : index
        %parallel_loop3A_649 = tpu.vector_load %arg6[%parallel_loop3A_647, %parallel_loop3A_648] {strides = array<i32>} : memref<512x32xf32, #tpu.memory_space<vmem>>, vector<16xf32>,
        tpu.vector_store_idx %arg8[%add3A_61, %parallel_loop3A_643], %parallel_loop3A_649 : memref<128x129xf32, #tpu.memory_space<vmem>>[vector<16xi32>, vector<16xi32>], vector<16xf32>,
      } {sc.loop_unroll_factor = 8 : i64, sc.parallel_access}
      %parallel_loop3A_426 = arith.constant 0 : i32
      %parallel_loop3A_427 = arith.constant 128 : i32
      %parallel_loop3A_428 = arith.constant 1 : i32
      scf.for %parallel_loop3A_637 = %parallel_loop3A_426 to %parallel_loop3A_427 step %parallel_loop3A_428  : i32 {
        %parallel_loop3A_638 = arith.constant 256 : i32
        %parallel_loop3A_639 = arith.addi %parallel_loop3A_638, %parallel_loop3A_637 : i32
        %parallel_loop3A_640 = arith.constant 0 : i32
        %parallel_loop3A_641 = vector.broadcast %parallel_loop3A_640 : i32 to vector<16xi32>
        %parallel_loop3A_642 = vector.broadcast %parallel_loop3A_637 : i32 to vector<16xi32>
        %parallel_loop3A_643 = arith.addi %parallel_loop3A_641, %parallel_loop3A_642 : vector<16xi32>
        %parallel_loop3A_644 = arith.index_cast %parallel_loop3A_639 : i32 to index
        %parallel_loop3A_645 = arith.constant 0 : index
        %parallel_loop3A_646 = tpu.vector_load %arg6[%parallel_loop3A_644, %parallel_loop3A_645] {strides = array<i32>} : memref<512x32xf32, #tpu.memory_space<vmem>>, vector<16xf32>,
        tpu.vector_store_idx %arg8[%add3A_77, %parallel_loop3A_643], %parallel_loop3A_646 : memref<128x129xf32, #tpu.memory_space<vmem>>[vector<16xi32>, vector<16xi32>], vector<16xf32>,
        %parallel_loop3A_647 = arith.index_cast %parallel_loop3A_639 : i32 to index
        %parallel_loop3A_648 = arith.constant 16 : index
        %parallel_loop3A_649 = tpu.vector_load %arg6[%parallel_loop3A_647, %parallel_loop3A_648] {strides = array<i32>} : memref<512x32xf32, #tpu.memory_space<vmem>>, vector<16xf32>,
        tpu.vector_store_idx %arg8[%add3A_93, %parallel_loop3A_643], %parallel_loop3A_649 : memref<128x129xf32, #tpu.memory_space<vmem>>[vector<16xi32>, vector<16xi32>], vector<16xf32>,
      } {sc.loop_unroll_factor = 8 : i64, sc.parallel_access}
      %parallel_loop3A_429 = arith.constant 0 : i32
      %parallel_loop3A_430 = arith.constant 128 : i32
      %parallel_loop3A_431 = arith.constant 1 : i32
      scf.for %parallel_loop3A_637 = %parallel_loop3A_429 to %parallel_loop3A_430 step %parallel_loop3A_431  : i32 {
        %parallel_loop3A_638 = arith.constant 384 : i32
        %parallel_loop3A_639 = arith.addi %parallel_loop3A_638, %parallel_loop3A_637 : i32
        %parallel_loop3A_640 = arith.constant 0 : i32
        %parallel_loop3A_641 = vector.broadcast %parallel_loop3A_640 : i32 to vector<16xi32>
        %parallel_loop3A_642 = vector.broadcast %parallel_loop3A_637 : i32 to vector<16xi32>
        %parallel_loop3A_643 = arith.addi %parallel_loop3A_641, %parallel_loop3A_642 : vector<16xi32>
        %parallel_loop3A_644 = arith.index_cast %parallel_loop3A_639 : i32 to index
        %parallel_loop3A_645 = arith.constant 0 : index
        %parallel_loop3A_646 = tpu.vector_load %arg6[%parallel_loop3A_644, %parallel_loop3A_645] {strides = array<i32>} : memref<512x32xf32, #tpu.memory_space<vmem>>, vector<16xf32>,
        tpu.vector_store_idx %arg8[%add3A_109, %parallel_loop3A_643], %parallel_loop3A_646 : memref<128x129xf32, #tpu.memory_space<vmem>>[vector<16xi32>, vector<16xi32>], vector<16xf32>,
        %parallel_loop3A_647 = arith.index_cast %parallel_loop3A_639 : i32 to index
        %parallel_loop3A_648 = arith.constant 16 : index
        %parallel_loop3A_649 = tpu.vector_load %arg6[%parallel_loop3A_647, %parallel_loop3A_648] {strides = array<i32>} : memref<512x32xf32, #tpu.memory_space<vmem>>, vector<16xf32>,
        tpu.vector_store_idx %arg8[%add3A_125, %parallel_loop3A_643], %parallel_loop3A_649 : memref<128x129xf32, #tpu.memory_space<vmem>>[vector<16xi32>, vector<16xi32>], vector<16xf32>,
      } {sc.loop_unroll_factor = 8 : i64, sc.parallel_access}
      %mul3A_432 = arith.constant 4 : i32
      %mul3A_433 = arith.muli %add3A, %mul3A_432 : i32
      %mul3A_434 = arith.constant 8 : i32
      %mul3A_435 = arith.muli %mul3A_433, %mul3A_434 : i32
      %dma_start3A_436 = arith.constant 0 : i32
      %dma_start3A_437 = arith.constant 0 : i32
      %dma_start3A_438 = arith.constant 0 : i32
      %dma_start3A_439 = tpu.memref_slice %arg8[%dma_start3A_437, %dma_start3A_438] : memref<128x129xf32, #tpu.memory_space<vmem>> -> memref<32x128xf32, #tpu.memory_space<vmem>>
      %dma_start3A_440 = arith.constant 0 : i32
      %dma_start3A_441 = tpu.memref_slice %arg4[%add3A_324, %dma_start3A_436, %mul3A_435, %dma_start3A_440] : memref<100x4x1024x128xf32, #tpu.memory_space<hbm>> -> memref<1x1x32x128xf32, #tpu.memory_space<hbm>>
      %dma_start3A_442 = tpu.memref_squeeze %dma_start3A_441 : memref<1x1x32x128xf32, #tpu.memory_space<hbm>> -> memref<32x128xf32, #tpu.memory_space<hbm>>
      %dma_start3A_443 = arith.constant 0 : i32
      %dma_start3A_444 = tpu.memref_slice %arg4[%add3A_324, %dma_start3A_436, %mul3A_435, %dma_start3A_443] : memref<100x4x1024x128xf32, #tpu.memory_space<hbm>> -> memref<1x1x32x128xf32, #tpu.memory_space<hbm>>
      %dma_start3A_445 = tpu.memref_squeeze %dma_start3A_444 : memref<1x1x32x128xf32, #tpu.memory_space<hbm>> -> memref<32x128xf32, #tpu.memory_space<hbm>>
      %dma_start3A_446 = arith.constant 0 : i32
      %dma_start3A_447 = arith.constant 0 : i32
      %dma_start3A_448 = tpu.memref_slice %arg8[%dma_start3A_446, %dma_start3A_447] : memref<128x129xf32, #tpu.memory_space<vmem>> -> memref<32x128xf32, #tpu.memory_space<vmem>>
      tpu.enqueue_dma source(%dma_start3A_448 : memref<32x128xf32, #tpu.memory_space<vmem>>) target(%dma_start3A_445 : memref<32x128xf32, #tpu.memory_space<hbm>>) target_semaphore(%arg12 : memref<!tpu.dma_semaphore, #tpu.memory_space<semaphore_mem>>)
      %mul3A_449 = arith.constant 4 : i32
      %mul3A_450 = arith.muli %add3A, %mul3A_449 : i32
      %mul3A_451 = arith.constant 8 : i32
      %mul3A_452 = arith.muli %mul3A_450, %mul3A_451 : i32
      %dma_start3A_453 = arith.constant 1 : i32
      %dma_start3A_454 = arith.constant 32 : i32
      %dma_start3A_455 = arith.constant 0 : i32
      %dma_start3A_456 = tpu.memref_slice %arg8[%dma_start3A_454, %dma_start3A_455] : memref<128x129xf32, #tpu.memory_space<vmem>> -> memref<32x128xf32, #tpu.memory_space<vmem>>
      %dma_start3A_457 = arith.constant 0 : i32
      %dma_start3A_458 = tpu.memref_slice %arg4[%add3A_324, %dma_start3A_453, %mul3A_452, %dma_start3A_457] : memref<100x4x1024x128xf32, #tpu.memory_space<hbm>> -> memref<1x1x32x128xf32, #tpu.memory_space<hbm>>
      %dma_start3A_459 = tpu.memref_squeeze %dma_start3A_458 : memref<1x1x32x128xf32, #tpu.memory_space<hbm>> -> memref<32x128xf32, #tpu.memory_space<hbm>>
      %dma_start3A_460 = arith.constant 0 : i32
      %dma_start3A_461 = tpu.memref_slice %arg4[%add3A_324, %dma_start3A_453, %mul3A_452, %dma_start3A_460] : memref<100x4x1024x128xf32, #tpu.memory_space<hbm>> -> memref<1x1x32x128xf32, #tpu.memory_space<hbm>>
      %dma_start3A_462 = tpu.memref_squeeze %dma_start3A_461 : memref<1x1x32x128xf32, #tpu.memory_space<hbm>> -> memref<32x128xf32, #tpu.memory_space<hbm>>
      %dma_start3A_463 = arith.constant 32 : i32
      %dma_start3A_464 = arith.constant 0 : i32
      %dma_start3A_465 = tpu.memref_slice %arg8[%dma_start3A_463, %dma_start3A_464] : memref<128x129xf32, #tpu.memory_space<vmem>> -> memref<32x128xf32, #tpu.memory_space<vmem>>
      tpu.enqueue_dma source(%dma_start3A_465 : memref<32x128xf32, #tpu.memory_space<vmem>>) target(%dma_start3A_462 : memref<32x128xf32, #tpu.memory_space<hbm>>) target_semaphore(%arg12 : memref<!tpu.dma_semaphore, #tpu.memory_space<semaphore_mem>>)
      %mul3A_466 = arith.constant 4 : i32
      %mul3A_467 = arith.muli %add3A, %mul3A_466 : i32
      %mul3A_468 = arith.constant 8 : i32
      %mul3A_469 = arith.muli %mul3A_467, %mul3A_468 : i32
      %dma_start3A_470 = arith.constant 2 : i32
      %dma_start3A_471 = arith.constant 64 : i32
      %dma_start3A_472 = arith.constant 0 : i32
      %dma_start3A_473 = tpu.memref_slice %arg8[%dma_start3A_471, %dma_start3A_472] : memref<128x129xf32, #tpu.memory_space<vmem>> -> memref<32x128xf32, #tpu.memory_space<vmem>>
      %dma_start3A_474 = arith.constant 0 : i32
      %dma_start3A_475 = tpu.memref_slice %arg4[%add3A_324, %dma_start3A_470, %mul3A_469, %dma_start3A_474] : memref<100x4x1024x128xf32, #tpu.memory_space<hbm>> -> memref<1x1x32x128xf32, #tpu.memory_space<hbm>>
      %dma_start3A_476 = tpu.memref_squeeze %dma_start3A_475 : memref<1x1x32x128xf32, #tpu.memory_space<hbm>> -> memref<32x128xf32, #tpu.memory_space<hbm>>
      %dma_start3A_477 = arith.constant 0 : i32
      %dma_start3A_478 = tpu.memref_slice %arg4[%add3A_324, %dma_start3A_470, %mul3A_469, %dma_start3A_477] : memref<100x4x1024x128xf32, #tpu.memory_space<hbm>> -> memref<1x1x32x128xf32, #tpu.memory_space<hbm>>
      %dma_start3A_479 = tpu.memref_squeeze %dma_start3A_478 : memref<1x1x32x128xf32, #tpu.memory_space<hbm>> -> memref<32x128xf32, #tpu.memory_space<hbm>>
      %dma_start3A_480 = arith.constant 64 : i32
      %dma_start3A_481 = arith.constant 0 : i32
      %dma_start3A_482 = tpu.memref_slice %arg8[%dma_start3A_480, %dma_start3A_481] : memref<128x129xf32, #tpu.memory_space<vmem>> -> memref<32x128xf32, #tpu.memory_space<vmem>>
      tpu.enqueue_dma source(%dma_start3A_482 : memref<32x128xf32, #tpu.memory_space<vmem>>) target(%dma_start3A_479 : memref<32x128xf32, #tpu.memory_space<hbm>>) target_semaphore(%arg12 : memref<!tpu.dma_semaphore, #tpu.memory_space<semaphore_mem>>)
      %mul3A_483 = arith.constant 4 : i32
      %mul3A_484 = arith.muli %add3A, %mul3A_483 : i32
      %mul3A_485 = arith.constant 8 : i32
      %mul3A_486 = arith.muli %mul3A_484, %mul3A_485 : i32
      %dma_start3A_487 = arith.constant 3 : i32
      %dma_start3A_488 = arith.constant 96 : i32
      %dma_start3A_489 = arith.constant 0 : i32
      %dma_start3A_490 = tpu.memref_slice %arg8[%dma_start3A_488, %dma_start3A_489] : memref<128x129xf32, #tpu.memory_space<vmem>> -> memref<32x128xf32, #tpu.memory_space<vmem>>
      %dma_start3A_491 = arith.constant 0 : i32
      %dma_start3A_492 = tpu.memref_slice %arg4[%add3A_324, %dma_start3A_487, %mul3A_486, %dma_start3A_491] : memref<100x4x1024x128xf32, #tpu.memory_space<hbm>> -> memref<1x1x32x128xf32, #tpu.memory_space<hbm>>
      %dma_start3A_493 = tpu.memref_squeeze %dma_start3A_492 : memref<1x1x32x128xf32, #tpu.memory_space<hbm>> -> memref<32x128xf32, #tpu.memory_space<hbm>>
      %dma_start3A_494 = arith.constant 0 : i32
      %dma_start3A_495 = tpu.memref_slice %arg4[%add3A_324, %dma_start3A_487, %mul3A_486, %dma_start3A_494] : memref<100x4x1024x128xf32, #tpu.memory_space<hbm>> -> memref<1x1x32x128xf32, #tpu.memory_space<hbm>>
      %dma_start3A_496 = tpu.memref_squeeze %dma_start3A_495 : memref<1x1x32x128xf32, #tpu.memory_space<hbm>> -> memref<32x128xf32, #tpu.memory_space<hbm>>
      %dma_start3A_497 = arith.constant 96 : i32
      %dma_start3A_498 = arith.constant 0 : i32
      %dma_start3A_499 = tpu.memref_slice %arg8[%dma_start3A_497, %dma_start3A_498] : memref<128x129xf32, #tpu.memory_space<vmem>> -> memref<32x128xf32, #tpu.memory_space<vmem>>
      tpu.enqueue_dma source(%dma_start3A_499 : memref<32x128xf32, #tpu.memory_space<vmem>>) target(%dma_start3A_496 : memref<32x128xf32, #tpu.memory_space<hbm>>) target_semaphore(%arg12 : memref<!tpu.dma_semaphore, #tpu.memory_space<semaphore_mem>>)
      %add3A_500 = arith.constant 2 : i32
      %add3A_501 = arith.addi %add3A_324, %add3A_500 : i32
      %lt3A = arith.constant 100 : i32
      %lt3A_502 = arith.cmpi slt, %add3A_501, %lt3A : i32
      %convert_element_type3A_503 = arith.extui %lt3A_502 : i1 to i32
      %cond3A_504 = arith.constant 0 : i32
      %cond3A_505 = arith.cmpi ne, %convert_element_type3A_503, %cond3A_504 : i32
      scf.if %cond3A_505 {
        %add3A_637 = arith.constant 2 : i32
        %add3A_638 = arith.addi %add3A_324, %add3A_637 : i32
        %mul3A_639 = arith.constant 1000 : i32
        %mul3A_640 = arith.muli %add3A_638, %mul3A_639 : i32
        %parallel_loop3A_641 = arith.constant 0 : i32
        %parallel_loop3A_642 = arith.constant 32 : i32
        %parallel_loop3A_643 = arith.constant 1 : i32
        scf.for %parallel_loop3A_686 = %parallel_loop3A_641 to %parallel_loop3A_642 step %parallel_loop3A_643  : i32 {
          %parallel_loop3A_687 = arith.constant 3 : i32
          %parallel_loop3A_688 = arith.shrsi %parallel_loop3A_686, %parallel_loop3A_687 : i32
          %parallel_loop3A_689 = arith.constant 7 : i32
          %parallel_loop3A_690 = arith.andi %parallel_loop3A_686, %parallel_loop3A_689 : i32
          %parallel_loop3A_691 = arith.constant 16 : i32
          %parallel_loop3A_692 = arith.muli %parallel_loop3A_690, %parallel_loop3A_691 : i32
          %parallel_loop3A_693 = arith.index_cast %add3A_638 : i32 to index
          %parallel_loop3A_694 = arith.index_cast %parallel_loop3A_688 : i32 to index
          %parallel_loop3A_695 = arith.index_cast %parallel_loop3A_692 : i32 to index
          %parallel_loop3A_696 = tpu.vector_load %arg5[%parallel_loop3A_693, %parallel_loop3A_694, %parallel_loop3A_695] {strides = array<i32>} : memref<100x4x128xi32, #tpu.memory_space<vmem>>, vector<16xi32>,
          %parallel_loop3A_697 = vector.broadcast %mul3A_640 : i32 to vector<16xi32>
          %parallel_loop3A_698 = arith.addi %parallel_loop3A_696, %parallel_loop3A_697 : vector<16xi32>
          %parallel_loop3A_699 = arith.constant 16 : i32
          %parallel_loop3A_700 = arith.muli %parallel_loop3A_690, %parallel_loop3A_699 : i32
          %parallel_loop3A_701 = arith.index_cast %add3A_638 : i32 to index
          %parallel_loop3A_702 = arith.index_cast %parallel_loop3A_688 : i32 to index
          %parallel_loop3A_703 = arith.index_cast %parallel_loop3A_700 : i32 to index
          %parallel_loop3A_704 = tpu.vector_load %arg5[%parallel_loop3A_701, %parallel_loop3A_702, %parallel_loop3A_703] {strides = array<i32>} : memref<100x4x128xi32, #tpu.memory_space<vmem>>, vector<16xi32>,
          tpu.vector_store %arg5[%parallel_loop3A_701, %parallel_loop3A_702, %parallel_loop3A_703], %parallel_loop3A_698 {strides = array<i32>} : memref<100x4x128xi32, #tpu.memory_space<vmem>>, vector<16xi32>,
        } {sc.loop_unroll_factor = 8 : i64, sc.parallel_access}
        %add3A_644 = arith.constant 2 : i32
        %add3A_645 = arith.addi %add3A_324, %add3A_644 : i32
        %dma_start3A_646 = arith.constant 0 : i32
        %dma_start3A_647 = arith.constant 0 : i32
        %dma_start3A_648 = arith.constant 0 : i32
        %dma_start3A_649 = tpu.memref_slice %arg6[%dma_start3A_647, %dma_start3A_648] : memref<512x32xf32, #tpu.memory_space<vmem>> -> memref<128x32xf32, #tpu.memory_space<vmem>>
        %dma_start3A_650 = arith.constant 0 : i32
        %dma_start3A_651 = tpu.memref_slice %arg5[%add3A_645, %dma_start3A_646, %dma_start3A_650] : memref<100x4x128xi32, #tpu.memory_space<vmem>> -> memref<1x1x128xi32, #tpu.memory_space<vmem>>
        %dma_start3A_652 = tpu.memref_squeeze %dma_start3A_651 : memref<1x1x128xi32, #tpu.memory_space<vmem>> -> memref<128xi32, #tpu.memory_space<vmem>>
        %dma_start3A_653 = arith.constant 0 : i32
        %dma_start3A_654 = arith.constant 0 : i32
        %dma_start3A_655 = tpu.memref_slice %arg3[%dma_start3A_653, %dma_start3A_654] : memref<100000x32xf32, #tpu.memory_space<hbm>> -> memref<100000x32xf32, #tpu.memory_space<hbm>>
        tpu.enqueue_indirect_dma source(%dma_start3A_655 : memref<100000x32xf32, #tpu.memory_space<hbm>>) target(%dma_start3A_649 : memref<128x32xf32, #tpu.memory_space<vmem>>) offsets(%dma_start3A_652 : memref<128xi32, #tpu.memory_space<vmem>>) semaphore(%arg10 : memref<!tpu.dma_semaphore, #tpu.memory_space<semaphore_mem>>)
        %dma_start3A_656 = arith.constant 1 : i32
        %dma_start3A_657 = arith.constant 128 : i32
        %dma_start3A_658 = arith.constant 0 : i32
        %dma_start3A_659 = tpu.memref_slice %arg6[%dma_start3A_657, %dma_start3A_658] : memref<512x32xf32, #tpu.memory_space<vmem>> -> memref<128x32xf32, #tpu.memory_space<vmem>>
        %dma_start3A_660 = arith.constant 0 : i32
        %dma_start3A_661 = tpu.memref_slice %arg5[%add3A_645, %dma_start3A_656, %dma_start3A_660] : memref<100x4x128xi32, #tpu.memory_space<vmem>> -> memref<1x1x128xi32, #tpu.memory_space<vmem>>
        %dma_start3A_662 = tpu.memref_squeeze %dma_start3A_661 : memref<1x1x128xi32, #tpu.memory_space<vmem>> -> memref<128xi32, #tpu.memory_space<vmem>>
        %dma_start3A_663 = arith.constant 0 : i32
        %dma_start3A_664 = arith.constant 0 : i32
        %dma_start3A_665 = tpu.memref_slice %arg3[%dma_start3A_663, %dma_start3A_664] : memref<100000x32xf32, #tpu.memory_space<hbm>> -> memref<100000x32xf32, #tpu.memory_space<hbm>>
        tpu.enqueue_indirect_dma source(%dma_start3A_665 : memref<100000x32xf32, #tpu.memory_space<hbm>>) target(%dma_start3A_659 : memref<128x32xf32, #tpu.memory_space<vmem>>) offsets(%dma_start3A_662 : memref<128xi32, #tpu.memory_space<vmem>>) semaphore(%arg10 : memref<!tpu.dma_semaphore, #tpu.memory_space<semaphore_mem>>)
        %dma_start3A_666 = arith.constant 2 : i32
        %dma_start3A_667 = arith.constant 256 : i32
        %dma_start3A_668 = arith.constant 0 : i32
        %dma_start3A_669 = tpu.memref_slice %arg6[%dma_start3A_667, %dma_start3A_668] : memref<512x32xf32, #tpu.memory_space<vmem>> -> memref<128x32xf32, #tpu.memory_space<vmem>>
        %dma_start3A_670 = arith.constant 0 : i32
        %dma_start3A_671 = tpu.memref_slice %arg5[%add3A_645, %dma_start3A_666, %dma_start3A_670] : memref<100x4x128xi32, #tpu.memory_space<vmem>> -> memref<1x1x128xi32, #tpu.memory_space<vmem>>
        %dma_start3A_672 = tpu.memref_squeeze %dma_start3A_671 : memref<1x1x128xi32, #tpu.memory_space<vmem>> -> memref<128xi32, #tpu.memory_space<vmem>>
        %dma_start3A_673 = arith.constant 0 : i32
        %dma_start3A_674 = arith.constant 0 : i32
        %dma_start3A_675 = tpu.memref_slice %arg3[%dma_start3A_673, %dma_start3A_674] : memref<100000x32xf32, #tpu.memory_space<hbm>> -> memref<100000x32xf32, #tpu.memory_space<hbm>>
        tpu.enqueue_indirect_dma source(%dma_start3A_675 : memref<100000x32xf32, #tpu.memory_space<hbm>>) target(%dma_start3A_669 : memref<128x32xf32, #tpu.memory_space<vmem>>) offsets(%dma_start3A_672 : memref<128xi32, #tpu.memory_space<vmem>>) semaphore(%arg10 : memref<!tpu.dma_semaphore, #tpu.memory_space<semaphore_mem>>)
        %dma_start3A_676 = arith.constant 3 : i32
        %dma_start3A_677 = arith.constant 384 : i32
        %dma_start3A_678 = arith.constant 0 : i32
        %dma_start3A_679 = tpu.memref_slice %arg6[%dma_start3A_677, %dma_start3A_678] : memref<512x32xf32, #tpu.memory_space<vmem>> -> memref<128x32xf32, #tpu.memory_space<vmem>>
        %dma_start3A_680 = arith.constant 0 : i32
        %dma_start3A_681 = tpu.memref_slice %arg5[%add3A_645, %dma_start3A_676, %dma_start3A_680] : memref<100x4x128xi32, #tpu.memory_space<vmem>> -> memref<1x1x128xi32, #tpu.memory_space<vmem>>
        %dma_start3A_682 = tpu.memref_squeeze %dma_start3A_681 : memref<1x1x128xi32, #tpu.memory_space<vmem>> -> memref<128xi32, #tpu.memory_space<vmem>>
        %dma_start3A_683 = arith.constant 0 : i32
        %dma_start3A_684 = arith.constant 0 : i32
        %dma_start3A_685 = tpu.memref_slice %arg3[%dma_start3A_683, %dma_start3A_684] : memref<100000x32xf32, #tpu.memory_space<hbm>> -> memref<100000x32xf32, #tpu.memory_space<hbm>>
        tpu.enqueue_indirect_dma source(%dma_start3A_685 : memref<100000x32xf32, #tpu.memory_space<hbm>>) target(%dma_start3A_679 : memref<128x32xf32, #tpu.memory_space<vmem>>) offsets(%dma_start3A_682 : memref<128xi32, #tpu.memory_space<vmem>>) semaphore(%arg10 : memref<!tpu.dma_semaphore, #tpu.memory_space<semaphore_mem>>)
      } else {
      }
      %dma_wait3A_506 = arith.constant 0 : i32
      %dma_wait3A_507 = arith.constant 0 : i32
      %dma_wait3A_508 = arith.constant 0 : i32
      %dma_wait3A_509 = arith.constant 0 : i32
      %dma_wait3A_510 = tpu.memref_slice %arg7[%dma_wait3A_508, %dma_wait3A_509] : memref<512x32xf32, #tpu.memory_space<vmem>> -> memref<128x32xf32, #tpu.memory_space<vmem>>
      %dma_wait3A_511 = arith.constant 0 : i32
      %dma_wait3A_512 = tpu.memref_slice %arg5[%dma_wait3A_506, %dma_wait3A_507, %dma_wait3A_511] : memref<100x4x128xi32, #tpu.memory_space<vmem>> -> memref<1x1x128xi32, #tpu.memory_space<vmem>>
      %dma_wait3A_513 = tpu.memref_squeeze %dma_wait3A_512 : memref<1x1x128xi32, #tpu.memory_space<vmem>> -> memref<128xi32, #tpu.memory_space<vmem>>
      %dma_wait3A_514 = arith.constant 0 : i32
      %dma_wait3A_515 = arith.constant 0 : i32
      %dma_wait3A_516 = tpu.memref_slice %arg3[%dma_wait3A_514, %dma_wait3A_515] : memref<100000x32xf32, #tpu.memory_space<hbm>> -> memref<100000x32xf32, #tpu.memory_space<hbm>>
      tpu.wait_indirect_dma semaphore(%arg11 : memref<!tpu.dma_semaphore, #tpu.memory_space<semaphore_mem>>) src(%dma_wait3A_516 : memref<100000x32xf32, #tpu.memory_space<hbm>>) dst(%dma_wait3A_510 : memref<128x32xf32, #tpu.memory_space<vmem>>)
      %dma_wait3A_517 = arith.constant 0 : i32
      %dma_wait3A_518 = arith.constant 1 : i32
      %dma_wait3A_519 = arith.constant 128 : i32
      %dma_wait3A_520 = arith.constant 0 : i32
      %dma_wait3A_521 = tpu.memref_slice %arg7[%dma_wait3A_519, %dma_wait3A_520] : memref<512x32xf32, #tpu.memory_space<vmem>> -> memref<128x32xf32, #tpu.memory_space<vmem>>
      %dma_wait3A_522 = arith.constant 0 : i32
      %dma_wait3A_523 = tpu.memref_slice %arg5[%dma_wait3A_517, %dma_wait3A_518, %dma_wait3A_522] : memref<100x4x128xi32, #tpu.memory_space<vmem>> -> memref<1x1x128xi32, #tpu.memory_space<vmem>>
      %dma_wait3A_524 = tpu.memref_squeeze %dma_wait3A_523 : memref<1x1x128xi32, #tpu.memory_space<vmem>> -> memref<128xi32, #tpu.memory_space<vmem>>
      %dma_wait3A_525 = arith.constant 0 : i32
      %dma_wait3A_526 = arith.constant 0 : i32
      %dma_wait3A_527 = tpu.memref_slice %arg3[%dma_wait3A_525, %dma_wait3A_526] : memref<100000x32xf32, #tpu.memory_space<hbm>> -> memref<100000x32xf32, #tpu.memory_space<hbm>>
      tpu.wait_indirect_dma semaphore(%arg11 : memref<!tpu.dma_semaphore, #tpu.memory_space<semaphore_mem>>) src(%dma_wait3A_527 : memref<100000x32xf32, #tpu.memory_space<hbm>>) dst(%dma_wait3A_521 : memref<128x32xf32, #tpu.memory_space<vmem>>)
      %dma_wait3A_528 = arith.constant 0 : i32
      %dma_wait3A_529 = arith.constant 2 : i32
      %dma_wait3A_530 = arith.constant 256 : i32
      %dma_wait3A_531 = arith.constant 0 : i32
      %dma_wait3A_532 = tpu.memref_slice %arg7[%dma_wait3A_530, %dma_wait3A_531] : memref<512x32xf32, #tpu.memory_space<vmem>> -> memref<128x32xf32, #tpu.memory_space<vmem>>
      %dma_wait3A_533 = arith.constant 0 : i32
      %dma_wait3A_534 = tpu.memref_slice %arg5[%dma_wait3A_528, %dma_wait3A_529, %dma_wait3A_533] : memref<100x4x128xi32, #tpu.memory_space<vmem>> -> memref<1x1x128xi32, #tpu.memory_space<vmem>>
      %dma_wait3A_535 = tpu.memref_squeeze %dma_wait3A_534 : memref<1x1x128xi32, #tpu.memory_space<vmem>> -> memref<128xi32, #tpu.memory_space<vmem>>
      %dma_wait3A_536 = arith.constant 0 : i32
      %dma_wait3A_537 = arith.constant 0 : i32
      %dma_wait3A_538 = tpu.memref_slice %arg3[%dma_wait3A_536, %dma_wait3A_537] : memref<100000x32xf32, #tpu.memory_space<hbm>> -> memref<100000x32xf32, #tpu.memory_space<hbm>>
      tpu.wait_indirect_dma semaphore(%arg11 : memref<!tpu.dma_semaphore, #tpu.memory_space<semaphore_mem>>) src(%dma_wait3A_538 : memref<100000x32xf32, #tpu.memory_space<hbm>>) dst(%dma_wait3A_532 : memref<128x32xf32, #tpu.memory_space<vmem>>)
      %dma_wait3A_539 = arith.constant 0 : i32
      %dma_wait3A_540 = arith.constant 3 : i32
      %dma_wait3A_541 = arith.constant 384 : i32
      %dma_wait3A_542 = arith.constant 0 : i32
      %dma_wait3A_543 = tpu.memref_slice %arg7[%dma_wait3A_541, %dma_wait3A_542] : memref<512x32xf32, #tpu.memory_space<vmem>> -> memref<128x32xf32, #tpu.memory_space<vmem>>
      %dma_wait3A_544 = arith.constant 0 : i32
      %dma_wait3A_545 = tpu.memref_slice %arg5[%dma_wait3A_539, %dma_wait3A_540, %dma_wait3A_544] : memref<100x4x128xi32, #tpu.memory_space<vmem>> -> memref<1x1x128xi32, #tpu.memory_space<vmem>>
      %dma_wait3A_546 = tpu.memref_squeeze %dma_wait3A_545 : memref<1x1x128xi32, #tpu.memory_space<vmem>> -> memref<128xi32, #tpu.memory_space<vmem>>
      %dma_wait3A_547 = arith.constant 0 : i32
      %dma_wait3A_548 = arith.constant 0 : i32
      %dma_wait3A_549 = tpu.memref_slice %arg3[%dma_wait3A_547, %dma_wait3A_548] : memref<100000x32xf32, #tpu.memory_space<hbm>> -> memref<100000x32xf32, #tpu.memory_space<hbm>>
      tpu.wait_indirect_dma semaphore(%arg11 : memref<!tpu.dma_semaphore, #tpu.memory_space<semaphore_mem>>) src(%dma_wait3A_549 : memref<100000x32xf32, #tpu.memory_space<hbm>>) dst(%dma_wait3A_543 : memref<128x32xf32, #tpu.memory_space<vmem>>)
      %gt3A_550 = arith.constant 0 : i32
      %gt3A_551 = arith.cmpi sgt, %add3A_324, %gt3A_550 : i32
      %convert_element_type3A_552 = arith.extui %gt3A_551 : i1 to i32
      %cond3A_553 = arith.constant 0 : i32
      %cond3A_554 = arith.cmpi ne, %convert_element_type3A_552, %cond3A_553 : i32
      scf.if %cond3A_554 {
        %mul3A_637 = arith.constant 4 : i32
        %mul3A_638 = arith.muli %add3A, %mul3A_637 : i32
        %mul3A_639 = arith.constant 8 : i32
        %mul3A_640 = arith.muli %mul3A_638, %mul3A_639 : i32
        %dma_wait3A_641 = arith.constant 0 : i32
        %dma_wait3A_642 = arith.constant 0 : i32
        %dma_wait3A_643 = arith.constant 0 : i32
        %dma_wait3A_644 = arith.constant 0 : i32
        %dma_wait3A_645 = tpu.memref_slice %arg9[%dma_wait3A_643, %dma_wait3A_644] : memref<128x129xf32, #tpu.memory_space<vmem>> -> memref<32x128xf32, #tpu.memory_space<vmem>>
        %dma_wait3A_646 = arith.constant 0 : i32
        %dma_wait3A_647 = tpu.memref_slice %arg4[%dma_wait3A_641, %dma_wait3A_642, %mul3A_640, %dma_wait3A_646] : memref<100x4x1024x128xf32, #tpu.memory_space<hbm>> -> memref<1x1x32x128xf32, #tpu.memory_space<hbm>>
        %dma_wait3A_648 = tpu.memref_squeeze %dma_wait3A_647 : memref<1x1x32x128xf32, #tpu.memory_space<hbm>> -> memref<32x128xf32, #tpu.memory_space<hbm>>
        %dma_wait3A_649 = arith.constant 0 : i32
        %dma_wait3A_650 = tpu.memref_slice %arg4[%dma_wait3A_641, %dma_wait3A_642, %mul3A_640, %dma_wait3A_649] : memref<100x4x1024x128xf32, #tpu.memory_space<hbm>> -> memref<1x1x32x128xf32, #tpu.memory_space<hbm>>
        %dma_wait3A_651 = tpu.memref_squeeze %dma_wait3A_650 : memref<1x1x32x128xf32, #tpu.memory_space<hbm>> -> memref<32x128xf32, #tpu.memory_space<hbm>>
        %dma_wait3A_652 = arith.constant 0 : i32
        %dma_wait3A_653 = arith.constant 0 : i32
        %dma_wait3A_654 = tpu.memref_slice %arg9[%dma_wait3A_652, %dma_wait3A_653] : memref<128x129xf32, #tpu.memory_space<vmem>> -> memref<32x128xf32, #tpu.memory_space<vmem>>
        tpu.wait_dma2 semaphore(%arg13 : memref<!tpu.dma_semaphore, #tpu.memory_space<semaphore_mem>>) src(%dma_wait3A_654 : memref<32x128xf32, #tpu.memory_space<vmem>>) dst(%dma_wait3A_651 : memref<32x128xf32, #tpu.memory_space<hbm>>)
        %mul3A_655 = arith.constant 4 : i32
        %mul3A_656 = arith.muli %add3A, %mul3A_655 : i32
        %mul3A_657 = arith.constant 8 : i32
        %mul3A_658 = arith.muli %mul3A_656, %mul3A_657 : i32
        %dma_wait3A_659 = arith.constant 0 : i32
        %dma_wait3A_660 = arith.constant 1 : i32
        %dma_wait3A_661 = arith.constant 32 : i32
        %dma_wait3A_662 = arith.constant 0 : i32
        %dma_wait3A_663 = tpu.memref_slice %arg9[%dma_wait3A_661, %dma_wait3A_662] : memref<128x129xf32, #tpu.memory_space<vmem>> -> memref<32x128xf32, #tpu.memory_space<vmem>>
        %dma_wait3A_664 = arith.constant 0 : i32
        %dma_wait3A_665 = tpu.memref_slice %arg4[%dma_wait3A_659, %dma_wait3A_660, %mul3A_658, %dma_wait3A_664] : memref<100x4x1024x128xf32, #tpu.memory_space<hbm>> -> memref<1x1x32x128xf32, #tpu.memory_space<hbm>>
        %dma_wait3A_666 = tpu.memref_squeeze %dma_wait3A_665 : memref<1x1x32x128xf32, #tpu.memory_space<hbm>> -> memref<32x128xf32, #tpu.memory_space<hbm>>
        %dma_wait3A_667 = arith.constant 0 : i32
        %dma_wait3A_668 = tpu.memref_slice %arg4[%dma_wait3A_659, %dma_wait3A_660, %mul3A_658, %dma_wait3A_667] : memref<100x4x1024x128xf32, #tpu.memory_space<hbm>> -> memref<1x1x32x128xf32, #tpu.memory_space<hbm>>
        %dma_wait3A_669 = tpu.memref_squeeze %dma_wait3A_668 : memref<1x1x32x128xf32, #tpu.memory_space<hbm>> -> memref<32x128xf32, #tpu.memory_space<hbm>>
        %dma_wait3A_670 = arith.constant 32 : i32
        %dma_wait3A_671 = arith.constant 0 : i32
        %dma_wait3A_672 = tpu.memref_slice %arg9[%dma_wait3A_670, %dma_wait3A_671] : memref<128x129xf32, #tpu.memory_space<vmem>> -> memref<32x128xf32, #tpu.memory_space<vmem>>
        tpu.wait_dma2 semaphore(%arg13 : memref<!tpu.dma_semaphore, #tpu.memory_space<semaphore_mem>>) src(%dma_wait3A_672 : memref<32x128xf32, #tpu.memory_space<vmem>>) dst(%dma_wait3A_669 : memref<32x128xf32, #tpu.memory_space<hbm>>)
        %mul3A_673 = arith.constant 4 : i32
        %mul3A_674 = arith.muli %add3A, %mul3A_673 : i32
        %mul3A_675 = arith.constant 8 : i32
        %mul3A_676 = arith.muli %mul3A_674, %mul3A_675 : i32
        %dma_wait3A_677 = arith.constant 0 : i32
        %dma_wait3A_678 = arith.constant 2 : i32
        %dma_wait3A_679 = arith.constant 64 : i32
        %dma_wait3A_680 = arith.constant 0 : i32
        %dma_wait3A_681 = tpu.memref_slice %arg9[%dma_wait3A_679, %dma_wait3A_680] : memref<128x129xf32, #tpu.memory_space<vmem>> -> memref<32x128xf32, #tpu.memory_space<vmem>>
        %dma_wait3A_682 = arith.constant 0 : i32
        %dma_wait3A_683 = tpu.memref_slice %arg4[%dma_wait3A_677, %dma_wait3A_678, %mul3A_676, %dma_wait3A_682] : memref<100x4x1024x128xf32, #tpu.memory_space<hbm>> -> memref<1x1x32x128xf32, #tpu.memory_space<hbm>>
        %dma_wait3A_684 = tpu.memref_squeeze %dma_wait3A_683 : memref<1x1x32x128xf32, #tpu.memory_space<hbm>> -> memref<32x128xf32, #tpu.memory_space<hbm>>
        %dma_wait3A_685 = arith.constant 0 : i32
        %dma_wait3A_686 = tpu.memref_slice %arg4[%dma_wait3A_677, %dma_wait3A_678, %mul3A_676, %dma_wait3A_685] : memref<100x4x1024x128xf32, #tpu.memory_space<hbm>> -> memref<1x1x32x128xf32, #tpu.memory_space<hbm>>
        %dma_wait3A_687 = tpu.memref_squeeze %dma_wait3A_686 : memref<1x1x32x128xf32, #tpu.memory_space<hbm>> -> memref<32x128xf32, #tpu.memory_space<hbm>>
        %dma_wait3A_688 = arith.constant 64 : i32
        %dma_wait3A_689 = arith.constant 0 : i32
        %dma_wait3A_690 = tpu.memref_slice %arg9[%dma_wait3A_688, %dma_wait3A_689] : memref<128x129xf32, #tpu.memory_space<vmem>> -> memref<32x128xf32, #tpu.memory_space<vmem>>
        tpu.wait_dma2 semaphore(%arg13 : memref<!tpu.dma_semaphore, #tpu.memory_space<semaphore_mem>>) src(%dma_wait3A_690 : memref<32x128xf32, #tpu.memory_space<vmem>>) dst(%dma_wait3A_687 : memref<32x128xf32, #tpu.memory_space<hbm>>)
        %mul3A_691 = arith.constant 4 : i32
        %mul3A_692 = arith.muli %add3A, %mul3A_691 : i32
        %mul3A_693 = arith.constant 8 : i32
        %mul3A_694 = arith.muli %mul3A_692, %mul3A_693 : i32
        %dma_wait3A_695 = arith.constant 0 : i32
        %dma_wait3A_696 = arith.constant 3 : i32
        %dma_wait3A_697 = arith.constant 96 : i32
        %dma_wait3A_698 = arith.constant 0 : i32
        %dma_wait3A_699 = tpu.memref_slice %arg9[%dma_wait3A_697, %dma_wait3A_698] : memref<128x129xf32, #tpu.memory_space<vmem>> -> memref<32x128xf32, #tpu.memory_space<vmem>>
        %dma_wait3A_700 = arith.constant 0 : i32
        %dma_wait3A_701 = tpu.memref_slice %arg4[%dma_wait3A_695, %dma_wait3A_696, %mul3A_694, %dma_wait3A_700] : memref<100x4x1024x128xf32, #tpu.memory_space<hbm>> -> memref<1x1x32x128xf32, #tpu.memory_space<hbm>>
        %dma_wait3A_702 = tpu.memref_squeeze %dma_wait3A_701 : memref<1x1x32x128xf32, #tpu.memory_space<hbm>> -> memref<32x128xf32, #tpu.memory_space<hbm>>
        %dma_wait3A_703 = arith.constant 0 : i32
        %dma_wait3A_704 = tpu.memref_slice %arg4[%dma_wait3A_695, %dma_wait3A_696, %mul3A_694, %dma_wait3A_703] : memref<100x4x1024x128xf32, #tpu.memory_space<hbm>> -> memref<1x1x32x128xf32, #tpu.memory_space<hbm>>
        %dma_wait3A_705 = tpu.memref_squeeze %dma_wait3A_704 : memref<1x1x32x128xf32, #tpu.memory_space<hbm>> -> memref<32x128xf32, #tpu.memory_space<hbm>>
        %dma_wait3A_706 = arith.constant 96 : i32
        %dma_wait3A_707 = arith.constant 0 : i32
        %dma_wait3A_708 = tpu.memref_slice %arg9[%dma_wait3A_706, %dma_wait3A_707] : memref<128x129xf32, #tpu.memory_space<vmem>> -> memref<32x128xf32, #tpu.memory_space<vmem>>
        tpu.wait_dma2 semaphore(%arg13 : memref<!tpu.dma_semaphore, #tpu.memory_space<semaphore_mem>>) src(%dma_wait3A_708 : memref<32x128xf32, #tpu.memory_space<vmem>>) dst(%dma_wait3A_705 : memref<32x128xf32, #tpu.memory_space<hbm>>)
      } else {
      }
      %parallel_loop3A_555 = arith.constant 0 : i32
      %parallel_loop3A_556 = arith.constant 128 : i32
      %parallel_loop3A_557 = arith.constant 1 : i32
      scf.for %parallel_loop3A_637 = %parallel_loop3A_555 to %parallel_loop3A_556 step %parallel_loop3A_557  : i32 {
        %parallel_loop3A_638 = arith.constant 0 : i32
        %parallel_loop3A_639 = arith.addi %parallel_loop3A_638, %parallel_loop3A_637 : i32
        %parallel_loop3A_640 = arith.constant 0 : i32
        %parallel_loop3A_641 = vector.broadcast %parallel_loop3A_640 : i32 to vector<16xi32>
        %parallel_loop3A_642 = vector.broadcast %parallel_loop3A_637 : i32 to vector<16xi32>
        %parallel_loop3A_643 = arith.addi %parallel_loop3A_641, %parallel_loop3A_642 : vector<16xi32>
        %parallel_loop3A_644 = arith.index_cast %parallel_loop3A_639 : i32 to index
        %parallel_loop3A_645 = arith.constant 0 : index
        %parallel_loop3A_646 = tpu.vector_load %arg7[%parallel_loop3A_644, %parallel_loop3A_645] {strides = array<i32>} : memref<512x32xf32, #tpu.memory_space<vmem>>, vector<16xf32>,
        tpu.vector_store_idx %arg9[%add3A_13, %parallel_loop3A_643], %parallel_loop3A_646 : memref<128x129xf32, #tpu.memory_space<vmem>>[vector<16xi32>, vector<16xi32>], vector<16xf32>,
        %parallel_loop3A_647 = arith.index_cast %parallel_loop3A_639 : i32 to index
        %parallel_loop3A_648 = arith.constant 16 : index
        %parallel_loop3A_649 = tpu.vector_load %arg7[%parallel_loop3A_647, %parallel_loop3A_648] {strides = array<i32>} : memref<512x32xf32, #tpu.memory_space<vmem>>, vector<16xf32>,
        tpu.vector_store_idx %arg9[%add3A_29, %parallel_loop3A_643], %parallel_loop3A_649 : memref<128x129xf32, #tpu.memory_space<vmem>>[vector<16xi32>, vector<16xi32>], vector<16xf32>,
      } {sc.loop_unroll_factor = 8 : i64, sc.parallel_access}
      %parallel_loop3A_558 = arith.constant 0 : i32
      %parallel_loop3A_559 = arith.constant 128 : i32
      %parallel_loop3A_560 = arith.constant 1 : i32
      scf.for %parallel_loop3A_637 = %parallel_loop3A_558 to %parallel_loop3A_559 step %parallel_loop3A_560  : i32 {
        %parallel_loop3A_638 = arith.constant 128 : i32
        %parallel_loop3A_639 = arith.addi %parallel_loop3A_638, %parallel_loop3A_637 : i32
        %parallel_loop3A_640 = arith.constant 0 : i32
        %parallel_loop3A_641 = vector.broadcast %parallel_loop3A_640 : i32 to vector<16xi32>
        %parallel_loop3A_642 = vector.broadcast %parallel_loop3A_637 : i32 to vector<16xi32>
        %parallel_loop3A_643 = arith.addi %parallel_loop3A_641, %parallel_loop3A_642 : vector<16xi32>
        %parallel_loop3A_644 = arith.index_cast %parallel_loop3A_639 : i32 to index
        %parallel_loop3A_645 = arith.constant 0 : index
        %parallel_loop3A_646 = tpu.vector_load %arg7[%parallel_loop3A_644, %parallel_loop3A_645] {strides = array<i32>} : memref<512x32xf32, #tpu.memory_space<vmem>>, vector<16xf32>,
        tpu.vector_store_idx %arg9[%add3A_45, %parallel_loop3A_643], %parallel_loop3A_646 : memref<128x129xf32, #tpu.memory_space<vmem>>[vector<16xi32>, vector<16xi32>], vector<16xf32>,
        %parallel_loop3A_647 = arith.index_cast %parallel_loop3A_639 : i32 to index
        %parallel_loop3A_648 = arith.constant 16 : index
        %parallel_loop3A_649 = tpu.vector_load %arg7[%parallel_loop3A_647, %parallel_loop3A_648] {strides = array<i32>} : memref<512x32xf32, #tpu.memory_space<vmem>>, vector<16xf32>,
        tpu.vector_store_idx %arg9[%add3A_61, %parallel_loop3A_643], %parallel_loop3A_649 : memref<128x129xf32, #tpu.memory_space<vmem>>[vector<16xi32>, vector<16xi32>], vector<16xf32>,
      } {sc.loop_unroll_factor = 8 : i64, sc.parallel_access}
      %parallel_loop3A_561 = arith.constant 0 : i32
      %parallel_loop3A_562 = arith.constant 128 : i32
      %parallel_loop3A_563 = arith.constant 1 : i32
      scf.for %parallel_loop3A_637 = %parallel_loop3A_561 to %parallel_loop3A_562 step %parallel_loop3A_563  : i32 {
        %parallel_loop3A_638 = arith.constant 256 : i32
        %parallel_loop3A_639 = arith.addi %parallel_loop3A_638, %parallel_loop3A_637 : i32
        %parallel_loop3A_640 = arith.constant 0 : i32
        %parallel_loop3A_641 = vector.broadcast %parallel_loop3A_640 : i32 to vector<16xi32>
        %parallel_loop3A_642 = vector.broadcast %parallel_loop3A_637 : i32 to vector<16xi32>
        %parallel_loop3A_643 = arith.addi %parallel_loop3A_641, %parallel_loop3A_642 : vector<16xi32>
        %parallel_loop3A_644 = arith.index_cast %parallel_loop3A_639 : i32 to index
        %parallel_loop3A_645 = arith.constant 0 : index
        %parallel_loop3A_646 = tpu.vector_load %arg7[%parallel_loop3A_644, %parallel_loop3A_645] {strides = array<i32>} : memref<512x32xf32, #tpu.memory_space<vmem>>, vector<16xf32>,
        tpu.vector_store_idx %arg9[%add3A_77, %parallel_loop3A_643], %parallel_loop3A_646 : memref<128x129xf32, #tpu.memory_space<vmem>>[vector<16xi32>, vector<16xi32>], vector<16xf32>,
        %parallel_loop3A_647 = arith.index_cast %parallel_loop3A_639 : i32 to index
        %parallel_loop3A_648 = arith.constant 16 : index
        %parallel_loop3A_649 = tpu.vector_load %arg7[%parallel_loop3A_647, %parallel_loop3A_648] {strides = array<i32>} : memref<512x32xf32, #tpu.memory_space<vmem>>, vector<16xf32>,
        tpu.vector_store_idx %arg9[%add3A_93, %parallel_loop3A_643], %parallel_loop3A_649 : memref<128x129xf32, #tpu.memory_space<vmem>>[vector<16xi32>, vector<16xi32>], vector<16xf32>,
      } {sc.loop_unroll_factor = 8 : i64, sc.parallel_access}
      %parallel_loop3A_564 = arith.constant 0 : i32
      %parallel_loop3A_565 = arith.constant 128 : i32
      %parallel_loop3A_566 = arith.constant 1 : i32
      scf.for %parallel_loop3A_637 = %parallel_loop3A_564 to %parallel_loop3A_565 step %parallel_loop3A_566  : i32 {
        %parallel_loop3A_638 = arith.constant 384 : i32
        %parallel_loop3A_639 = arith.addi %parallel_loop3A_638, %parallel_loop3A_637 : i32
        %parallel_loop3A_640 = arith.constant 0 : i32
        %parallel_loop3A_641 = vector.broadcast %parallel_loop3A_640 : i32 to vector<16xi32>
        %parallel_loop3A_642 = vector.broadcast %parallel_loop3A_637 : i32 to vector<16xi32>
        %parallel_loop3A_643 = arith.addi %parallel_loop3A_641, %parallel_loop3A_642 : vector<16xi32>
        %parallel_loop3A_644 = arith.index_cast %parallel_loop3A_639 : i32 to index
        %parallel_loop3A_645 = arith.constant 0 : index
        %parallel_loop3A_646 = tpu.vector_load %arg7[%parallel_loop3A_644, %parallel_loop3A_645] {strides = array<i32>} : memref<512x32xf32, #tpu.memory_space<vmem>>, vector<16xf32>,
        tpu.vector_store_idx %arg9[%add3A_109, %parallel_loop3A_643], %parallel_loop3A_646 : memref<128x129xf32, #tpu.memory_space<vmem>>[vector<16xi32>, vector<16xi32>], vector<16xf32>,
        %parallel_loop3A_647 = arith.index_cast %parallel_loop3A_639 : i32 to index
        %parallel_loop3A_648 = arith.constant 16 : index
        %parallel_loop3A_649 = tpu.vector_load %arg7[%parallel_loop3A_647, %parallel_loop3A_648] {strides = array<i32>} : memref<512x32xf32, #tpu.memory_space<vmem>>, vector<16xf32>,
        tpu.vector_store_idx %arg9[%add3A_125, %parallel_loop3A_643], %parallel_loop3A_649 : memref<128x129xf32, #tpu.memory_space<vmem>>[vector<16xi32>, vector<16xi32>], vector<16xf32>,
      } {sc.loop_unroll_factor = 8 : i64, sc.parallel_access}
      %add3A_567 = arith.constant 1 : i32
      %add3A_568 = arith.addi %add3A_324, %add3A_567 : i32
      %mul3A_569 = arith.constant 4 : i32
      %mul3A_570 = arith.muli %add3A, %mul3A_569 : i32
      %mul3A_571 = arith.constant 8 : i32
      %mul3A_572 = arith.muli %mul3A_570, %mul3A_571 : i32
      %dma_start3A_573 = arith.constant 0 : i32
      %dma_start3A_574 = arith.constant 0 : i32
      %dma_start3A_575 = arith.constant 0 : i32
      %dma_start3A_576 = tpu.memref_slice %arg9[%dma_start3A_574, %dma_start3A_575] : memref<128x129xf32, #tpu.memory_space<vmem>> -> memref<32x128xf32, #tpu.memory_space<vmem>>
      %dma_start3A_577 = arith.constant 0 : i32
      %dma_start3A_578 = tpu.memref_slice %arg4[%add3A_568, %dma_start3A_573, %mul3A_572, %dma_start3A_577] : memref<100x4x1024x128xf32, #tpu.memory_space<hbm>> -> memref<1x1x32x128xf32, #tpu.memory_space<hbm>>
      %dma_start3A_579 = tpu.memref_squeeze %dma_start3A_578 : memref<1x1x32x128xf32, #tpu.memory_space<hbm>> -> memref<32x128xf32, #tpu.memory_space<hbm>>
      %dma_start3A_580 = arith.constant 0 : i32
      %dma_start3A_581 = tpu.memref_slice %arg4[%add3A_568, %dma_start3A_573, %mul3A_572, %dma_start3A_580] : memref<100x4x1024x128xf32, #tpu.memory_space<hbm>> -> memref<1x1x32x128xf32, #tpu.memory_space<hbm>>
      %dma_start3A_582 = tpu.memref_squeeze %dma_start3A_581 : memref<1x1x32x128xf32, #tpu.memory_space<hbm>> -> memref<32x128xf32, #tpu.memory_space<hbm>>
      %dma_start3A_583 = arith.constant 0 : i32
      %dma_start3A_584 = arith.constant 0 : i32
      %dma_start3A_585 = tpu.memref_slice %arg9[%dma_start3A_583, %dma_start3A_584] : memref<128x129xf32, #tpu.memory_space<vmem>> -> memref<32x128xf32, #tpu.memory_space<vmem>>
      tpu.enqueue_dma source(%dma_start3A_585 : memref<32x128xf32, #tpu.memory_space<vmem>>) target(%dma_start3A_582 : memref<32x128xf32, #tpu.memory_space<hbm>>) target_semaphore(%arg13 : memref<!tpu.dma_semaphore, #tpu.memory_space<semaphore_mem>>)
      %mul3A_586 = arith.constant 4 : i32
      %mul3A_587 = arith.muli %add3A, %mul3A_586 : i32
      %mul3A_588 = arith.constant 8 : i32
      %mul3A_589 = arith.muli %mul3A_587, %mul3A_588 : i32
      %dma_start3A_590 = arith.constant 1 : i32
      %dma_start3A_591 = arith.constant 32 : i32
      %dma_start3A_592 = arith.constant 0 : i32
      %dma_start3A_593 = tpu.memref_slice %arg9[%dma_start3A_591, %dma_start3A_592] : memref<128x129xf32, #tpu.memory_space<vmem>> -> memref<32x128xf32, #tpu.memory_space<vmem>>
      %dma_start3A_594 = arith.constant 0 : i32
      %dma_start3A_595 = tpu.memref_slice %arg4[%add3A_568, %dma_start3A_590, %mul3A_589, %dma_start3A_594] : memref<100x4x1024x128xf32, #tpu.memory_space<hbm>> -> memref<1x1x32x128xf32, #tpu.memory_space<hbm>>
      %dma_start3A_596 = tpu.memref_squeeze %dma_start3A_595 : memref<1x1x32x128xf32, #tpu.memory_space<hbm>> -> memref<32x128xf32, #tpu.memory_space<hbm>>
      %dma_start3A_597 = arith.constant 0 : i32
      %dma_start3A_598 = tpu.memref_slice %arg4[%add3A_568, %dma_start3A_590, %mul3A_589, %dma_start3A_597] : memref<100x4x1024x128xf32, #tpu.memory_space<hbm>> -> memref<1x1x32x128xf32, #tpu.memory_space<hbm>>
      %dma_start3A_599 = tpu.memref_squeeze %dma_start3A_598 : memref<1x1x32x128xf32, #tpu.memory_space<hbm>> -> memref<32x128xf32, #tpu.memory_space<hbm>>
      %dma_start3A_600 = arith.constant 32 : i32
      %dma_start3A_601 = arith.constant 0 : i32
      %dma_start3A_602 = tpu.memref_slice %arg9[%dma_start3A_600, %dma_start3A_601] : memref<128x129xf32, #tpu.memory_space<vmem>> -> memref<32x128xf32, #tpu.memory_space<vmem>>
      tpu.enqueue_dma source(%dma_start3A_602 : memref<32x128xf32, #tpu.memory_space<vmem>>) target(%dma_start3A_599 : memref<32x128xf32, #tpu.memory_space<hbm>>) target_semaphore(%arg13 : memref<!tpu.dma_semaphore, #tpu.memory_space<semaphore_mem>>)
      %mul3A_603 = arith.constant 4 : i32
      %mul3A_604 = arith.muli %add3A, %mul3A_603 : i32
      %mul3A_605 = arith.constant 8 : i32
      %mul3A_606 = arith.muli %mul3A_604, %mul3A_605 : i32
      %dma_start3A_607 = arith.constant 2 : i32
      %dma_start3A_608 = arith.constant 64 : i32
      %dma_start3A_609 = arith.constant 0 : i32
      %dma_start3A_610 = tpu.memref_slice %arg9[%dma_start3A_608, %dma_start3A_609] : memref<128x129xf32, #tpu.memory_space<vmem>> -> memref<32x128xf32, #tpu.memory_space<vmem>>
      %dma_start3A_611 = arith.constant 0 : i32
      %dma_start3A_612 = tpu.memref_slice %arg4[%add3A_568, %dma_start3A_607, %mul3A_606, %dma_start3A_611] : memref<100x4x1024x128xf32, #tpu.memory_space<hbm>> -> memref<1x1x32x128xf32, #tpu.memory_space<hbm>>
      %dma_start3A_613 = tpu.memref_squeeze %dma_start3A_612 : memref<1x1x32x128xf32, #tpu.memory_space<hbm>> -> memref<32x128xf32, #tpu.memory_space<hbm>>
      %dma_start3A_614 = arith.constant 0 : i32
      %dma_start3A_615 = tpu.memref_slice %arg4[%add3A_568, %dma_start3A_607, %mul3A_606, %dma_start3A_614] : memref<100x4x1024x128xf32, #tpu.memory_space<hbm>> -> memref<1x1x32x128xf32, #tpu.memory_space<hbm>>
      %dma_start3A_616 = tpu.memref_squeeze %dma_start3A_615 : memref<1x1x32x128xf32, #tpu.memory_space<hbm>> -> memref<32x128xf32, #tpu.memory_space<hbm>>
      %dma_start3A_617 = arith.constant 64 : i32
      %dma_start3A_618 = arith.constant 0 : i32
      %dma_start3A_619 = tpu.memref_slice %arg9[%dma_start3A_617, %dma_start3A_618] : memref<128x129xf32, #tpu.memory_space<vmem>> -> memref<32x128xf32, #tpu.memory_space<vmem>>
      tpu.enqueue_dma source(%dma_start3A_619 : memref<32x128xf32, #tpu.memory_space<vmem>>) target(%dma_start3A_616 : memref<32x128xf32, #tpu.memory_space<hbm>>) target_semaphore(%arg13 : memref<!tpu.dma_semaphore, #tpu.memory_space<semaphore_mem>>)
      %mul3A_620 = arith.constant 4 : i32
      %mul3A_621 = arith.muli %add3A, %mul3A_620 : i32
      %mul3A_622 = arith.constant 8 : i32
      %mul3A_623 = arith.muli %mul3A_621, %mul3A_622 : i32
      %dma_start3A_624 = arith.constant 3 : i32
      %dma_start3A_625 = arith.constant 96 : i32
      %dma_start3A_626 = arith.constant 0 : i32
      %dma_start3A_627 = tpu.memref_slice %arg9[%dma_start3A_625, %dma_start3A_626] : memref<128x129xf32, #tpu.memory_space<vmem>> -> memref<32x128xf32, #tpu.memory_space<vmem>>
      %dma_start3A_628 = arith.constant 0 : i32
      %dma_start3A_629 = tpu.memref_slice %arg4[%add3A_568, %dma_start3A_624, %mul3A_623, %dma_start3A_628] : memref<100x4x1024x128xf32, #tpu.memory_space<hbm>> -> memref<1x1x32x128xf32, #tpu.memory_space<hbm>>
      %dma_start3A_630 = tpu.memref_squeeze %dma_start3A_629 : memref<1x1x32x128xf32, #tpu.memory_space<hbm>> -> memref<32x128xf32, #tpu.memory_space<hbm>>
      %dma_start3A_631 = arith.constant 0 : i32
      %dma_start3A_632 = tpu.memref_slice %arg4[%add3A_568, %dma_start3A_624, %mul3A_623, %dma_start3A_631] : memref<100x4x1024x128xf32, #tpu.memory_space<hbm>> -> memref<1x1x32x128xf32, #tpu.memory_space<hbm>>
      %dma_start3A_633 = tpu.memref_squeeze %dma_start3A_632 : memref<1x1x32x128xf32, #tpu.memory_space<hbm>> -> memref<32x128xf32, #tpu.memory_space<hbm>>
      %dma_start3A_634 = arith.constant 96 : i32
      %dma_start3A_635 = arith.constant 0 : i32
      %dma_start3A_636 = tpu.memref_slice %arg9[%dma_start3A_634, %dma_start3A_635] : memref<128x129xf32, #tpu.memory_space<vmem>> -> memref<32x128xf32, #tpu.memory_space<vmem>>
      tpu.enqueue_dma source(%dma_start3A_636 : memref<32x128xf32, #tpu.memory_space<vmem>>) target(%dma_start3A_633 : memref<32x128xf32, #tpu.memory_space<hbm>>) target_semaphore(%arg13 : memref<!tpu.dma_semaphore, #tpu.memory_space<semaphore_mem>>)
    }
    %scan3A_176 = arith.constant 50 : i32
    %mul3A_177 = arith.constant 4 : i32
    %mul3A_178 = arith.muli %add3A, %mul3A_177 : i32
    %mul3A_179 = arith.constant 8 : i32
    %mul3A_180 = arith.muli %mul3A_178, %mul3A_179 : i32
    %dma_wait3A = arith.constant 0 : i32
    %dma_wait3A_181 = arith.constant 0 : i32
    %dma_wait3A_182 = arith.constant 0 : i32
    %dma_wait3A_183 = arith.constant 0 : i32
    %dma_wait3A_184 = tpu.memref_slice %arg8[%dma_wait3A_182, %dma_wait3A_183] : memref<128x129xf32, #tpu.memory_space<vmem>> -> memref<32x128xf32, #tpu.memory_space<vmem>>
    %dma_wait3A_185 = arith.constant 0 : i32
    %dma_wait3A_186 = tpu.memref_slice %arg4[%dma_wait3A, %dma_wait3A_181, %mul3A_180, %dma_wait3A_185] : memref<100x4x1024x128xf32, #tpu.memory_space<hbm>> -> memref<1x1x32x128xf32, #tpu.memory_space<hbm>>
    %dma_wait3A_187 = tpu.memref_squeeze %dma_wait3A_186 : memref<1x1x32x128xf32, #tpu.memory_space<hbm>> -> memref<32x128xf32, #tpu.memory_space<hbm>>
    %dma_wait3A_188 = arith.constant 0 : i32
    %dma_wait3A_189 = tpu.memref_slice %arg4[%dma_wait3A, %dma_wait3A_181, %mul3A_180, %dma_wait3A_188] : memref<100x4x1024x128xf32, #tpu.memory_space<hbm>> -> memref<1x1x32x128xf32, #tpu.memory_space<hbm>>
    %dma_wait3A_190 = tpu.memref_squeeze %dma_wait3A_189 : memref<1x1x32x128xf32, #tpu.memory_space<hbm>> -> memref<32x128xf32, #tpu.memory_space<hbm>>
    %dma_wait3A_191 = arith.constant 0 : i32
    %dma_wait3A_192 = arith.constant 0 : i32
    %dma_wait3A_193 = tpu.memref_slice %arg8[%dma_wait3A_191, %dma_wait3A_192] : memref<128x129xf32, #tpu.memory_space<vmem>> -> memref<32x128xf32, #tpu.memory_space<vmem>>
    tpu.wait_dma2 semaphore(%arg12 : memref<!tpu.dma_semaphore, #tpu.memory_space<semaphore_mem>>) src(%dma_wait3A_193 : memref<32x128xf32, #tpu.memory_space<vmem>>) dst(%dma_wait3A_190 : memref<32x128xf32, #tpu.memory_space<hbm>>)
    %mul3A_194 = arith.constant 4 : i32
    %mul3A_195 = arith.muli %add3A, %mul3A_194 : i32
    %mul3A_196 = arith.constant 8 : i32
    %mul3A_197 = arith.muli %mul3A_195, %mul3A_196 : i32
    %dma_wait3A_198 = arith.constant 0 : i32
    %dma_wait3A_199 = arith.constant 1 : i32
    %dma_wait3A_200 = arith.constant 32 : i32
    %dma_wait3A_201 = arith.constant 0 : i32
    %dma_wait3A_202 = tpu.memref_slice %arg8[%dma_wait3A_200, %dma_wait3A_201] : memref<128x129xf32, #tpu.memory_space<vmem>> -> memref<32x128xf32, #tpu.memory_space<vmem>>
    %dma_wait3A_203 = arith.constant 0 : i32
    %dma_wait3A_204 = tpu.memref_slice %arg4[%dma_wait3A_198, %dma_wait3A_199, %mul3A_197, %dma_wait3A_203] : memref<100x4x1024x128xf32, #tpu.memory_space<hbm>> -> memref<1x1x32x128xf32, #tpu.memory_space<hbm>>
    %dma_wait3A_205 = tpu.memref_squeeze %dma_wait3A_204 : memref<1x1x32x128xf32, #tpu.memory_space<hbm>> -> memref<32x128xf32, #tpu.memory_space<hbm>>
    %dma_wait3A_206 = arith.constant 0 : i32
    %dma_wait3A_207 = tpu.memref_slice %arg4[%dma_wait3A_198, %dma_wait3A_199, %mul3A_197, %dma_wait3A_206] : memref<100x4x1024x128xf32, #tpu.memory_space<hbm>> -> memref<1x1x32x128xf32, #tpu.memory_space<hbm>>
    %dma_wait3A_208 = tpu.memref_squeeze %dma_wait3A_207 : memref<1x1x32x128xf32, #tpu.memory_space<hbm>> -> memref<32x128xf32, #tpu.memory_space<hbm>>
    %dma_wait3A_209 = arith.constant 32 : i32
    %dma_wait3A_210 = arith.constant 0 : i32
    %dma_wait3A_211 = tpu.memref_slice %arg8[%dma_wait3A_209, %dma_wait3A_210] : memref<128x129xf32, #tpu.memory_space<vmem>> -> memref<32x128xf32, #tpu.memory_space<vmem>>
    tpu.wait_dma2 semaphore(%arg12 : memref<!tpu.dma_semaphore, #tpu.memory_space<semaphore_mem>>) src(%dma_wait3A_211 : memref<32x128xf32, #tpu.memory_space<vmem>>) dst(%dma_wait3A_208 : memref<32x128xf32, #tpu.memory_space<hbm>>)
    %mul3A_212 = arith.constant 4 : i32
    %mul3A_213 = arith.muli %add3A, %mul3A_212 : i32
    %mul3A_214 = arith.constant 8 : i32
    %mul3A_215 = arith.muli %mul3A_213, %mul3A_214 : i32
    %dma_wait3A_216 = arith.constant 0 : i32
    %dma_wait3A_217 = arith.constant 2 : i32
    %dma_wait3A_218 = arith.constant 64 : i32
    %dma_wait3A_219 = arith.constant 0 : i32
    %dma_wait3A_220 = tpu.memref_slice %arg8[%dma_wait3A_218, %dma_wait3A_219] : memref<128x129xf32, #tpu.memory_space<vmem>> -> memref<32x128xf32, #tpu.memory_space<vmem>>
    %dma_wait3A_221 = arith.constant 0 : i32
    %dma_wait3A_222 = tpu.memref_slice %arg4[%dma_wait3A_216, %dma_wait3A_217, %mul3A_215, %dma_wait3A_221] : memref<100x4x1024x128xf32, #tpu.memory_space<hbm>> -> memref<1x1x32x128xf32, #tpu.memory_space<hbm>>
    %dma_wait3A_223 = tpu.memref_squeeze %dma_wait3A_222 : memref<1x1x32x128xf32, #tpu.memory_space<hbm>> -> memref<32x128xf32, #tpu.memory_space<hbm>>
    %dma_wait3A_224 = arith.constant 0 : i32
    %dma_wait3A_225 = tpu.memref_slice %arg4[%dma_wait3A_216, %dma_wait3A_217, %mul3A_215, %dma_wait3A_224] : memref<100x4x1024x128xf32, #tpu.memory_space<hbm>> -> memref<1x1x32x128xf32, #tpu.memory_space<hbm>>
    %dma_wait3A_226 = tpu.memref_squeeze %dma_wait3A_225 : memref<1x1x32x128xf32, #tpu.memory_space<hbm>> -> memref<32x128xf32, #tpu.memory_space<hbm>>
    %dma_wait3A_227 = arith.constant 64 : i32
    %dma_wait3A_228 = arith.constant 0 : i32
    %dma_wait3A_229 = tpu.memref_slice %arg8[%dma_wait3A_227, %dma_wait3A_228] : memref<128x129xf32, #tpu.memory_space<vmem>> -> memref<32x128xf32, #tpu.memory_space<vmem>>
    tpu.wait_dma2 semaphore(%arg12 : memref<!tpu.dma_semaphore, #tpu.memory_space<semaphore_mem>>) src(%dma_wait3A_229 : memref<32x128xf32, #tpu.memory_space<vmem>>) dst(%dma_wait3A_226 : memref<32x128xf32, #tpu.memory_space<hbm>>)
    %mul3A_230 = arith.constant 4 : i32
    %mul3A_231 = arith.muli %add3A, %mul3A_230 : i32
    %mul3A_232 = arith.constant 8 : i32
    %mul3A_233 = arith.muli %mul3A_231, %mul3A_232 : i32
    %dma_wait3A_234 = arith.constant 0 : i32
    %dma_wait3A_235 = arith.constant 3 : i32
    %dma_wait3A_236 = arith.constant 96 : i32
    %dma_wait3A_237 = arith.constant 0 : i32
    %dma_wait3A_238 = tpu.memref_slice %arg8[%dma_wait3A_236, %dma_wait3A_237] : memref<128x129xf32, #tpu.memory_space<vmem>> -> memref<32x128xf32, #tpu.memory_space<vmem>>
    %dma_wait3A_239 = arith.constant 0 : i32
    %dma_wait3A_240 = tpu.memref_slice %arg4[%dma_wait3A_234, %dma_wait3A_235, %mul3A_233, %dma_wait3A_239] : memref<100x4x1024x128xf32, #tpu.memory_space<hbm>> -> memref<1x1x32x128xf32, #tpu.memory_space<hbm>>
    %dma_wait3A_241 = tpu.memref_squeeze %dma_wait3A_240 : memref<1x1x32x128xf32, #tpu.memory_space<hbm>> -> memref<32x128xf32, #tpu.memory_space<hbm>>
    %dma_wait3A_242 = arith.constant 0 : i32
    %dma_wait3A_243 = tpu.memref_slice %arg4[%dma_wait3A_234, %dma_wait3A_235, %mul3A_233, %dma_wait3A_242] : memref<100x4x1024x128xf32, #tpu.memory_space<hbm>> -> memref<1x1x32x128xf32, #tpu.memory_space<hbm>>
    %dma_wait3A_244 = tpu.memref_squeeze %dma_wait3A_243 : memref<1x1x32x128xf32, #tpu.memory_space<hbm>> -> memref<32x128xf32, #tpu.memory_space<hbm>>
    %dma_wait3A_245 = arith.constant 96 : i32
    %dma_wait3A_246 = arith.constant 0 : i32
    %dma_wait3A_247 = tpu.memref_slice %arg8[%dma_wait3A_245, %dma_wait3A_246] : memref<128x129xf32, #tpu.memory_space<vmem>> -> memref<32x128xf32, #tpu.memory_space<vmem>>
    tpu.wait_dma2 semaphore(%arg12 : memref<!tpu.dma_semaphore, #tpu.memory_space<semaphore_mem>>) src(%dma_wait3A_247 : memref<32x128xf32, #tpu.memory_space<vmem>>) dst(%dma_wait3A_244 : memref<32x128xf32, #tpu.memory_space<hbm>>)
    %mul3A_248 = arith.constant 4 : i32
    %mul3A_249 = arith.muli %add3A, %mul3A_248 : i32
    %mul3A_250 = arith.constant 8 : i32
    %mul3A_251 = arith.muli %mul3A_249, %mul3A_250 : i32
    %dma_wait3A_252 = arith.constant 0 : i32
    %dma_wait3A_253 = arith.constant 0 : i32
    %dma_wait3A_254 = arith.constant 0 : i32
    %dma_wait3A_255 = arith.constant 0 : i32
    %dma_wait3A_256 = tpu.memref_slice %arg9[%dma_wait3A_254, %dma_wait3A_255] : memref<128x129xf32, #tpu.memory_space<vmem>> -> memref<32x128xf32, #tpu.memory_space<vmem>>
    %dma_wait3A_257 = arith.constant 0 : i32
    %dma_wait3A_258 = tpu.memref_slice %arg4[%dma_wait3A_252, %dma_wait3A_253, %mul3A_251, %dma_wait3A_257] : memref<100x4x1024x128xf32, #tpu.memory_space<hbm>> -> memref<1x1x32x128xf32, #tpu.memory_space<hbm>>
    %dma_wait3A_259 = tpu.memref_squeeze %dma_wait3A_258 : memref<1x1x32x128xf32, #tpu.memory_space<hbm>> -> memref<32x128xf32, #tpu.memory_space<hbm>>
    %dma_wait3A_260 = arith.constant 0 : i32
    %dma_wait3A_261 = tpu.memref_slice %arg4[%dma_wait3A_252, %dma_wait3A_253, %mul3A_251, %dma_wait3A_260] : memref<100x4x1024x128xf32, #tpu.memory_space<hbm>> -> memref<1x1x32x128xf32, #tpu.memory_space<hbm>>
    %dma_wait3A_262 = tpu.memref_squeeze %dma_wait3A_261 : memref<1x1x32x128xf32, #tpu.memory_space<hbm>> -> memref<32x128xf32, #tpu.memory_space<hbm>>
    %dma_wait3A_263 = arith.constant 0 : i32
    %dma_wait3A_264 = arith.constant 0 : i32
    %dma_wait3A_265 = tpu.memref_slice %arg9[%dma_wait3A_263, %dma_wait3A_264] : memref<128x129xf32, #tpu.memory_space<vmem>> -> memref<32x128xf32, #tpu.memory_space<vmem>>
    tpu.wait_dma2 semaphore(%arg13 : memref<!tpu.dma_semaphore, #tpu.memory_space<semaphore_mem>>) src(%dma_wait3A_265 : memref<32x128xf32, #tpu.memory_space<vmem>>) dst(%dma_wait3A_262 : memref<32x128xf32, #tpu.memory_space<hbm>>)
    %mul3A_266 = arith.constant 4 : i32
    %mul3A_267 = arith.muli %add3A, %mul3A_266 : i32
    %mul3A_268 = arith.constant 8 : i32
    %mul3A_269 = arith.muli %mul3A_267, %mul3A_268 : i32
    %dma_wait3A_270 = arith.constant 0 : i32
    %dma_wait3A_271 = arith.constant 1 : i32
    %dma_wait3A_272 = arith.constant 32 : i32
    %dma_wait3A_273 = arith.constant 0 : i32
    %dma_wait3A_274 = tpu.memref_slice %arg9[%dma_wait3A_272, %dma_wait3A_273] : memref<128x129xf32, #tpu.memory_space<vmem>> -> memref<32x128xf32, #tpu.memory_space<vmem>>
    %dma_wait3A_275 = arith.constant 0 : i32
    %dma_wait3A_276 = tpu.memref_slice %arg4[%dma_wait3A_270, %dma_wait3A_271, %mul3A_269, %dma_wait3A_275] : memref<100x4x1024x128xf32, #tpu.memory_space<hbm>> -> memref<1x1x32x128xf32, #tpu.memory_space<hbm>>
    %dma_wait3A_277 = tpu.memref_squeeze %dma_wait3A_276 : memref<1x1x32x128xf32, #tpu.memory_space<hbm>> -> memref<32x128xf32, #tpu.memory_space<hbm>>
    %dma_wait3A_278 = arith.constant 0 : i32
    %dma_wait3A_279 = tpu.memref_slice %arg4[%dma_wait3A_270, %dma_wait3A_271, %mul3A_269, %dma_wait3A_278] : memref<100x4x1024x128xf32, #tpu.memory_space<hbm>> -> memref<1x1x32x128xf32, #tpu.memory_space<hbm>>
    %dma_wait3A_280 = tpu.memref_squeeze %dma_wait3A_279 : memref<1x1x32x128xf32, #tpu.memory_space<hbm>> -> memref<32x128xf32, #tpu.memory_space<hbm>>
    %dma_wait3A_281 = arith.constant 32 : i32
    %dma_wait3A_282 = arith.constant 0 : i32
    %dma_wait3A_283 = tpu.memref_slice %arg9[%dma_wait3A_281, %dma_wait3A_282] : memref<128x129xf32, #tpu.memory_space<vmem>> -> memref<32x128xf32, #tpu.memory_space<vmem>>
    tpu.wait_dma2 semaphore(%arg13 : memref<!tpu.dma_semaphore, #tpu.memory_space<semaphore_mem>>) src(%dma_wait3A_283 : memref<32x128xf32, #tpu.memory_space<vmem>>) dst(%dma_wait3A_280 : memref<32x128xf32, #tpu.memory_space<hbm>>)
    %mul3A_284 = arith.constant 4 : i32
    %mul3A_285 = arith.muli %add3A, %mul3A_284 : i32
    %mul3A_286 = arith.constant 8 : i32
    %mul3A_287 = arith.muli %mul3A_285, %mul3A_286 : i32
    %dma_wait3A_288 = arith.constant 0 : i32
    %dma_wait3A_289 = arith.constant 2 : i32
    %dma_wait3A_290 = arith.constant 64 : i32
    %dma_wait3A_291 = arith.constant 0 : i32
    %dma_wait3A_292 = tpu.memref_slice %arg9[%dma_wait3A_290, %dma_wait3A_291] : memref<128x129xf32, #tpu.memory_space<vmem>> -> memref<32x128xf32, #tpu.memory_space<vmem>>
    %dma_wait3A_293 = arith.constant 0 : i32
    %dma_wait3A_294 = tpu.memref_slice %arg4[%dma_wait3A_288, %dma_wait3A_289, %mul3A_287, %dma_wait3A_293] : memref<100x4x1024x128xf32, #tpu.memory_space<hbm>> -> memref<1x1x32x128xf32, #tpu.memory_space<hbm>>
    %dma_wait3A_295 = tpu.memref_squeeze %dma_wait3A_294 : memref<1x1x32x128xf32, #tpu.memory_space<hbm>> -> memref<32x128xf32, #tpu.memory_space<hbm>>
    %dma_wait3A_296 = arith.constant 0 : i32
    %dma_wait3A_297 = tpu.memref_slice %arg4[%dma_wait3A_288, %dma_wait3A_289, %mul3A_287, %dma_wait3A_296] : memref<100x4x1024x128xf32, #tpu.memory_space<hbm>> -> memref<1x1x32x128xf32, #tpu.memory_space<hbm>>
    %dma_wait3A_298 = tpu.memref_squeeze %dma_wait3A_297 : memref<1x1x32x128xf32, #tpu.memory_space<hbm>> -> memref<32x128xf32, #tpu.memory_space<hbm>>
    %dma_wait3A_299 = arith.constant 64 : i32
    %dma_wait3A_300 = arith.constant 0 : i32
    %dma_wait3A_301 = tpu.memref_slice %arg9[%dma_wait3A_299, %dma_wait3A_300] : memref<128x129xf32, #tpu.memory_space<vmem>> -> memref<32x128xf32, #tpu.memory_space<vmem>>
    tpu.wait_dma2 semaphore(%arg13 : memref<!tpu.dma_semaphore, #tpu.memory_space<semaphore_mem>>) src(%dma_wait3A_301 : memref<32x128xf32, #tpu.memory_space<vmem>>) dst(%dma_wait3A_298 : memref<32x128xf32, #tpu.memory_space<hbm>>)
    %mul3A_302 = arith.constant 4 : i32
    %mul3A_303 = arith.muli %add3A, %mul3A_302 : i32
    %mul3A_304 = arith.constant 8 : i32
    %mul3A_305 = arith.muli %mul3A_303, %mul3A_304 : i32
    %dma_wait3A_306 = arith.constant 0 : i32
    %dma_wait3A_307 = arith.constant 3 : i32
    %dma_wait3A_308 = arith.constant 96 : i32
    %dma_wait3A_309 = arith.constant 0 : i32
    %dma_wait3A_310 = tpu.memref_slice %arg9[%dma_wait3A_308, %dma_wait3A_309] : memref<128x129xf32, #tpu.memory_space<vmem>> -> memref<32x128xf32, #tpu.memory_space<vmem>>
    %dma_wait3A_311 = arith.constant 0 : i32
    %dma_wait3A_312 = tpu.memref_slice %arg4[%dma_wait3A_306, %dma_wait3A_307, %mul3A_305, %dma_wait3A_311] : memref<100x4x1024x128xf32, #tpu.memory_space<hbm>> -> memref<1x1x32x128xf32, #tpu.memory_space<hbm>>
    %dma_wait3A_313 = tpu.memref_squeeze %dma_wait3A_312 : memref<1x1x32x128xf32, #tpu.memory_space<hbm>> -> memref<32x128xf32, #tpu.memory_space<hbm>>
    %dma_wait3A_314 = arith.constant 0 : i32
    %dma_wait3A_315 = tpu.memref_slice %arg4[%dma_wait3A_306, %dma_wait3A_307, %mul3A_305, %dma_wait3A_314] : memref<100x4x1024x128xf32, #tpu.memory_space<hbm>> -> memref<1x1x32x128xf32, #tpu.memory_space<hbm>>
    %dma_wait3A_316 = tpu.memref_squeeze %dma_wait3A_315 : memref<1x1x32x128xf32, #tpu.memory_space<hbm>> -> memref<32x128xf32, #tpu.memory_space<hbm>>
    %dma_wait3A_317 = arith.constant 96 : i32
    %dma_wait3A_318 = arith.constant 0 : i32
    %dma_wait3A_319 = tpu.memref_slice %arg9[%dma_wait3A_317, %dma_wait3A_318] : memref<128x129xf32, #tpu.memory_space<vmem>> -> memref<32x128xf32, #tpu.memory_space<vmem>>
    tpu.wait_dma2 semaphore(%arg13 : memref<!tpu.dma_semaphore, #tpu.memory_space<semaphore_mem>>) src(%dma_wait3A_319 : memref<32x128xf32, #tpu.memory_space<vmem>>) dst(%dma_wait3A_316 : memref<32x128xf32, #tpu.memory_space<hbm>>)
    return
  }
}

</mosaic_0001>

<sc_bundles>
// kernel: kernel.3.cloned.1.call-start
scs
__scs_entry_jumppad:
0x0: {  	(pc) =	sbr.rel $0x88, $3  }
0x1: {  	(tag) =	ssettag $0x0;
	lr =	simm.s32 $0x1  }
0x2: {  	[smem:$0x3F9F] =	sst lr;
	_ =	strace $0xD0000000  }
0x3: {  	_ = 	snop  }
0x4: {  	_ = 	snop  }
0x5: {  	_ = 	snop  }
0x6: {  	_ = 	snop  }
0x7: {  	_ = 	snop  }
__scs_overlays_trampoline_lowered:
0x8: {  	[smem:$0x3FAE] =	sst s0  }
0x9: {  	[smem:$0x3FAF] =	sst s1  }
0xa: {  	[smem:$0x3FB0] =	sst s2  }
0xb: {  	[smem:$0x3FB1] =	sst s3  }
0xc: {  	[smem:$0x3FB2] =	sst s4  }
0xd: {  	[smem:$0x3FB3] =	sst s5  }
0xe: {  	[smem:$0x3FB4] =	sst s6  }
0xf: {  	[smem:$0x3FB5] =	sst s7  }
0x10: {  	[smem:$0x3FB6] =	sst s8  }
0x11: {  	[smem:$0x3FB7] =	sst s9;
	s0 =	simm.s32 @!p0 $0x0  }
0x12: {  	s1 =	sld [smem:$0x3F9D];
	s0 =	simm.s32 @p0 $0x1  }
0x13: {  	[smem:$0x3FB8] =	sst s0;
	s0 =	simm.s32 @!p1 $0x0  }
0x14: {  	s2 =	sld [smem:$0x3F9C];
	s0 =	simm.s32 @p1 $0x1  }
0x15: {  	[smem:$0x3FB9] =	sst s0;
	s0 =	simm.s32 @!p2 $0x0  }
0x16: {  	s3 =	sld [smem:$0x3FDB];
	s0 =	simm.s32 @p2 $0x1  }
0x17: {  	s4 =	simm.s32 $0x1BF5;
	[smem:$0x3FBB] =	sst s0  }
0x18: {  	s0 =	sld [smem:$0x3F9E];
	_ =	swait.ge [sflag:s4], $0x0  }
0x19: {  	s7 =	sld [smem:$0x3F9F]  }
0x1a: {  	s8 =	sadd.s32 $0xFFFFE003, lr  }
0x1b: {  	s9 =	sadd.s32 $0xFFFFFEF7, lr;
	s5 =	simm.s32 $0xFFFFFFFF;
	p2 =	slt.u32 s8, $0xFFFFF086  }
0x1c: {  	p1 =	slt.u32 s9, $0xF7A;
	s5 =	simm.s32 @!p2 $0x0  }
0x1d: {  	s5 =	simm.s32 @p1 $0x1;
	p0 =	seq.s32 s7, s2  }
0x1e: {  	s7 =	smul.u32 @!p0 $0xF7A, s2;
	p2 =	seq.s32 @!p0 s5, $0x0  }
0x1f: {  	s9 =	smul.u32 $0xF7A, s1;
	s8 =	simm.s32 @!p0 $0x1BF5;
	p2 =	por !p2, p0  }
0x20: {  	[sflag:s8] =	ssyncset.s32 @!p0 $0xFFFFF086;
	s6 =	sadd.s32 @!p0 s3, s7;
	s7 =	simm.s32 @!p0 $0x108  }
0x21: {  	s3 =	sadd.s32 s3, s9;
	s6 =	sadd.s32 @!p0 $0x88, s6;
	s7 =	simm.s32 @p2 $0x1082  }
0x22: {  	[simem:s7], [sflag:s8] =	dma.local @!p0 [hbm:s6], $0xF7A  }
0x23: {  	s9 =	sor.u32 $0xD0000000, s2;
	s6 =	simm.s32 $0x108;
	_ =	swait.ge @!p0 [sflag:s8], $0x0  }
0x24: {  	s3 =	sadd.s32 $0x88, s3;
	s6 =	simm.s32 @!p1 $0x1082;
	[sflag:s4] =	ssyncset.s32 $0xFFFFF086  }
0x25: {  	[simem:s6], [sflag:s4] =	dma.local [hbm:s3], $0xF7A  }
0x26: {  	[smem:$0x3F9F] =	sst s1;
	(tag) =	ssettag s2;
	_ =	strace s9  }
0x27: {  	s1 =	sld [smem:$0x3FAF]  }
0x28: {  	s2 =	sld [smem:$0x3FB0]  }
0x29: {  	s4 =	sld [smem:$0x3FB2]  }
0x2a: {  	p0 =	seq.s32 s5, $0x0;
	s5 =	sld [smem:$0x3FB3]  }
0x2b: {  	s6 =	sld [smem:$0x3FB4]  }
0x2c: {  	s7 =	sld [smem:$0x3FB5]  }
0x2d: {  	s3 =	simm.s32 $0x108;
	s8 =	sld [smem:$0x3FB6]  }
0x2e: {  	s3 =	simm.s32 @!p0 $0x1082;
	s9 =	sld [smem:$0x3FB7]  }
0x2f: {  	lr =	sadd.s32 s0, s3;
	s0 =	sld [smem:$0x3FAE]  }
0x30: {  	s3 =	sld [smem:$0x3FB1]  }
0x31: {  	[smem:$0x3FBA] =	sst s10  }
0x32: {  	s10 =	sld [smem:$0x3FB8];
	_ =	sdelay $0x3  }
0x33: {  	p0 =	seq.s32 s10, $0x1;
	s10 =	sld [smem:$0x3FBA];
	_ =	sdelay $0x3  }
0x34: {  	[smem:$0x3FBA] =	sst s10  }
0x35: {  	s10 =	sld [smem:$0x3FB9];
	_ =	sdelay $0x3  }
0x36: {  	p1 =	seq.s32 s10, $0x1;
	s10 =	sld [smem:$0x3FBA];
	_ =	sdelay $0x3  }
0x37: {  	[smem:$0x3FBA] =	sst s10  }
0x38: {  	s10 =	sld [smem:$0x3FBB]  }
0x39: {  	_ = 	snop;
	(pc) =	sbr.ind lr, $3  }
0x3a: {  	_ = 	snop  }
0x3b: {  	_ = 	snop  }
0x3c: {  	p2 =	seq.s32 s10, $0x1;
	s10 =	sld [smem:$0x3FBA]  }
0x3d: {  	_ =	shalt  }
0x3e: {  	_ =	shalt  }
0x3f: {  	_ =	shalt  }
0x40: {  	_ =	shalt  }
0x41: {  	_ =	shalt  }
0x42: {  	_ =	shalt  }
0x43: {  	_ =	shalt  }
0x44: {  	_ =	shalt  }
0x45: {  	_ =	shalt  }
0x46: {  	_ =	shalt  }
0x47: {  	_ =	shalt  }
0x48: {  	_ =	shalt  }
0x49: {  	_ =	shalt  }
0x4a: {  	_ =	shalt  }
0x4b: {  	_ =	shalt  }
0x4c: {  	_ =	shalt  }
0x4d: {  	_ =	shalt  }
0x4e: {  	_ =	shalt  }
0x4f: {  	_ =	shalt  }
0x50: {  	_ =	shalt  }
0x51: {  	_ =	shalt  }
0x52: {  	_ =	shalt  }
0x53: {  	_ =	shalt  }
0x54: {  	_ =	shalt  }
0x55: {  	_ =	shalt  }
0x56: {  	_ =	shalt  }
0x57: {  	_ =	shalt  }
0x58: {  	_ =	shalt  }
0x59: {  	_ =	shalt  }
0x5a: {  	_ =	shalt  }
0x5b: {  	_ =	shalt  }
0x5c: {  	_ =	shalt  }
0x5d: {  	_ =	shalt  }
0x5e: {  	_ =	shalt  }
0x5f: {  	_ =	shalt  }
0x60: {  	_ =	shalt  }
0x61: {  	_ =	shalt  }
0x62: {  	_ =	shalt  }
0x63: {  	_ =	shalt  }
0x64: {  	_ =	shalt  }
0x65: {  	_ =	shalt  }
0x66: {  	_ =	shalt  }
0x67: {  	_ =	shalt  }
0x68: {  	_ =	shalt  }
0x69: {  	_ =	shalt  }
0x6a: {  	_ =	shalt  }
0x6b: {  	_ =	shalt  }
0x6c: {  	_ =	shalt  }
0x6d: {  	_ =	shalt  }
0x6e: {  	_ =	shalt  }
0x6f: {  	_ =	shalt  }
0x70: {  	_ =	shalt  }
0x71: {  	_ =	shalt  }
0x72: {  	_ =	shalt  }
0x73: {  	_ =	shalt  }
0x74: {  	_ =	shalt  }
0x75: {  	_ =	shalt  }
0x76: {  	_ =	shalt  }
0x77: {  	_ =	shalt  }
0x78: {  	_ =	shalt  }
0x79: {  	_ =	shalt  }
0x7a: {  	_ =	shalt  }
0x7b: {  	_ =	shalt  }
0x7c: {  	_ =	shalt  }
0x7d: {  	_ =	shalt  }
0x7e: {  	_ =	shalt  }
0x7f: {  	_ =	shalt  }
0x80: {  	_ =	shalt  }
0x81: {  	_ =	shalt  }
0x82: {  	_ =	shalt  }
0x83: {  	_ =	shalt  }
0x84: {  	_ =	shalt  }
0x85: {  	_ =	shalt  }
0x86: {  	_ =	shalt  }
0x87: {  	_ =	shalt  }
.Lfunc_end0:
.L_simem_size_0:
called_computation_lowered:
.L_overlay_start_0:
0x88: {  	s2 =	sld [smem:$0x3FD9]  }
0x89: {  	s3 =	sld [smem:$0x3FFE];
	_ =	sdelay $0x1  }
0x8a: {  	s1 =	srdreg.scid  }
0x8b: {  	s0 =	sand.u32 $0x1, s1  }
0x8c: {  	s17 =	sshll.u32 s0, $0xA;
	s2 =	sadd.s32 s3, s2  }
0x8d: {  	s2 =	sadd.s32 s2, s17  }
0x8e: {  	[smem:$0x3FC6] =	sst s2  }
0x8f: {  	_ = 	snop  }
0x90: {  	s2 =	sld [smem:$0x3FD0];
	(tm) =	ssettm $0x1  }
0x91: {  	s18 =	sld [smem:$0x3FFB];
	_ =	sdelay $0x3  }
0x92: {  	_ =	strace s18  }
0x93: {  	s3 =	sld [smem:$0x3FFC];
	_ =	sdelay $0x3  }
0x94: {  	_ =	strace s3  }
0x95: {  	s3 =	sld [smem:$0x3FFD];
	_ =	sdelay $0x3  }
0x96: {  	_ =	strace s3  }
0x97: {  	_ =	strace $0x8FFFFFFF  }
0x98: {  	s19 =	sld [smem:$0x3FDB];
	_ =	sdelay $0x1  }
0x99: {  	s4 =	simm.s32 $_scs_section_size  }
0x9a: {  	s5 =	simm.s32 $_size__tile_overlayer_lowered;
	s6 =	simm.s32 $_tile_overlayer_lowered  }
0x9b: {  	s22 =	simm.s32 $0x1BFF;
	s21 =	sshll.u32 s6, $0x1;
	s3 =	sadd.s32 s4, s19  }
0x9c: {  	s7 =	simm.s32 $0x0;
	s20 =	sshll.u32 s5, $0x1;
	s5 =	sadd.s32 s21, s3  }
0x9d: {  	[timem:s7], [sflag:s22] =	dma.local [hbm:s5], s20  }
0x9e: {  	_ =	swait.ge [sflag:s22], s20  }
0x9f: {  	s4 =	ssub.s32 $0x0, s20;
	[sflag:s22] =	ssyncset.done $0x0  }
0xa0: {  	[sflag:s22] =	ssyncadd.s32 s4;
	_ =	sdelay $0x1  }
0xa1: {  	s23 =	simm.s32 $0x1B8B  }
0xa2: {  	_ =	swait.ge [sflag:s23], $0x1  }
0xa3: {  	[sflag:s23] =	ssyncset.done $0x0  }
0xa4: {  	s25 =	simm.s32 $0x1B8E;
	s24 =	sld [smem:$0x3FFE];
	[sflag:s23] =	ssyncadd.s32 $0xFFFFFFFF  }
0xa5: {  	s26 =	simm.s32 $execute0_lowered;
	[smem:$0x3FD2] =	sst s25  }
0xa6: {  	s5 =	sshll.u32 s26, $0x1;
	_ =	strace $0x80000046;
	[dreg:$0x1] =	wrdreg $0xFFFFFFFF  }
0xa7: {  	s28 =	simm.s32 $_size_execute0_lowered;
	s3 =	sadd.s32 s3, s5;
	[dreg:$0x0] =	wrdreg $0x0  }
0xa8: {  	s5 =	sshll.u32 s28, $0x1;
	[dreg:$0x2] =	wrdreg s3  }
0xa9: {  	[dreg:$0x3] =	wrdreg s5  }
0xaa: {  	[dreg:$0x4] =	wrdreg $0xC0  }
0xab: {  	_ =	task [dreg:s7], $0x5FFFF  }
0xac: {  	[dreg:$0x1] =	wrdreg $0xFFFFFFFF  }
0xad: {  	[dreg:$0x0] =	wrdreg $0x60  }
0xae: {  	[dreg:$0x2] =	wrdreg s24  }
0xaf: {  	[dreg:$0x3] =	wrdreg s2  }
0xb0: {  	[dreg:$0x4] =	wrdreg $0x9  }
0xb1: {  	_ =	task.clear_ibuf [dreg:s7], $0x5FFFF;
	_ =	strace $0x90000046  }
0xb2: {  	s29 =	simm.s32 $0x9;
	_ =	strace $0x80000048  }
0xb3: {  	_ =	swait.ge [sflag:s29], $0x1  }
0xb4: {  	[sflag:s29] =	ssyncadd.s32 $0xFFFFFFFF  }
0xb5: {  	_ =	strace $0x90000048  }
0xb6: {  	_ =	sfence  }
0xb7: {  	s30 =	sld [smem:$0x0];
	_ =	sdelay $0x2  }
0xb8: {  	s31 =	sshll.u32 s1, $0xD;
	s1 =	sshrl.u32 s1, $0x2  }
0xb9: {  	s3 =	sand.u32 $0x4000, s31;
	s1 =	sadd.s32 s1, s30  }
0xba: {  	s0 =	sor.u32 s3, s0;
	s1 =	sshll.u32 s1, $0x11  }
0xbb: {  	s0 =	sor.u32 s1, s0  }
0xbc: {  	s0 =	sadd.s32 $0x8F2B, s0  }
0xbd: {  	[sflag:s0] =	ssyncadd.remote.s32 $0x1  }
0xbe: {  	_ =	sfence.sel $0xFFFF  }
0xbf: {  	[dreg:$0x0] =	wrdreg $0xFFFFFFFF;
	(pc) =	sbr.abs _section_cstart, $3  }
0xc0: {  	[dreg:$0x1] =	wrdreg $0xFFFFFFFF  }
0xc1: {  	_ =	task.clear_ibuf [dreg:s7], $0x2FFFF;
	_ =	strace $0x9FFFFFFF  }
0xc2: {  	(tm) =	ssettm $0x7FFFFFFF  }
0xc3: {  	_ =	shalt  }
tec
execute0_lowered:
.L_overlay_start_1:
0x0: {  	(tag) =	ssettag $0x1  }
0x1: {  	vm14 =	vcmask $0x300;
	v0 =	vimm.s32 $0x14B8  }
0x2: {  	vm13 =	vcmask $0x704;
	vm12 =	vcmask $0xB08;
	v3 =	vimm.s32 $0x36B9  }
0x3: {  	vm11 =	vcmask $0xF0C;
	v0 =	vsel vm14, $0x0, v0;
	v3 =	vsel vm14, $0x2201, v3  }
0x4: {  	vm10 =	vcmask $0x1310;
	v0 =	vsel vm13, $0x88, v0;
	v3 =	vsel vm13, $0x2289, v3  }
0x5: {  	vm9 =	vcmask $0x1714;
	v0 =	vsel vm12, $0x110, v0;
	v3 =	vsel vm12, $0x2311, v3  }
0x6: {  	vm8 =	vcmask $0x1B18;
	v0 =	vsel vm11, $0x198, v0;
	v3 =	vsel vm11, $0x2399, v3  }
0x7: {  	vm7 =	vcmask $0x1F1C;
	v0 =	vsel vm10, $0x220, v0;
	v3 =	vsel vm10, $0x2421, v3  }
0x8: {  	vm6 =	vcmask $0x2320;
	v0 =	vsel vm9, $0x2A8, v0;
	v3 =	vsel vm9, $0x24A9, v3  }
0x9: {  	vm5 =	vcmask $0x2724;
	v0 =	vsel vm8, $0x330, v0;
	v3 =	vsel vm8, $0x2531, v3  }
0xa: {  	vm4 =	vcmask $0x2B28;
	v0 =	vsel vm7, $0x3B8, v0;
	v3 =	vsel vm7, $0x25B9, v3  }
0xb: {  	vm3 =	vcmask $0x2F2C;
	v0 =	vsel vm6, $0x1100, v0;
	v3 =	vsel vm6, $0x3301, v3  }
0xc: {  	vm2 =	vcmask $0x3330;
	v0 =	vsel vm5, $0x1188, v0;
	v3 =	vsel vm5, $0x3389, v3  }
0xd: {  	vm1 =	vcmask $0x3734;
	v0 =	vsel vm4, $0x1210, v0;
	v3 =	vsel vm4, $0x3411, v3  }
0xe: {  	v1 =	vimm.s32 $0x0;
	v0 =	vsel vm3, $0x1298, v0;
	v3 =	vsel vm3, $0x3499, v3  }
0xf: {  	vm0 =	vcmask $0x3B38;
	v0 =	vsel vm2, $0x1320, v0;
	v3 =	vsel vm2, $0x3521, v3  }
0x10: {  	v2 =	vsel vm1, $0x13A8, v0;
	v0 =	vsel vm14, $0x3, v1;
	v1 =	vimm.s32 $0x36B8  }
0x11: {  	v27 =	vsel vm0, $0x1430, v2;
	v2 =	vimm.s32 $0x14B9;
	v1 =	vsel vm14, $0x2200, v1  }
0x12: {  	v3 =	vsel vm1, $0x35A9, v3;
	v2 =	vsel vm14, $0x1, v2;
	v1 =	vsel vm13, $0x2288, v1  }
0x13: {  	v26 =	vsel vm0, $0x3631, v3;
	v2 =	vsel vm13, $0x89, v2;
	v1 =	vsel vm12, $0x2310, v1  }
0x14: {  	v3 =	vimm.s32 $0x14BB;
	v2 =	vsel vm12, $0x111, v2;
	v1 =	vsel vm11, $0x2398, v1  }
0x15: {  	v3 =	vsel vm14, $0x3, v3;
	v2 =	vsel vm11, $0x199, v2;
	v1 =	vsel vm10, $0x2420, v1  }
0x16: {  	v3 =	vsel vm13, $0x8B, v3;
	v2 =	vsel vm10, $0x221, v2;
	v1 =	vsel vm9, $0x24A8, v1  }
0x17: {  	v3 =	vsel vm12, $0x113, v3;
	v2 =	vsel vm9, $0x2A9, v2;
	v1 =	vsel vm8, $0x2530, v1  }
0x18: {  	v3 =	vsel vm11, $0x19B, v3;
	v2 =	vsel vm8, $0x331, v2;
	v1 =	vsel vm7, $0x25B8, v1  }
0x19: {  	v3 =	vsel vm10, $0x223, v3;
	v2 =	vsel vm7, $0x3B9, v2;
	v1 =	vsel vm6, $0x3300, v1  }
0x1a: {  	v3 =	vsel vm9, $0x2AB, v3;
	v2 =	vsel vm6, $0x1101, v2;
	v1 =	vsel vm5, $0x3388, v1  }
0x1b: {  	v3 =	vsel vm8, $0x333, v3;
	v2 =	vsel vm5, $0x1189, v2;
	v1 =	vsel vm4, $0x3410, v1  }
0x1c: {  	v3 =	vsel vm7, $0x3BB, v3;
	v2 =	vsel vm4, $0x1211, v2;
	v1 =	vsel vm3, $0x3498, v1  }
0x1d: {  	v3 =	vsel vm6, $0x1103, v3;
	v2 =	vsel vm3, $0x1299, v2;
	v1 =	vsel vm2, $0x3520, v1  }
0x1e: {  	v3 =	vsel vm5, $0x118B, v3;
	v2 =	vsel vm2, $0x1321, v2;
	v1 =	vsel vm1, $0x35A8, v1  }
0x1f: {  	v2 =	vsel vm1, $0x13A9, v2;
	v28 =	vsel vm0, $0x3630, v1;
	v1 =	vimm.s32 $0x14BA  }
0x20: {  	v29 =	vsel vm0, $0x1431, v2;
	v2 =	vimm.s32 $0x36BA;
	v1 =	vsel vm14, $0x2, v1  }
0x21: {  	v3 =	vsel vm4, $0x1213, v3;
	v2 =	vsel vm14, $0x2202, v2;
	v1 =	vsel vm13, $0x8A, v1  }
0x22: {  	v3 =	vsel vm3, $0x129B, v3;
	v2 =	vsel vm13, $0x228A, v2;
	v1 =	vsel vm12, $0x112, v1  }
0x23: {  	v3 =	vsel vm2, $0x1323, v3;
	v2 =	vsel vm12, $0x2312, v2;
	v1 =	vsel vm11, $0x19A, v1  }
0x24: {  	v3 =	vsel vm1, $0x13AB, v3;
	v2 =	vsel vm11, $0x239A, v2;
	v1 =	vsel vm10, $0x222, v1  }
0x25: {  	v37 =	vsel vm0, $0x1433, v3;
	v2 =	vsel vm10, $0x2422, v2;
	v1 =	vsel vm9, $0x2AA, v1  }
0x26: {  	v3 =	vimm.s32 $0x36BC;
	v2 =	vsel vm9, $0x24AA, v2;
	v1 =	vsel vm8, $0x332, v1  }
0x27: {  	v3 =	vsel vm14, $0x2204, v3;
	v2 =	vsel vm8, $0x2532, v2;
	v1 =	vsel vm7, $0x3BA, v1  }
0x28: {  	v3 =	vsel vm13, $0x228C, v3;
	v2 =	vsel vm7, $0x25BA, v2;
	v1 =	vsel vm6, $0x1102, v1  }
0x29: {  	v3 =	vsel vm12, $0x2314, v3;
	v2 =	vsel vm6, $0x3302, v2;
	v1 =	vsel vm5, $0x118A, v1  }
0x2a: {  	v3 =	vsel vm11, $0x239C, v3;
	v2 =	vsel vm5, $0x338A, v2;
	v1 =	vsel vm4, $0x1212, v1  }
0x2b: {  	v3 =	vsel vm10, $0x2424, v3;
	v2 =	vsel vm4, $0x3412, v2;
	v1 =	vsel vm3, $0x129A, v1  }
0x2c: {  	v3 =	vsel vm9, $0x24AC, v3;
	v2 =	vsel vm3, $0x349A, v2;
	v1 =	vsel vm2, $0x1322, v1  }
0x2d: {  	v3 =	vsel vm8, $0x2534, v3;
	v2 =	vsel vm2, $0x3522, v2;
	v1 =	vsel vm1, $0x13AA, v1  }
0x2e: {  	v2 =	vsel vm1, $0x35AA, v2;
	v30 =	vsel vm0, $0x1432, v1;
	v1 =	vimm.s32 $0x36BB  }
0x2f: {  	v25 =	vsel vm0, $0x3632, v2;
	v2 =	vimm.s32 $0x14BC;
	v1 =	vsel vm14, $0x2203, v1  }
0x30: {  	v3 =	vsel vm7, $0x25BC, v3;
	v2 =	vsel vm14, $0x4, v2;
	v1 =	vsel vm13, $0x228B, v1  }
0x31: {  	v3 =	vsel vm6, $0x3304, v3;
	v2 =	vsel vm13, $0x8C, v2;
	v1 =	vsel vm12, $0x2313, v1  }
0x32: {  	v3 =	vsel vm5, $0x338C, v3;
	v2 =	vsel vm12, $0x114, v2;
	v1 =	vsel vm11, $0x239B, v1  }
0x33: {  	v3 =	vsel vm4, $0x3414, v3;
	v2 =	vsel vm11, $0x19C, v2;
	v1 =	vsel vm10, $0x2423, v1  }
0x34: {  	v3 =	vsel vm3, $0x349C, v3;
	v2 =	vsel vm10, $0x224, v2;
	v1 =	vsel vm9, $0x24AB, v1  }
0x35: {  	v3 =	vsel vm2, $0x3524, v3;
	v2 =	vsel vm9, $0x2AC, v2;
	v1 =	vsel vm8, $0x2533, v1  }
0x36: {  	v3 =	vsel vm1, $0x35AC, v3;
	v2 =	vsel vm8, $0x334, v2;
	v1 =	vsel vm7, $0x25BB, v1  }
0x37: {  	v6 =	vsel vm0, $0x3634, v3;
	v2 =	vsel vm7, $0x3BC, v2;
	v1 =	vsel vm6, $0x3303, v1  }
0x38: {  	v3 =	vimm.s32 $0x14BE;
	v2 =	vsel vm6, $0x1104, v2;
	v1 =	vsel vm5, $0x338B, v1  }
0x39: {  	v3 =	vsel vm14, $0x6, v3;
	v2 =	vsel vm5, $0x118C, v2;
	v1 =	vsel vm4, $0x3413, v1  }
0x3a: {  	v3 =	vsel vm13, $0x8E, v3;
	v2 =	vsel vm4, $0x1214, v2;
	v1 =	vsel vm3, $0x349B, v1  }
0x3b: {  	v3 =	vsel vm12, $0x116, v3;
	v2 =	vsel vm3, $0x129C, v2;
	v1 =	vsel vm2, $0x3523, v1  }
0x3c: {  	v3 =	vsel vm11, $0x19E, v3;
	v2 =	vsel vm2, $0x1324, v2;
	v1 =	vsel vm1, $0x35AB, v1  }
0x3d: {  	v3 =	vsel vm10, $0x226, v3;
	v2 =	vsel vm1, $0x13AC, v2;
	v5 =	vsel vm0, $0x3633, v1  }
0x3e: {  	v1 =	vimm.s32 $0x14BD;
	v39 =	vsel vm0, $0x1434, v2;
	v2 =	vimm.s32 $0x36BD  }
0x3f: {  	v3 =	vsel vm9, $0x2AE, v3;
	v1 =	vsel vm14, $0x5, v1;
	v2 =	vsel vm14, $0x2205, v2  }
0x40: {  	v3 =	vsel vm8, $0x336, v3;
	v1 =	vsel vm13, $0x8D, v1;
	v2 =	vsel vm13, $0x228D, v2  }
0x41: {  	v3 =	vsel vm7, $0x3BE, v3;
	v1 =	vsel vm12, $0x115, v1;
	v2 =	vsel vm12, $0x2315, v2  }
0x42: {  	v3 =	vsel vm6, $0x1106, v3;
	v1 =	vsel vm11, $0x19D, v1;
	v2 =	vsel vm11, $0x239D, v2  }
0x43: {  	v3 =	vsel vm5, $0x118E, v3;
	v1 =	vsel vm10, $0x225, v1;
	v2 =	vsel vm10, $0x2425, v2  }
0x44: {  	v3 =	vsel vm4, $0x1216, v3;
	v1 =	vsel vm9, $0x2AD, v1;
	v2 =	vsel vm9, $0x24AD, v2  }
0x45: {  	v3 =	vsel vm3, $0x129E, v3;
	v1 =	vsel vm8, $0x335, v1;
	v2 =	vsel vm8, $0x2535, v2  }
0x46: {  	v3 =	vsel vm2, $0x1326, v3;
	v1 =	vsel vm7, $0x3BD, v1;
	v2 =	vsel vm7, $0x25BD, v2  }
0x47: {  	v3 =	vsel vm1, $0x13AE, v3;
	v1 =	vsel vm6, $0x1105, v1;
	v2 =	vsel vm6, $0x3305, v2  }
0x48: {  	v43 =	vsel vm0, $0x1436, v3;
	v1 =	vsel vm5, $0x118D, v1;
	v2 =	vsel vm5, $0x338D, v2  }
0x49: {  	v3 =	vimm.s32 $0x36BF;
	v1 =	vsel vm4, $0x1215, v1;
	v2 =	vsel vm4, $0x3415, v2  }
0x4a: {  	v3 =	vsel vm14, $0x2207, v3;
	v1 =	vsel vm3, $0x129D, v1;
	v2 =	vsel vm3, $0x349D, v2  }
0x4b: {  	v3 =	vsel vm13, $0x228F, v3;
	v1 =	vsel vm2, $0x1325, v1;
	v2 =	vsel vm2, $0x3525, v2  }
0x4c: {  	v3 =	vsel vm12, $0x2317, v3;
	v1 =	vsel vm1, $0x13AD, v1;
	v2 =	vsel vm1, $0x35AD, v2  }
0x4d: {  	v3 =	vsel vm11, $0x239F, v3;
	v41 =	vsel vm0, $0x1435, v1;
	v1 =	vsel vm0, $0x3635, v2  }
0x4e: {  	v3 =	vsel vm10, $0x2427, v3;
	v2 =	vimm.s32 $0x14BF;
	[tilespmem:$0x1FD50] =	vst v1;
	v1 =	vimm.s32 $0x36BE  }
0x4f: {  	v3 =	vsel vm9, $0x24AF, v3;
	v2 =	vsel vm14, $0x7, v2;
	v1 =	vsel vm14, $0x2206, v1  }
0x50: {  	v3 =	vsel vm8, $0x2537, v3;
	v2 =	vsel vm13, $0x8F, v2;
	v1 =	vsel vm13, $0x228E, v1  }
0x51: {  	v3 =	vsel vm7, $0x25BF, v3;
	v2 =	vsel vm12, $0x117, v2;
	v1 =	vsel vm12, $0x2316, v1  }
0x52: {  	v3 =	vsel vm6, $0x3307, v3;
	v2 =	vsel vm11, $0x19F, v2;
	v1 =	vsel vm11, $0x239E, v1  }
0x53: {  	v3 =	vsel vm5, $0x338F, v3;
	v2 =	vsel vm10, $0x227, v2;
	v1 =	vsel vm10, $0x2426, v1  }
0x54: {  	v3 =	vsel vm4, $0x3417, v3;
	v2 =	vsel vm9, $0x2AF, v2;
	v1 =	vsel vm9, $0x24AE, v1  }
0x55: {  	v3 =	vsel vm3, $0x349F, v3;
	v2 =	vsel vm8, $0x337, v2;
	v1 =	vsel vm8, $0x2536, v1  }
0x56: {  	v3 =	vsel vm2, $0x3527, v3;
	v2 =	vsel vm7, $0x3BF, v2;
	v1 =	vsel vm7, $0x25BE, v1  }
0x57: {  	v3 =	vsel vm1, $0x35AF, v3;
	v2 =	vsel vm6, $0x1107, v2;
	v1 =	vsel vm6, $0x3306, v1  }
0x58: {  	v46 =	vsel vm0, $0x3637, v3;
	v2 =	vsel vm5, $0x118F, v2;
	v1 =	vsel vm5, $0x338E, v1  }
0x59: {  	v3 =	vimm.s32 $0x18F9;
	v2 =	vsel vm4, $0x1217, v2;
	v1 =	vsel vm4, $0x3416, v1  }
0x5a: {  	v3 =	vsel vm14, $0x441, v3;
	v2 =	vsel vm3, $0x129F, v2;
	v1 =	vsel vm3, $0x349E, v1  }
0x5b: {  	v3 =	vsel vm13, $0x4C9, v3;
	v2 =	vsel vm2, $0x1327, v2;
	v1 =	vsel vm2, $0x3526, v1  }
0x5c: {  	v3 =	vsel vm12, $0x551, v3;
	v2 =	vsel vm1, $0x13AF, v2;
	v1 =	vsel vm1, $0x35AE, v1  }
0x5d: {  	v11 =	vsel vm0, $0x1437, v2;
	v2 =	vimm.s32 $0x3AF8;
	v1 =	vsel vm0, $0x3636, v1  }
0x5e: {  	v3 =	vsel vm11, $0x5D9, v3;
	v2 =	vsel vm14, $0x2640, v2;
	[tilespmem:$0x1FD60] =	vst v1;
	v1 =	vimm.s32 $0x18F8  }
0x5f: {  	v3 =	vsel vm10, $0x661, v3;
	v2 =	vsel vm13, $0x26C8, v2;
	v1 =	vsel vm14, $0x440, v1  }
0x60: {  	v3 =	vsel vm9, $0x6E9, v3;
	v2 =	vsel vm12, $0x2750, v2;
	v1 =	vsel vm13, $0x4C8, v1  }
0x61: {  	v3 =	vsel vm8, $0x771, v3;
	v2 =	vsel vm11, $0x27D8, v2;
	v1 =	vsel vm12, $0x550, v1  }
0x62: {  	v3 =	vsel vm7, $0x7F9, v3;
	v2 =	vsel vm10, $0x2860, v2;
	v1 =	vsel vm11, $0x5D8, v1  }
0x63: {  	v3 =	vsel vm6, $0x1541, v3;
	v2 =	vsel vm9, $0x28E8, v2;
	v1 =	vsel vm10, $0x660, v1  }
0x64: {  	v3 =	vsel vm5, $0x15C9, v3;
	v2 =	vsel vm8, $0x2970, v2;
	v1 =	vsel vm9, $0x6E8, v1  }
0x65: {  	v3 =	vsel vm4, $0x1651, v3;
	v2 =	vsel vm7, $0x29F8, v2;
	v1 =	vsel vm8, $0x770, v1  }
0x66: {  	v3 =	vsel vm3, $0x16D9, v3;
	v2 =	vsel vm6, $0x3740, v2;
	v1 =	vsel vm7, $0x7F8, v1  }
0x67: {  	v3 =	vsel vm2, $0x1761, v3;
	v2 =	vsel vm5, $0x37C8, v2;
	v1 =	vsel vm6, $0x1540, v1  }
0x68: {  	v3 =	vsel vm1, $0x17E9, v3;
	v2 =	vsel vm4, $0x3850, v2;
	v1 =	vsel vm5, $0x15C8, v1  }
0x69: {  	v8 =	vsel vm0, $0x1871, v3;
	v2 =	vsel vm3, $0x38D8, v2;
	v1 =	vsel vm4, $0x1650, v1  }
0x6a: {  	v3 =	vimm.s32 $0x3AFA;
	v2 =	vsel vm2, $0x3960, v2;
	v1 =	vsel vm3, $0x16D8, v1  }
0x6b: {  	v3 =	vsel vm14, $0x2642, v3;
	v2 =	vsel vm1, $0x39E8, v2;
	v1 =	vsel vm2, $0x1760, v1  }
0x6c: {  	v9 =	vsel vm0, $0x3A70, v2;
	v2 =	vimm.s32 $0x18FA;
	v1 =	vsel vm1, $0x17E8, v1  }
0x6d: {  	v2 =	vsel vm14, $0x442, v2;
	v7 =	vsel vm0, $0x1870, v1;
	v1 =	vimm.s32 $0x3AF9  }
0x6e: {  	v3 =	vsel vm13, $0x26CA, v3;
	v2 =	vsel vm13, $0x4CA, v2;
	v1 =	vsel vm14, $0x2641, v1  }
0x6f: {  	v3 =	vsel vm12, $0x2752, v3;
	v2 =	vsel vm12, $0x552, v2;
	v1 =	vsel vm13, $0x26C9, v1  }
0x70: {  	v3 =	vsel vm11, $0x27DA, v3;
	v2 =	vsel vm11, $0x5DA, v2;
	v1 =	vsel vm12, $0x2751, v1  }
0x71: {  	v3 =	vsel vm10, $0x2862, v3;
	v2 =	vsel vm10, $0x662, v2;
	v1 =	vsel vm11, $0x27D9, v1  }
0x72: {  	v3 =	vsel vm9, $0x28EA, v3;
	v2 =	vsel vm9, $0x6EA, v2;
	v1 =	vsel vm10, $0x2861, v1  }
0x73: {  	v3 =	vsel vm8, $0x2972, v3;
	v2 =	vsel vm8, $0x772, v2;
	v1 =	vsel vm9, $0x28E9, v1  }
0x74: {  	v3 =	vsel vm7, $0x29FA, v3;
	v2 =	vsel vm7, $0x7FA, v2;
	v1 =	vsel vm8, $0x2971, v1  }
0x75: {  	v3 =	vsel vm6, $0x3742, v3;
	v2 =	vsel vm6, $0x1542, v2;
	v1 =	vsel vm7, $0x29F9, v1  }
0x76: {  	v3 =	vsel vm5, $0x37CA, v3;
	v2 =	vsel vm5, $0x15CA, v2;
	v1 =	vsel vm6, $0x3741, v1  }
0x77: {  	v3 =	vsel vm4, $0x3852, v3;
	v2 =	vsel vm4, $0x1652, v2;
	v1 =	vsel vm5, $0x37C9, v1  }
0x78: {  	v3 =	vsel vm3, $0x38DA, v3;
	v2 =	vsel vm3, $0x16DA, v2;
	v1 =	vsel vm4, $0x3851, v1  }
0x79: {  	v3 =	vsel vm2, $0x3962, v3;
	v2 =	vsel vm2, $0x1762, v2;
	v1 =	vsel vm3, $0x38D9, v1  }
0x7a: {  	v3 =	vsel vm1, $0x39EA, v3;
	v2 =	vsel vm1, $0x17EA, v2;
	v1 =	vsel vm2, $0x3961, v1  }
0x7b: {  	v40 =	vsel vm0, $0x3A72, v3;
	v10 =	vsel vm0, $0x1872, v2;
	v1 =	vsel vm1, $0x39E9, v1  }
0x7c: {  	v2 =	vimm.s32 $0x3AFB;
	v45 =	vsel vm0, $0x3A71, v1;
	v1 =	vimm.s32 $0x18FB  }
0x7d: {  	v3 =	vimm.s32 $0x18FC;
	v2 =	vsel vm14, $0x2643, v2;
	v1 =	vsel vm14, $0x443, v1  }
0x7e: {  	v3 =	vsel vm14, $0x444, v3;
	v2 =	vsel vm13, $0x26CB, v2;
	v1 =	vsel vm13, $0x4CB, v1  }
0x7f: {  	v3 =	vsel vm13, $0x4CC, v3;
	v2 =	vsel vm12, $0x2753, v2;
	v1 =	vsel vm12, $0x553, v1  }
0x80: {  	v3 =	vsel vm12, $0x554, v3;
	v2 =	vsel vm11, $0x27DB, v2;
	v1 =	vsel vm11, $0x5DB, v1  }
0x81: {  	v3 =	vsel vm11, $0x5DC, v3;
	v2 =	vsel vm10, $0x2863, v2;
	v1 =	vsel vm10, $0x663, v1  }
0x82: {  	v3 =	vsel vm10, $0x664, v3;
	v2 =	vsel vm9, $0x28EB, v2;
	v1 =	vsel vm9, $0x6EB, v1  }
0x83: {  	v3 =	vsel vm9, $0x6EC, v3;
	v2 =	vsel vm8, $0x2973, v2;
	v1 =	vsel vm8, $0x773, v1  }
0x84: {  	v3 =	vsel vm8, $0x774, v3;
	v2 =	vsel vm7, $0x29FB, v2;
	v1 =	vsel vm7, $0x7FB, v1  }
0x85: {  	v3 =	vsel vm7, $0x7FC, v3;
	v2 =	vsel vm6, $0x3743, v2;
	v1 =	vsel vm6, $0x1543, v1  }
0x86: {  	v3 =	vsel vm6, $0x1544, v3;
	v2 =	vsel vm5, $0x37CB, v2;
	v1 =	vsel vm5, $0x15CB, v1  }
0x87: {  	v3 =	vsel vm5, $0x15CC, v3;
	v2 =	vsel vm4, $0x3853, v2;
	v1 =	vsel vm4, $0x1653, v1  }
0x88: {  	v3 =	vsel vm4, $0x1654, v3;
	v2 =	vsel vm3, $0x38DB, v2;
	v1 =	vsel vm3, $0x16DB, v1  }
0x89: {  	v3 =	vsel vm3, $0x16DC, v3;
	v2 =	vsel vm2, $0x3963, v2;
	v1 =	vsel vm2, $0x1763, v1  }
0x8a: {  	v3 =	vsel vm2, $0x1764, v3;
	v2 =	vsel vm1, $0x39EB, v2;
	v1 =	vsel vm1, $0x17EB, v1  }
0x8b: {  	v3 =	vsel vm1, $0x17EC, v3;
	v36 =	vsel vm0, $0x1873, v1;
	v1 =	vsel vm0, $0x3A73, v2  }
0x8c: {  	[tilespmem:$0x1FD70] =	vst v1;
	v1 =	vsel vm0, $0x1874, v3  }
0x8d: {  	[tilespmem:$0x1FD80] =	vst v1;
	v1 =	vimm.s32 $0x3AFC  }
0x8e: {  	v2 =	vimm.s32 $0x18FD;
	v1 =	vsel vm14, $0x2644, v1  }
0x8f: {  	v3 =	vimm.s32 $0x3AFD;
	v2 =	vsel vm14, $0x445, v2;
	v1 =	vsel vm13, $0x26CC, v1  }
0x90: {  	v3 =	vsel vm14, $0x2645, v3;
	v2 =	vsel vm13, $0x4CD, v2;
	v1 =	vsel vm12, $0x2754, v1  }
0x91: {  	v3 =	vsel vm13, $0x26CD, v3;
	v2 =	vsel vm12, $0x555, v2;
	v1 =	vsel vm11, $0x27DC, v1  }
0x92: {  	v3 =	vsel vm12, $0x2755, v3;
	v2 =	vsel vm11, $0x5DD, v2;
	v1 =	vsel vm10, $0x2864, v1  }
0x93: {  	v3 =	vsel vm11, $0x27DD, v3;
	v2 =	vsel vm10, $0x665, v2;
	v1 =	vsel vm9, $0x28EC, v1  }
0x94: {  	v3 =	vsel vm10, $0x2865, v3;
	v2 =	vsel vm9, $0x6ED, v2;
	v1 =	vsel vm8, $0x2974, v1  }
0x95: {  	v3 =	vsel vm9, $0x28ED, v3;
	v2 =	vsel vm8, $0x775, v2;
	v1 =	vsel vm7, $0x29FC, v1  }
0x96: {  	v3 =	vsel vm8, $0x2975, v3;
	v2 =	vsel vm7, $0x7FD, v2;
	v1 =	vsel vm6, $0x3744, v1  }
0x97: {  	v3 =	vsel vm7, $0x29FD, v3;
	v2 =	vsel vm6, $0x1545, v2;
	v1 =	vsel vm5, $0x37CC, v1  }
0x98: {  	v3 =	vsel vm6, $0x3745, v3;
	v2 =	vsel vm5, $0x15CD, v2;
	v1 =	vsel vm4, $0x3854, v1  }
0x99: {  	v3 =	vsel vm5, $0x37CD, v3;
	v2 =	vsel vm4, $0x1655, v2;
	v1 =	vsel vm3, $0x38DC, v1  }
0x9a: {  	v3 =	vsel vm4, $0x3855, v3;
	v2 =	vsel vm3, $0x16DD, v2;
	v1 =	vsel vm2, $0x3964, v1  }
0x9b: {  	v3 =	vsel vm3, $0x38DD, v3;
	v2 =	vsel vm2, $0x1765, v2;
	v1 =	vsel vm1, $0x39EC, v1  }
0x9c: {  	v3 =	vsel vm2, $0x3965, v3;
	v2 =	vsel vm1, $0x17ED, v2;
	v1 =	vsel vm0, $0x3A74, v1  }
0x9d: {  	v3 =	vsel vm1, $0x39ED, v3;
	[tilespmem:$0x1FD90] =	vst v1;
	v1 =	vsel vm0, $0x1875, v2  }
0x9e: {  	v2 =	vimm.s32 $0x3AFE;
	[tilespmem:$0x1FDA0] =	vst v1;
	v1 =	vsel vm0, $0x3A75, v3  }
0x9f: {  	v3 =	vimm.s32 $0x18FF;
	v2 =	vsel vm14, $0x2646, v2;
	[tilespmem:$0x1FDB0] =	vst v1;
	v1 =	vimm.s32 $0x18FE  }
0xa0: {  	v3 =	vsel vm14, $0x447, v3;
	v2 =	vsel vm13, $0x26CE, v2;
	v1 =	vsel vm14, $0x446, v1  }
0xa1: {  	v3 =	vsel vm13, $0x4CF, v3;
	v2 =	vsel vm12, $0x2756, v2;
	v1 =	vsel vm13, $0x4CE, v1  }
0xa2: {  	v3 =	vsel vm12, $0x557, v3;
	v2 =	vsel vm11, $0x27DE, v2;
	v1 =	vsel vm12, $0x556, v1  }
0xa3: {  	v3 =	vsel vm11, $0x5DF, v3;
	v2 =	vsel vm10, $0x2866, v2;
	v1 =	vsel vm11, $0x5DE, v1  }
0xa4: {  	v3 =	vsel vm10, $0x667, v3;
	v2 =	vsel vm9, $0x28EE, v2;
	v1 =	vsel vm10, $0x666, v1  }
0xa5: {  	v3 =	vsel vm9, $0x6EF, v3;
	v2 =	vsel vm8, $0x2976, v2;
	v1 =	vsel vm9, $0x6EE, v1  }
0xa6: {  	v3 =	vsel vm8, $0x777, v3;
	v2 =	vsel vm7, $0x29FE, v2;
	v1 =	vsel vm8, $0x776, v1  }
0xa7: {  	v3 =	vsel vm7, $0x7FF, v3;
	v2 =	vsel vm6, $0x3746, v2;
	v1 =	vsel vm7, $0x7FE, v1  }
0xa8: {  	v3 =	vsel vm6, $0x1547, v3;
	v2 =	vsel vm5, $0x37CE, v2;
	v1 =	vsel vm6, $0x1546, v1  }
0xa9: {  	v3 =	vsel vm5, $0x15CF, v3;
	v2 =	vsel vm4, $0x3856, v2;
	v1 =	vsel vm5, $0x15CE, v1  }
0xaa: {  	v3 =	vsel vm4, $0x1657, v3;
	v2 =	vsel vm3, $0x38DE, v2;
	v1 =	vsel vm4, $0x1656, v1  }
0xab: {  	v3 =	vsel vm3, $0x16DF, v3;
	v2 =	vsel vm2, $0x3966, v2;
	v1 =	vsel vm3, $0x16DE, v1  }
0xac: {  	v3 =	vsel vm2, $0x1767, v3;
	v2 =	vsel vm1, $0x39EE, v2;
	v1 =	vsel vm2, $0x1766, v1  }
0xad: {  	v3 =	vsel vm1, $0x17EF, v3;
	v12 =	vsel vm0, $0x3A76, v2;
	v2 =	vimm.s32 $0x1D38  }
0xae: {  	v1 =	vsel vm1, $0x17EE, v1;
	v4 =	vsel vm0, $0x1877, v3;
	v3 =	vimm.s32 $0x3F38  }
0xaf: {  	v2 =	vsel vm14, $0x880, v2;
	v1 =	vsel vm0, $0x1876, v1;
	v3 =	vsel vm14, $0x2A80, v3  }
0xb0: {  	v2 =	vsel vm13, $0x908, v2;
	[tilespmem:$0x1FDC0] =	vst v1;
	v1 =	vimm.s32 $0x3AFF;
	v3 =	vsel vm13, $0x2B08, v3  }
0xb1: {  	v2 =	vsel vm12, $0x990, v2;
	v1 =	vsel vm14, $0x2647, v1;
	v3 =	vsel vm12, $0x2B90, v3  }
0xb2: {  	v2 =	vsel vm11, $0xA18, v2;
	v1 =	vsel vm13, $0x26CF, v1;
	v3 =	vsel vm11, $0x2C18, v3  }
0xb3: {  	v2 =	vsel vm10, $0xAA0, v2;
	v1 =	vsel vm12, $0x2757, v1;
	v3 =	vsel vm10, $0x2CA0, v3  }
0xb4: {  	v2 =	vsel vm9, $0xB28, v2;
	v1 =	vsel vm11, $0x27DF, v1;
	v3 =	vsel vm9, $0x2D28, v3  }
0xb5: {  	v2 =	vsel vm8, $0xBB0, v2;
	v1 =	vsel vm10, $0x2867, v1;
	v3 =	vsel vm8, $0x2DB0, v3  }
0xb6: {  	v2 =	vsel vm7, $0xC38, v2;
	v1 =	vsel vm9, $0x28EF, v1;
	v3 =	vsel vm7, $0x2E38, v3  }
0xb7: {  	v2 =	vsel vm6, $0x1980, v2;
	v1 =	vsel vm8, $0x2977, v1;
	v3 =	vsel vm6, $0x3B80, v3  }
0xb8: {  	v2 =	vsel vm5, $0x1A08, v2;
	v1 =	vsel vm7, $0x29FF, v1;
	v3 =	vsel vm5, $0x3C08, v3  }
0xb9: {  	v2 =	vsel vm4, $0x1A90, v2;
	v1 =	vsel vm6, $0x3747, v1;
	v3 =	vsel vm4, $0x3C90, v3  }
0xba: {  	v2 =	vsel vm3, $0x1B18, v2;
	v1 =	vsel vm5, $0x37CF, v1;
	v3 =	vsel vm3, $0x3D18, v3  }
0xbb: {  	v2 =	vsel vm2, $0x1BA0, v2;
	v1 =	vsel vm4, $0x3857, v1;
	v3 =	vsel vm2, $0x3DA0, v3  }
0xbc: {  	v2 =	vsel vm1, $0x1C28, v2;
	v1 =	vsel vm3, $0x38DF, v1;
	v3 =	vsel vm1, $0x3E28, v3  }
0xbd: {  	v48 =	vsel vm0, $0x1CB0, v2;
	v2 =	vimm.s32 $0x3F39;
	v1 =	vsel vm2, $0x3967, v1  }
0xbe: {  	v32 =	vsel vm0, $0x3EB0, v3;
	v3 =	vimm.s32 $0x1D3A;
	v1 =	vsel vm1, $0x39EF, v1  }
0xbf: {  	v3 =	vsel vm14, $0x882, v3;
	v13 =	vsel vm0, $0x3A77, v1;
	v1 =	vimm.s32 $0x1D39  }
0xc0: {  	v2 =	vsel vm14, $0x2A81, v2;
	v3 =	vsel vm13, $0x90A, v3;
	v1 =	vsel vm14, $0x881, v1  }
0xc1: {  	v2 =	vsel vm13, $0x2B09, v2;
	v3 =	vsel vm12, $0x992, v3;
	v1 =	vsel vm13, $0x909, v1  }
0xc2: {  	v2 =	vsel vm12, $0x2B91, v2;
	v3 =	vsel vm11, $0xA1A, v3;
	v1 =	vsel vm12, $0x991, v1  }
0xc3: {  	v2 =	vsel vm11, $0x2C19, v2;
	v3 =	vsel vm10, $0xAA2, v3;
	v1 =	vsel vm11, $0xA19, v1  }
0xc4: {  	v2 =	vsel vm10, $0x2CA1, v2;
	v3 =	vsel vm9, $0xB2A, v3;
	v1 =	vsel vm10, $0xAA1, v1  }
0xc5: {  	v2 =	vsel vm9, $0x2D29, v2;
	v3 =	vsel vm8, $0xBB2, v3;
	v1 =	vsel vm9, $0xB29, v1  }
0xc6: {  	v2 =	vsel vm8, $0x2DB1, v2;
	v3 =	vsel vm7, $0xC3A, v3;
	v1 =	vsel vm8, $0xBB1, v1  }
0xc7: {  	v2 =	vsel vm7, $0x2E39, v2;
	v3 =	vsel vm6, $0x1982, v3;
	v1 =	vsel vm7, $0xC39, v1  }
0xc8: {  	v2 =	vsel vm6, $0x3B81, v2;
	v3 =	vsel vm5, $0x1A0A, v3;
	v1 =	vsel vm6, $0x1981, v1  }
0xc9: {  	v2 =	vsel vm5, $0x3C09, v2;
	v3 =	vsel vm4, $0x1A92, v3;
	v1 =	vsel vm5, $0x1A09, v1  }
0xca: {  	v2 =	vsel vm4, $0x3C91, v2;
	v3 =	vsel vm3, $0x1B1A, v3;
	v1 =	vsel vm4, $0x1A91, v1  }
0xcb: {  	v2 =	vsel vm3, $0x3D19, v2;
	v3 =	vsel vm2, $0x1BA2, v3;
	v1 =	vsel vm3, $0x1B19, v1  }
0xcc: {  	v2 =	vsel vm2, $0x3DA1, v2;
	v3 =	vsel vm1, $0x1C2A, v3;
	v1 =	vsel vm2, $0x1BA1, v1  }
0xcd: {  	v2 =	vsel vm1, $0x3E29, v2;
	v47 =	vsel vm0, $0x1CB2, v3;
	v1 =	vsel vm1, $0x1C29, v1  }
0xce: {  	v3 =	vimm.s32 $0x3F3B;
	v33 =	vsel vm0, $0x1CB1, v1;
	v1 =	vimm.s32 $0x3F3A  }
0xcf: {  	v35 =	vsel vm0, $0x3EB1, v2;
	v3 =	vsel vm14, $0x2A83, v3;
	v1 =	vsel vm14, $0x2A82, v1  }
0xd0: {  	v2 =	vimm.s32 $0x1D3B;
	v3 =	vsel vm13, $0x2B0B, v3;
	v1 =	vsel vm13, $0x2B0A, v1  }
0xd1: {  	v2 =	vsel vm14, $0x883, v2;
	v3 =	vsel vm12, $0x2B93, v3;
	v1 =	vsel vm12, $0x2B92, v1  }
0xd2: {  	v2 =	vsel vm13, $0x90B, v2;
	v3 =	vsel vm11, $0x2C1B, v3;
	v1 =	vsel vm11, $0x2C1A, v1  }
0xd3: {  	v2 =	vsel vm12, $0x993, v2;
	v3 =	vsel vm10, $0x2CA3, v3;
	v1 =	vsel vm10, $0x2CA2, v1  }
0xd4: {  	v2 =	vsel vm11, $0xA1B, v2;
	v3 =	vsel vm9, $0x2D2B, v3;
	v1 =	vsel vm9, $0x2D2A, v1  }
0xd5: {  	v2 =	vsel vm10, $0xAA3, v2;
	v3 =	vsel vm8, $0x2DB3, v3;
	v1 =	vsel vm8, $0x2DB2, v1  }
0xd6: {  	v2 =	vsel vm9, $0xB2B, v2;
	v3 =	vsel vm7, $0x2E3B, v3;
	v1 =	vsel vm7, $0x2E3A, v1  }
0xd7: {  	v2 =	vsel vm8, $0xBB3, v2;
	v3 =	vsel vm6, $0x3B83, v3;
	v1 =	vsel vm6, $0x3B82, v1  }
0xd8: {  	v2 =	vsel vm7, $0xC3B, v2;
	v3 =	vsel vm5, $0x3C0B, v3;
	v1 =	vsel vm5, $0x3C0A, v1  }
0xd9: {  	v2 =	vsel vm6, $0x1983, v2;
	v3 =	vsel vm4, $0x3C93, v3;
	v1 =	vsel vm4, $0x3C92, v1  }
0xda: {  	v2 =	vsel vm5, $0x1A0B, v2;
	v3 =	vsel vm3, $0x3D1B, v3;
	v1 =	vsel vm3, $0x3D1A, v1  }
0xdb: {  	v2 =	vsel vm4, $0x1A93, v2;
	v3 =	vsel vm2, $0x3DA3, v3;
	v1 =	vsel vm2, $0x3DA2, v1  }
0xdc: {  	v2 =	vsel vm3, $0x1B1B, v2;
	v3 =	vsel vm1, $0x3E2B, v3;
	v1 =	vsel vm1, $0x3E2A, v1  }
0xdd: {  	v2 =	vsel vm2, $0x1BA3, v2;
	v42 =	vsel vm0, $0x3EB2, v1;
	v1 =	vsel vm0, $0x3EB3, v3  }
0xde: {  	v2 =	vsel vm1, $0x1C2B, v2;
	[tilespmem:$0x1FDD0] =	vst v1;
	v1 =	vimm.s32 $0x1D3C  }
0xdf: {  	v44 =	vsel vm0, $0x1CB3, v2;
	v2 =	vimm.s32 $0x3F3C;
	v1 =	vsel vm14, $0x884, v1  }
0xe0: {  	v2 =	vsel vm14, $0x2A84, v2;
	v3 =	vimm.s32 $0x1D3D;
	v1 =	vsel vm13, $0x90C, v1  }
0xe1: {  	v2 =	vsel vm13, $0x2B0C, v2;
	v3 =	vsel vm14, $0x885, v3;
	v1 =	vsel vm12, $0x994, v1  }
0xe2: {  	v2 =	vsel vm12, $0x2B94, v2;
	v3 =	vsel vm13, $0x90D, v3;
	v1 =	vsel vm11, $0xA1C, v1  }
0xe3: {  	v2 =	vsel vm11, $0x2C1C, v2;
	v3 =	vsel vm12, $0x995, v3;
	v1 =	vsel vm10, $0xAA4, v1  }
0xe4: {  	v2 =	vsel vm10, $0x2CA4, v2;
	v3 =	vsel vm11, $0xA1D, v3;
	v1 =	vsel vm9, $0xB2C, v1  }
0xe5: {  	v2 =	vsel vm9, $0x2D2C, v2;
	v3 =	vsel vm10, $0xAA5, v3;
	v1 =	vsel vm8, $0xBB4, v1  }
0xe6: {  	v2 =	vsel vm8, $0x2DB4, v2;
	v3 =	vsel vm9, $0xB2D, v3;
	v1 =	vsel vm7, $0xC3C, v1  }
0xe7: {  	v2 =	vsel vm7, $0x2E3C, v2;
	v3 =	vsel vm8, $0xBB5, v3;
	v1 =	vsel vm6, $0x1984, v1  }
0xe8: {  	v2 =	vsel vm6, $0x3B84, v2;
	v3 =	vsel vm7, $0xC3D, v3;
	v1 =	vsel vm5, $0x1A0C, v1  }
0xe9: {  	v2 =	vsel vm5, $0x3C0C, v2;
	v3 =	vsel vm6, $0x1985, v3;
	v1 =	vsel vm4, $0x1A94, v1  }
0xea: {  	v2 =	vsel vm4, $0x3C94, v2;
	v3 =	vsel vm5, $0x1A0D, v3;
	v1 =	vsel vm3, $0x1B1C, v1  }
0xeb: {  	v2 =	vsel vm3, $0x3D1C, v2;
	v3 =	vsel vm4, $0x1A95, v3;
	v1 =	vsel vm2, $0x1BA4, v1  }
0xec: {  	v2 =	vsel vm2, $0x3DA4, v2;
	v3 =	vsel vm3, $0x1B1D, v3;
	v1 =	vsel vm1, $0x1C2C, v1  }
0xed: {  	v2 =	vsel vm1, $0x3E2C, v2;
	v3 =	vsel vm2, $0x1BA5, v3;
	v1 =	vsel vm0, $0x1CB4, v1  }
0xee: {  	v3 =	vsel vm1, $0x1C2D, v3;
	[tilespmem:$0x1FDE0] =	vst v1;
	v1 =	vsel vm0, $0x3EB4, v2  }
0xef: {  	[tilespmem:$0x1FDF0] =	vst v1;
	v1 =	vsel vm0, $0x1CB5, v3  }
0xf0: {  	[tilespmem:$0x1FE00] =	vst v1;
	v1 =	vimm.s32 $0x3F3D  }
0xf1: {  	v2 =	vimm.s32 $0x1D3E;
	v1 =	vsel vm14, $0x2A85, v1  }
0xf2: {  	v3 =	vimm.s32 $0x3F3E;
	v2 =	vsel vm14, $0x886, v2;
	v1 =	vsel vm13, $0x2B0D, v1  }
0xf3: {  	v3 =	vsel vm14, $0x2A86, v3;
	v2 =	vsel vm13, $0x90E, v2;
	v1 =	vsel vm12, $0x2B95, v1  }
0xf4: {  	v3 =	vsel vm13, $0x2B0E, v3;
	v2 =	vsel vm12, $0x996, v2;
	v1 =	vsel vm11, $0x2C1D, v1  }
0xf5: {  	v3 =	vsel vm12, $0x2B96, v3;
	v2 =	vsel vm11, $0xA1E, v2;
	v1 =	vsel vm10, $0x2CA5, v1  }
0xf6: {  	v3 =	vsel vm11, $0x2C1E, v3;
	v2 =	vsel vm10, $0xAA6, v2;
	v1 =	vsel vm9, $0x2D2D, v1  }
0xf7: {  	v3 =	vsel vm10, $0x2CA6, v3;
	v2 =	vsel vm9, $0xB2E, v2;
	v1 =	vsel vm8, $0x2DB5, v1  }
0xf8: {  	v3 =	vsel vm9, $0x2D2E, v3;
	v2 =	vsel vm8, $0xBB6, v2;
	v1 =	vsel vm7, $0x2E3D, v1  }
0xf9: {  	v3 =	vsel vm8, $0x2DB6, v3;
	v2 =	vsel vm7, $0xC3E, v2;
	v1 =	vsel vm6, $0x3B85, v1  }
0xfa: {  	v3 =	vsel vm7, $0x2E3E, v3;
	v2 =	vsel vm6, $0x1986, v2;
	v1 =	vsel vm5, $0x3C0D, v1  }
0xfb: {  	v3 =	vsel vm6, $0x3B86, v3;
	v2 =	vsel vm5, $0x1A0E, v2;
	v1 =	vsel vm4, $0x3C95, v1  }
0xfc: {  	v3 =	vsel vm5, $0x3C0E, v3;
	v2 =	vsel vm4, $0x1A96, v2;
	v1 =	vsel vm3, $0x3D1D, v1  }
0xfd: {  	v3 =	vsel vm4, $0x3C96, v3;
	v2 =	vsel vm3, $0x1B1E, v2;
	v1 =	vsel vm2, $0x3DA5, v1  }
0xfe: {  	v3 =	vsel vm3, $0x3D1E, v3;
	v2 =	vsel vm2, $0x1BA6, v2;
	v1 =	vsel vm1, $0x3E2D, v1  }
0xff: {  	v3 =	vsel vm2, $0x3DA6, v3;
	v2 =	vsel vm1, $0x1C2E, v2;
	v1 =	vsel vm0, $0x3EB5, v1  }
0x100: {  	v3 =	vsel vm1, $0x3E2E, v3;
	[tilespmem:$0x1FE10] =	vst v1;
	v1 =	vsel vm0, $0x1CB6, v2;
	v2 =	vimm.s32 $0x3F3F  }
0x101: {  	[tilespmem:$0x1FE20] =	vst v1;
	v1 =	vsel vm0, $0x3EB6, v3;
	v3 =	vimm.s32 $0x2178;
	v2 =	vsel vm14, $0x2A87, v2  }
0x102: {  	[tilespmem:$0x1FE30] =	vst v1;
	v1 =	vimm.s32 $0x1D3F;
	v3 =	vsel vm14, $0xCC0, v3;
	v2 =	vsel vm13, $0x2B0F, v2  }
0x103: {  	v1 =	vsel vm14, $0x887, v1;
	v3 =	vsel vm13, $0xD48, v3;
	v2 =	vsel vm12, $0x2B97, v2  }
0x104: {  	v1 =	vsel vm13, $0x90F, v1;
	v3 =	vsel vm12, $0xDD0, v3;
	v2 =	vsel vm11, $0x2C1F, v2  }
0x105: {  	v1 =	vsel vm12, $0x997, v1;
	v3 =	vsel vm11, $0xE58, v3;
	v2 =	vsel vm10, $0x2CA7, v2  }
0x106: {  	v1 =	vsel vm11, $0xA1F, v1;
	v3 =	vsel vm10, $0xEE0, v3;
	v2 =	vsel vm9, $0x2D2F, v2  }
0x107: {  	v1 =	vsel vm10, $0xAA7, v1;
	v3 =	vsel vm9, $0xF68, v3;
	v2 =	vsel vm8, $0x2DB7, v2  }
0x108: {  	v1 =	vsel vm9, $0xB2F, v1;
	v3 =	vsel vm8, $0xFF0, v3;
	v2 =	vsel vm7, $0x2E3F, v2  }
0x109: {  	v1 =	vsel vm8, $0xBB7, v1;
	v3 =	vsel vm7, $0x1078, v3;
	v2 =	vsel vm6, $0x3B87, v2  }
0x10a: {  	v1 =	vsel vm7, $0xC3F, v1;
	v3 =	vsel vm6, $0x1DC0, v3;
	v2 =	vsel vm5, $0x3C0F, v2  }
0x10b: {  	v1 =	vsel vm6, $0x1987, v1;
	v3 =	vsel vm5, $0x1E48, v3;
	v2 =	vsel vm4, $0x3C97, v2  }
0x10c: {  	v1 =	vsel vm5, $0x1A0F, v1;
	v3 =	vsel vm4, $0x1ED0, v3;
	v2 =	vsel vm3, $0x3D1F, v2  }
0x10d: {  	v1 =	vsel vm4, $0x1A97, v1;
	v3 =	vsel vm3, $0x1F58, v3;
	v2 =	vsel vm2, $0x3DA7, v2  }
0x10e: {  	v1 =	vsel vm3, $0x1B1F, v1;
	v3 =	vsel vm2, $0x1FE0, v3;
	v2 =	vsel vm1, $0x3E2F, v2  }
0x10f: {  	v1 =	vsel vm2, $0x1BA7, v1;
	v3 =	vsel vm1, $0x2068, v3;
	v24 =	vsel vm0, $0x3EB7, v2  }
0x110: {  	v2 =	vimm.s32 $0x2179;
	v1 =	vsel vm1, $0x1C2F, v1;
	v49 =	vsel vm0, $0x20F0, v3  }
0x111: {  	v3 =	vimm.s32 $0x4379;
	v2 =	vsel vm14, $0xCC1, v2;
	v1 =	vsel vm0, $0x1CB7, v1  }
0x112: {  	v3 =	vsel vm14, $0x2EC1, v3;
	v2 =	vsel vm13, $0xD49, v2;
	[tilespmem:$0x1FE40] =	vst v1;
	v1 =	vimm.s32 $0x4378  }
0x113: {  	v3 =	vsel vm13, $0x2F49, v3;
	v2 =	vsel vm12, $0xDD1, v2;
	v1 =	vsel vm14, $0x2EC0, v1  }
0x114: {  	v3 =	vsel vm12, $0x2FD1, v3;
	v2 =	vsel vm11, $0xE59, v2;
	v1 =	vsel vm13, $0x2F48, v1  }
0x115: {  	v3 =	vsel vm11, $0x3059, v3;
	v2 =	vsel vm10, $0xEE1, v2;
	v1 =	vsel vm12, $0x2FD0, v1  }
0x116: {  	v3 =	vsel vm10, $0x30E1, v3;
	v2 =	vsel vm9, $0xF69, v2;
	v1 =	vsel vm11, $0x3058, v1  }
0x117: {  	v3 =	vsel vm9, $0x3169, v3;
	v2 =	vsel vm8, $0xFF1, v2;
	v1 =	vsel vm10, $0x30E0, v1  }
0x118: {  	v3 =	vsel vm8, $0x31F1, v3;
	v2 =	vsel vm7, $0x1079, v2;
	v1 =	vsel vm9, $0x3168, v1  }
0x119: {  	v3 =	vsel vm7, $0x3279, v3;
	v2 =	vsel vm6, $0x1DC1, v2;
	v1 =	vsel vm8, $0x31F0, v1  }
0x11a: {  	v3 =	vsel vm6, $0x3FC1, v3;
	v2 =	vsel vm5, $0x1E49, v2;
	v1 =	vsel vm7, $0x3278, v1  }
0x11b: {  	v3 =	vsel vm5, $0x4049, v3;
	v2 =	vsel vm4, $0x1ED1, v2;
	v1 =	vsel vm6, $0x3FC0, v1  }
0x11c: {  	v3 =	vsel vm4, $0x40D1, v3;
	v2 =	vsel vm3, $0x1F59, v2;
	v1 =	vsel vm5, $0x4048, v1  }
0x11d: {  	v3 =	vsel vm3, $0x4159, v3;
	v2 =	vsel vm2, $0x1FE1, v2;
	v1 =	vsel vm4, $0x40D0, v1  }
0x11e: {  	v3 =	vsel vm2, $0x41E1, v3;
	v2 =	vsel vm1, $0x2069, v2;
	v1 =	vsel vm3, $0x4158, v1  }
0x11f: {  	v3 =	vsel vm1, $0x4269, v3;
	v51 =	vsel vm0, $0x20F1, v2;
	v2 =	vimm.s32 $0x437A  }
0x120: {  	v1 =	vsel vm2, $0x41E0, v1;
	v52 =	vsel vm0, $0x42F1, v3;
	v3 =	vimm.s32 $0x217B  }
0x121: {  	v2 =	vsel vm14, $0x2EC2, v2;
	v1 =	vsel vm1, $0x4268, v1;
	v3 =	vsel vm14, $0xCC3, v3  }
0x122: {  	v2 =	vsel vm13, $0x2F4A, v2;
	v50 =	vsel vm0, $0x42F0, v1;
	v1 =	vimm.s32 $0x217A  }
0x123: {  	v3 =	vsel vm13, $0xD4B, v3;
	v2 =	vsel vm12, $0x2FD2, v2;
	v1 =	vsel vm14, $0xCC2, v1  }
0x124: {  	v3 =	vsel vm12, $0xDD3, v3;
	v2 =	vsel vm11, $0x305A, v2;
	v1 =	vsel vm13, $0xD4A, v1  }
0x125: {  	v3 =	vsel vm11, $0xE5B, v3;
	v2 =	vsel vm10, $0x30E2, v2;
	v1 =	vsel vm12, $0xDD2, v1  }
0x126: {  	v3 =	vsel vm10, $0xEE3, v3;
	v2 =	vsel vm9, $0x316A, v2;
	v1 =	vsel vm11, $0xE5A, v1  }
0x127: {  	v3 =	vsel vm9, $0xF6B, v3;
	v2 =	vsel vm8, $0x31F2, v2;
	v1 =	vsel vm10, $0xEE2, v1  }
0x128: {  	v3 =	vsel vm8, $0xFF3, v3;
	v2 =	vsel vm7, $0x327A, v2;
	v1 =	vsel vm9, $0xF6A, v1  }
0x129: {  	v3 =	vsel vm7, $0x107B, v3;
	v2 =	vsel vm6, $0x3FC2, v2;
	v1 =	vsel vm8, $0xFF2, v1  }
0x12a: {  	v3 =	vsel vm6, $0x1DC3, v3;
	v2 =	vsel vm5, $0x404A, v2;
	v1 =	vsel vm7, $0x107A, v1  }
0x12b: {  	v3 =	vsel vm5, $0x1E4B, v3;
	v2 =	vsel vm4, $0x40D2, v2;
	v1 =	vsel vm6, $0x1DC2, v1  }
0x12c: {  	v3 =	vsel vm4, $0x1ED3, v3;
	v2 =	vsel vm3, $0x415A, v2;
	v1 =	vsel vm5, $0x1E4A, v1  }
0x12d: {  	v3 =	vsel vm3, $0x1F5B, v3;
	v2 =	vsel vm2, $0x41E2, v2;
	v1 =	vsel vm4, $0x1ED2, v1  }
0x12e: {  	v3 =	vsel vm2, $0x1FE3, v3;
	v2 =	vsel vm1, $0x426A, v2;
	v1 =	vsel vm3, $0x1F5A, v1  }
0x12f: {  	v3 =	vsel vm1, $0x206B, v3;
	v54 =	vsel vm0, $0x42F2, v2;
	v2 =	vimm.s32 $0x217C  }
0x130: {  	v1 =	vsel vm2, $0x1FE2, v1;
	v55 =	vsel vm0, $0x20F3, v3;
	v3 =	vimm.s32 $0x437C  }
0x131: {  	v2 =	vsel vm14, $0xCC4, v2;
	v1 =	vsel vm1, $0x206A, v1;
	v3 =	vsel vm14, $0x2EC4, v3  }
0x132: {  	v2 =	vsel vm13, $0xD4C, v2;
	v53 =	vsel vm0, $0x20F2, v1;
	v1 =	vimm.s32 $0x437B  }
0x133: {  	v3 =	vsel vm13, $0x2F4C, v3;
	v2 =	vsel vm12, $0xDD4, v2;
	v1 =	vsel vm14, $0x2EC3, v1  }
0x134: {  	v3 =	vsel vm12, $0x2FD4, v3;
	v2 =	vsel vm11, $0xE5C, v2;
	v1 =	vsel vm13, $0x2F4B, v1  }
0x135: {  	v3 =	vsel vm11, $0x305C, v3;
	v2 =	vsel vm10, $0xEE4, v2;
	v1 =	vsel vm12, $0x2FD3, v1  }
0x136: {  	v3 =	vsel vm10, $0x30E4, v3;
	v2 =	vsel vm9, $0xF6C, v2;
	v1 =	vsel vm11, $0x305B, v1  }
0x137: {  	v3 =	vsel vm9, $0x316C, v3;
	v2 =	vsel vm8, $0xFF4, v2;
	v1 =	vsel vm10, $0x30E3, v1  }
0x138: {  	v3 =	vsel vm8, $0x31F4, v3;
	v2 =	vsel vm7, $0x107C, v2;
	v1 =	vsel vm9, $0x316B, v1  }
0x139: {  	v3 =	vsel vm7, $0x327C, v3;
	v2 =	vsel vm6, $0x1DC4, v2;
	v1 =	vsel vm8, $0x31F3, v1  }
0x13a: {  	v3 =	vsel vm6, $0x3FC4, v3;
	v2 =	vsel vm5, $0x1E4C, v2;
	v1 =	vsel vm7, $0x327B, v1  }
0x13b: {  	v3 =	vsel vm5, $0x404C, v3;
	v2 =	vsel vm4, $0x1ED4, v2;
	v1 =	vsel vm6, $0x3FC3, v1  }
0x13c: {  	v3 =	vsel vm4, $0x40D4, v3;
	v2 =	vsel vm3, $0x1F5C, v2;
	v1 =	vsel vm5, $0x404B, v1  }
0x13d: {  	v3 =	vsel vm3, $0x415C, v3;
	v2 =	vsel vm2, $0x1FE4, v2;
	v1 =	vsel vm4, $0x40D3, v1  }
0x13e: {  	v3 =	vsel vm2, $0x41E4, v3;
	v2 =	vsel vm1, $0x206C, v2;
	v1 =	vsel vm3, $0x415B, v1  }
0x13f: {  	v3 =	vsel vm1, $0x426C, v3;
	v57 =	vsel vm0, $0x20F4, v2;
	v2 =	vimm.s32 $0x437D  }
0x140: {  	v1 =	vsel vm2, $0x41E3, v1;
	v58 =	vsel vm0, $0x42F4, v3;
	v3 =	vimm.s32 $0x217E  }
0x141: {  	v2 =	vsel vm14, $0x2EC5, v2;
	v1 =	vsel vm1, $0x426B, v1;
	v3 =	vsel vm14, $0xCC6, v3  }
0x142: {  	v2 =	vsel vm13, $0x2F4D, v2;
	v56 =	vsel vm0, $0x42F3, v1;
	v1 =	vimm.s32 $0x217D  }
0x143: {  	v3 =	vsel vm13, $0xD4E, v3;
	v2 =	vsel vm12, $0x2FD5, v2;
	v1 =	vsel vm14, $0xCC5, v1  }
0x144: {  	s0 =	rddreg [dreg:$0x0];
	s3 =	simm.s32 $0x0;
	v3 =	vsel vm12, $0xDD6, v3;
	v2 =	vsel vm11, $0x305D, v2;
	v1 =	vsel vm13, $0xD4D, v1  }
0x145: {  	[smem:$0x7FF] =	sst s3;
	v3 =	vsel vm11, $0xE5E, v3;
	v2 =	vsel vm10, $0x30E5, v2;
	v1 =	vsel vm12, $0xDD5, v1  }
0x146: {  	s1 =	rddreg [dreg:$0x1];
	_ =	strace $0x80000047;
	[tilespmem:$0x1FE50] =	vst v37;
	v3 =	vsel vm10, $0xEE6, v3;
	v2 =	vsel vm9, $0x316D, v2;
	v1 =	vsel vm11, $0xE5D, v1  }
0x147: {  	[tilespmem:$0x1FE60] =	vst v5;
	v3 =	vsel vm9, $0xF6E, v3;
	v2 =	vsel vm8, $0x31F5, v2;
	v1 =	vsel vm10, $0xEE5, v1  }
0x148: {  	[tilespmem:$0x1FE70] =	vst v39;
	v3 =	vsel vm8, $0xFF6, v3;
	v2 =	vsel vm7, $0x327D, v2;
	v1 =	vsel vm9, $0xF6D, v1  }
0x149: {  	[tilespmem:$0x1FE80] =	vst v6;
	v3 =	vsel vm7, $0x107E, v3;
	v2 =	vsel vm6, $0x3FC5, v2;
	v1 =	vsel vm8, $0xFF5, v1  }
0x14a: {  	[tilespmem:$0x1FE90] =	vst v41;
	v3 =	vsel vm6, $0x1DC6, v3;
	v2 =	vsel vm5, $0x404D, v2;
	v1 =	vsel vm7, $0x107D, v1  }
0x14b: {  	[tilespmem:$0x1FEA0] =	vst v43;
	v3 =	vsel vm5, $0x1E4E, v3;
	v2 =	vsel vm4, $0x40D5, v2;
	v1 =	vsel vm6, $0x1DC5, v1  }
0x14c: {  	[tilespmem:$0x1FEB0] =	vst v11;
	v3 =	vsel vm4, $0x1ED6, v3;
	v2 =	vsel vm3, $0x415D, v2;
	v1 =	vsel vm5, $0x1E4D, v1  }
0x14d: {  	[tilespmem:$0x1FEC0] =	vst v46;
	v3 =	vsel vm3, $0x1F5E, v3;
	v2 =	vsel vm2, $0x41E5, v2;
	v1 =	vsel vm4, $0x1ED5, v1  }
0x14e: {  	[tilespmem:$0x1FED0] =	vst v7;
	v3 =	vsel vm2, $0x1FE6, v3;
	v2 =	vsel vm1, $0x426D, v2;
	v1 =	vsel vm3, $0x1F5D, v1  }
0x14f: {  	[tilespmem:$0x1FEE0] =	vst v9;
	v3 =	vsel vm1, $0x206E, v3;
	v60 =	vsel vm0, $0x42F5, v2;
	v1 =	vsel vm2, $0x1FE5, v1  }
0x150: {  	[tilespmem:$0x1FEF0] =	vst v8;
	v2 =	vimm.s32 $0x217F;
	v61 =	vsel vm0, $0x20F6, v3;
	v1 =	vsel vm1, $0x206D, v1  }
0x151: {  	[tilespmem:$0x1FF00] =	vst v45;
	v3 =	vimm.s32 $0x437F;
	v59 =	vsel vm0, $0x20F5, v1;
	v1 =	vimm.s32 $0x437E  }
0x152: {  	[tilespmem:$0x1FF10] =	vst v10;
	v2 =	vsel vm14, $0xCC7, v2;
	v3 =	vsel vm14, $0x2EC7, v3;
	v1 =	vsel vm14, $0x2EC6, v1  }
0x153: {  	[tilespmem:$0x1FF20] =	vst v40;
	v2 =	vsel vm13, $0xD4F, v2;
	v3 =	vsel vm13, $0x2F4F, v3;
	v1 =	vsel vm13, $0x2F4E, v1  }
0x154: {  	[tilespmem:$0x1FF30] =	vst v36;
	v2 =	vsel vm12, $0xDD7, v2;
	v3 =	vsel vm12, $0x2FD7, v3;
	v1 =	vsel vm12, $0x2FD6, v1  }
0x155: {  	[tilespmem:$0x1FF40] =	vst v12;
	v2 =	vsel vm11, $0xE5F, v2;
	v3 =	vsel vm11, $0x305F, v3;
	v1 =	vsel vm11, $0x305E, v1  }
0x156: {  	s2 =	srdreg.scid;
	s15 =	simm.s32 $0xC800;
	s16 =	simm.s32 $0xD800;
	[tilespmem:$0x1FF50] =	vst v4;
	v2 =	vsel vm10, $0xEE7, v2;
	v3 =	vsel vm10, $0x30E7, v3;
	v1 =	vsel vm10, $0x30E6, v1  }
0x157: {  	s4 =	stileid.u32;
	s18 =	simm.s32 $0xE800;
	s20 =	simm.s32 $0xF800;
	[tilespmem:$0x1FF60] =	vst v13;
	v2 =	vsel vm9, $0xF6F, v2;
	v3 =	vsel vm9, $0x316F, v3;
	v1 =	vsel vm9, $0x316E, v1  }
0x158: {  	s14 =	simm.s32 $0x80;
	s21 =	simm.s32 $0x10800;
	s22 =	simm.s32 $0x11800;
	[tilespmem:$0x1FF70] =	vst v48;
	v2 =	vsel vm8, $0xFF7, v2;
	v3 =	vsel vm8, $0x31F7, v3;
	v1 =	vsel vm8, $0x31F6, v1  }
0x159: {  	s23 =	simm.s32 $0x12800;
	s24 =	simm.s32 $0x13800;
	s25 =	simm.s32 $0x1;
	[tilespmem:$0x1FF80] =	vst v32;
	v2 =	vsel vm7, $0x107F, v2;
	v3 =	vsel vm7, $0x327F, v3;
	v1 =	vsel vm7, $0x327E, v1  }
0x15a: {  	s26 =	simm.s32 $0x14800;
	s2 =	sand.u32 $0x1, s2;
	s4 =	sshll.u32 s4, $0x1;
	[tilespmem:$0x1FF90] =	vst v33;
	v2 =	vsel vm6, $0x1DC7, v2;
	v3 =	vsel vm6, $0x3FC7, v3;
	v1 =	vsel vm6, $0x3FC6, v1  }
0x15b: {  	s28 =	simm.s32 $0x2;
	s29 =	simm.s32 $0x18C00;
	s5 =	sor.u32 s2, s4;
	[tilespmem:$0x1FFA0] =	vst v35;
	v2 =	vsel vm5, $0x1E4F, v2;
	v3 =	vsel vm5, $0x404F, v3;
	v1 =	vsel vm5, $0x404E, v1  }
0x15c: {  	s8 =	sadd.s32 $0x8000, s1;
	s2 =	ssub.s32 $0x2, s2;
	s4 =	sshll.u32 s5, $0x6;
	[tilespmem:$0x1FFB0] =	vst v47;
	v2 =	vsel vm4, $0x1ED7, v2;
	v3 =	vsel vm4, $0x40D7, v3;
	v1 =	vsel vm4, $0x40D6, v1  }
0x15d: {  	s9 =	sadd.s32 $0xC000, s1;
	s6 =	sshrl.u32 s2, $0x1;
	s7 =	sadd.s32 s4, s0;
	[tilespmem:$0x1FFC0] =	vst v42;
	v2 =	vsel vm3, $0x1F5F, v2;
	v3 =	vsel vm3, $0x415F, v3;
	v1 =	vsel vm3, $0x415E, v1  }
0x15e: {  	s4 =	sadd.s32 $0x32600, s0;
	s30 =	ssub.s32 s2, s6;
	s31 =	sadd.s32 $0x600, s7;
	[tilespmem:$0x1FFD0] =	vst v44;
	v2 =	vsel vm2, $0x1FE7, v2;
	v3 =	vsel vm2, $0x41E7, v3;
	v1 =	vsel vm2, $0x41E6, v1  }
0x15f: {  	s6 =	sshll.u32 s5, $0xC;
	s0 =	smax.u32 s30, $0x1;
	[dreg:$0x3] =	wrdreg s31;
	[tilespmem:$0x1FFE0] =	vst v24;
	v2 =	vsel vm1, $0x206F, v2;
	v3 =	vsel vm1, $0x426F, v3;
	v1 =	vsel vm1, $0x426E, v1  }
0x160: {  	s5 =	simm.s32 $0x0;
	s7 =	sadd.s32 $0x4000, s1;
	[dreg:$0x4] =	wrdreg s0;
	[tilespmem:$0x1FFF0] =	vst v25;
	v63 =	vsel vm0, $0x20F7, v2;
	v62 =	vsel vm0, $0x42F6, v1;
	v1 =	vsel vm0, $0x42F7, v3  }
.LBB2_1:
0x161: {  	[dreg:$0x5] =	wrdreg s5  }
0x162: {  	s0 =	rddreg [dreg:$0x3]  }
0x163: {  	s2 =	simm.s32 $0x200;
	s17 =	simm.s32 $0x4000;
	s19 =	simm.s32 $0x5  }
0x164: {  	[tilespmem:s3], [sflag:$0x5] =	stream.strided.gather [hbm4b:s0+s2], $0xC800, s17, s2, $0x38;
	[tilespmem:$0x1D000] =	vst v63  }
0x165: {  	_ =	swait.ge [sflag:s19], $0xC800  }
0x166: {  	[sflag:s19] =	ssyncset.done $0x0  }
0x167: {  	[sflag:s19] =	ssyncadd.s32 $0xFFFF3800  }
0x168: {  	[tilespmem:s15], [sflag:$0x1] =	stream.indirect.gather [hbm4b:s4+s14], $0x20, s3, s14, $0xb8;
	[tilespmem:$0x1D000] =	vst v63  }
0x169: {  	_ = 	snop  }
0x16a: {  	[tilespmem:s16], [sflag:$0x1] =	stream.indirect.gather [hbm4b:s4+s14], $0x20, s14, s14, $0xb8;
	[tilespmem:$0x1D000] =	vst v63  }
0x16b: {  	s30 =	simm.s32 $0x100;
	s31 =	simm.s32 $0x180  }
0x16c: {  	[tilespmem:s18], [sflag:$0x1] =	stream.indirect.gather [hbm4b:s4+s14], $0x20, s30, s14, $0xb8;
	[tilespmem:$0x1D000] =	vst v63  }
0x16d: {  	s11 =	simm.s32 $0x470;
	s12 =	simm.s32 $0x0;
	s2 =	simm.s32 $0x270  }
0x16e: {  	[tilespmem:s20], [sflag:$0x1] =	stream.indirect.gather [hbm4b:s4+s14], $0x20, s31, s14, $0xb8;
	[tilespmem:$0x1D000] =	vst v63  }
.LBB2_2:
0x16f: {  	v6 =	vld [tilespmem:s2+$0x0]  }
0x170: {  	s17 =	sshllo.u32 s12, $0x1;
	v7 =	vld [tilespmem:s2+$0xFFFFFFA0]  }
0x171: {  	v8 =	vld [tilespmem:s2+$0xFFFFFFB0];
	s0 =	smul.u32 $0x3E8, s17  }
0x172: {  	v5 =	vld [tilespmem:s2+$0xFFFFFFC0]  }
0x173: {  	v4 =	vld [tilespmem:s2+$0xFFFFFFD0];
	v2 =	vmov s0  }
0x174: {  	v3 =	vld [tilespmem:s2+$0xFFFFFFE0];
	v9 =	vadd.s32 v2, v6  }
0x175: {  	s19 =	sshll.u32 s12, $0x1;
	s13 =	simm.s32 $0x0;
	s31 =	sshll.u32 s17, $0x9;
	v10 =	vadd.s32 v2, v7;
	v6 =	vld [tilespmem:s2+$0xFFFFFFF0];
	[tilespmem:s2+$0x0] =	vst v9  }
0x176: {  	s30 =	sadd.s32 $0x80, s2;
	s10 =	smov.u32 s2;
	s5 =	sand.u32 $0x3FFFFE00, s31;
	v7 =	vld [tilespmem:s2+$0xFFFFFF90];
	v8 =	vadd.s32 v2, v8;
	[tilespmem:s2+$0xFFFFFFA0] =	vst v10  }
.LBB2_3:
0x177: {  	v9 =	vld [tilespmem:s30+$0x0];
	s13 =	sadd.s32 $0x8, s13;
	[tilespmem:s10+$0xFFFFFFB0] =	vst v8;
	v5 =	vadd.s32 v2, v5  }
0x178: {  	v8 =	vld [tilespmem:s30+$0xFFFFFFA0];
	p0 =	slt.u32 s13, $0x18;
	[tilespmem:s10+$0xFFFFFFC0] =	vst v5;
	v4 =	vadd.s32 v2, v4  }
0x179: {  	v10 =	vld [tilespmem:s30+$0xFFFFFFB0];
	[tilespmem:s10+$0xFFFFFFD0] =	vst v4;
	v3 =	vadd.s32 v2, v3  }
.Ltmp0:
0x17a: {  	v5 =	vld [tilespmem:s30+$0xFFFFFFC0];
	[tilespmem:s10+$0xFFFFFFE0] =	vst v3;
	v3 =	vadd.s32 v2, v6;
	(pc) =	sbr.rel @p0 .LBB2_3-.Ltmp0, $4  }
0x17b: {  	v4 =	vld [tilespmem:s30+$0xFFFFFFD0];
	v6 =	vadd.s32 v2, v7;
	[tilespmem:s10+$0xFFFFFFF0] =	vst v3  }
0x17c: {  	v3 =	vld [tilespmem:s30+$0xFFFFFFE0];
	v7 =	vadd.s32 v2, v9;
	[tilespmem:s10+$0xFFFFFF90] =	vst v6;
	s10 =	smov.u32 s30  }
0x17d: {  	v8 =	vadd.s32 v2, v8;
	v6 =	vld [tilespmem:s30+$0xFFFFFFF0];
	[tilespmem:s30+$0x0] =	vst v7  }
0x17e: {  	s30 =	sadd.s32 $0x80, s30;
	v7 =	vld [tilespmem:s10+$0xFFFFFF90];
	[tilespmem:s10+$0xFFFFFFA0] =	vst v8;
	v8 =	vadd.s32 v2, v10  }
0x17f: {  	[tilespmem:s10+$0xFFFFFFB0] =	vst v8;
	v5 =	vadd.s32 v2, v5  }
0x180: {  	[tilespmem:s10+$0xFFFFFFC0] =	vst v5;
	v4 =	vadd.s32 v2, v4  }
0x181: {  	[tilespmem:s10+$0xFFFFFFD0] =	vst v4;
	v3 =	vadd.s32 v2, v3  }
0x182: {  	[tilespmem:s10+$0xFFFFFFE0] =	vst v3;
	v3 =	vadd.s32 v2, v6  }
0x183: {  	v2 =	vadd.s32 v2, v7;
	[tilespmem:s10+$0xFFFFFFF0] =	vst v3  }
0x184: {  	[tilespmem:s10+$0xFFFFFF90] =	vst v2  }
0x185: {  	[tilespmem:s21], [sflag:$0x2] =	stream.indirect.gather [hbm4b:s4+s14], $0x20, s5, s14, $0xb8;
	[tilespmem:$0x1D000] =	vst v63  }
0x186: {  	s0 =	sadd.s32 $0x80, s5  }
0x187: {  	[tilespmem:s22], [sflag:$0x2] =	stream.indirect.gather [hbm4b:s4+s14], $0x20, s0, s14, $0xb8;
	[tilespmem:$0x1D000] =	vst v63  }
0x188: {  	s10 =	sadd.s32 $0x100, s5  }
0x189: {  	[tilespmem:s23], [sflag:$0x2] =	stream.indirect.gather [hbm4b:s4+s14], $0x20, s10, s14, $0xb8;
	[tilespmem:$0x1D000] =	vst v63  }
0x18a: {  	s13 =	sadd.s32 $0x180, s5  }
0x18b: {  	[tilespmem:s24], [sflag:$0x2] =	stream.indirect.gather [hbm4b:s4+s14], $0x20, s13, s14, $0xb8;
	[tilespmem:$0x1D000] =	vst v63  }
0x18c: {  	_ =	swait.ge [sflag:s25], $0x1000  }
0x18d: {  	[sflag:s25] =	ssyncset.done $0x0  }
0x18e: {  	[sflag:s25] =	ssyncadd.s32 $0xFFFFF000  }
0x18f: {  	_ =	swait.ge [sflag:s25], $0x1000  }
0x190: {  	[sflag:s25] =	ssyncset.done $0x0  }
0x191: {  	[sflag:s25] =	ssyncadd.s32 $0xFFFFF000  }
0x192: {  	_ =	swait.ge [sflag:s25], $0x1000  }
0x193: {  	[sflag:s25] =	ssyncset.done $0x0  }
0x194: {  	[sflag:s25] =	ssyncadd.s32 $0xFFFFF000  }
0x195: {  	_ =	swait.ge [sflag:s25], $0x1000  }
0x196: {  	p0 =	seq.s32 s12, $0x0;
	[sflag:s25] =	ssyncset.done $0x0  }
0x197: {  	s0 =	simm.s32 @!p0 $0x3;
	[sflag:s25] =	ssyncadd.s32 $0xFFFFF000  }
0x198: {  	_ =	swait.ge @!p0 [sflag:s0], $0x1000  }
0x199: {  	[sflag:s0] =	ssyncset.done @!p0 $0x0  }
0x19a: {  	[sflag:s0] =	ssyncadd.s32 @!p0 $0xFFFFF000  }
0x19b: {  	_ =	swait.ge @!p0 [sflag:s0], $0x1000  }
0x19c: {  	s31 =	simm.s32 $0x0;
	[sflag:s0] =	ssyncset.done @!p0 $0x0  }
0x19d: {  	v2 =	vmov s31;
	s13 =	simm.s32 $0x3;
	[sflag:s0] =	ssyncadd.s32 @!p0 $0xFFFFF000  }
0x19e: {  	v2 =	vshrl.u32 v2, $0x3;
	v5 =	vmov s13;
	s13 =	simm.s32 $0x7;
	_ =	swait.ge @!p0 [sflag:s0], $0x1000  }
0x19f: {  	s31 =	simm.s32 $0x2;
	v2 =	vshll.u32 v2, v0;
	v7 =	vmov s13;
	[sflag:s0] =	ssyncset.done @!p0 $0x0  }
0x1a0: {  	v4 =	vmov s31;
	v2 =	vbroadcast v2, $0x0;
	s10 =	simm.s32 $0x1;
	v7 =	vshrl.u32 v7, $0x3;
	[sflag:s0] =	ssyncadd.s32 @!p0 $0xFFFFF000  }
0x1a1: {  	v4 =	vshrl.u32 v4, $0x3;
	v3 =	vmov s10;
	v7 =	vshll.u32 v7, v0;
	_ =	swait.ge @!p0 [sflag:s0], $0x1000  }
0x1a2: {  	v13 =	vadd.s32 v27, v2;
	s10 =	simm.s32 $0x4;
	v3 =	vshrl.u32 v3, $0x3;
	v10 =	vbroadcast v7, $0x0;
	[sflag:s0] =	ssyncset.done @!p0 $0x0  }
0x1a3: {  	v6 =	vmov s10;
	s10 =	simm.s32 $0xC880;
	v3 =	vshll.u32 v3, v0;
	v5 =	vshrl.u32 v5, $0x3;
	[sflag:s0] =	ssyncadd.s32 @!p0 $0xFFFFF000  }
0x1a4: {  	v45 =	vmovc v11;
	v15 =	vbroadcast v3, $0x0;
	v3 =	vshll.u32 v4, v0;
	v11 =	vadd.s32 v11, v10;
	v4 =	vld [tilespmem:s10+$0x60]  }
0x1a5: {  	v21 =	vbroadcast v3, $0x0;
	v3 =	vshll.u32 v5, v0;
	v7 =	vshrl.u32 v6, $0x3;
	v12 =	vld [tilespmem:s10+$0xFFFFFF80]  }
0x1a6: {  	v16 =	vadd.s32 v29, v15;
	v6 =	vbroadcast v3, $0x0;
	v3 =	vshll.u32 v7, v0;
	v14 =	vld [tilespmem:s10+$0xFFFFFFA0]  }
0x1a7: {  	v18 =	vadd.s32 v30, v21;
	v5 =	vbroadcast v3, $0x0;
	v17 =	vld [tilespmem:s10+$0xFFFFFFC0]  }
0x1a8: {  	v19 =	vadd.s32 v37, v6;
	v32 =	vld [tilespmem:s10+$0xFFFFFFE0]  }
0x1a9: {  	v31 =	vadd.s32 v39, v5;
	v24 =	vld [tilespmem:s10+$0x0];
	[tilespmem:v11+s26+$0x0] =	vst.idx.msk $0xffff, v4  }
0x1aa: {  	[tilespmem:v13+s26+$0x0] =	vst.idx.msk $0xffff, v12  }
0x1ab: {  	[tilespmem:v16+s26+$0x0] =	vst.idx.msk $0xffff, v14  }
0x1ac: {  	s31 =	simm.s32 $0x5;
	s13 =	simm.s32 $0x6;
	v11 =	vld [tilespmem:s10+$0x20];
	[tilespmem:v18+s26+$0x0] =	vst.idx.msk $0xffff, v17  }
0x1ad: {  	v8 =	vmov s31;
	v9 =	vmov s13;
	v14 =	vld [tilespmem:s10+$0x40];
	[tilespmem:v19+s26+$0x0] =	vst.idx.msk $0xffff, v32  }
0x1ae: {  	s5 =	simm.s32 $0x9;
	s13 =	simm.s32 $0xA;
	v3 =	vshrl.u32 v8, $0x3;
	v8 =	vshrl.u32 v9, $0x3;
	[tilespmem:v31+s26+$0x0] =	vst.idx.msk $0xffff, v24;
	v9 =	vld [tilespmem:s10+$0x70]  }
0x1af: {  	v22 =	vmov s5;
	v23 =	vmov s13;
	v3 =	vshll.u32 v3, v0;
	v38 =	vld [tilespmem:$0x1FE60]  }
0x1b0: {  	v20 =	vadd.s32 v26, v15;
	v7 =	vbroadcast v3, $0x0;
	v3 =	vshll.u32 v8, v0;
	v40 =	vld [tilespmem:$0x1FE80]  }
0x1b1: {  	s31 =	simm.s32 $0x8;
	s13 =	simm.s32 $0xD;
	v21 =	vadd.s32 v25, v21;
	v10 =	vadd.s32 v46, v10;
	v8 =	vbroadcast v3, $0x0;
	v42 =	vld [tilespmem:$0x1FD50]  }
0x1b2: {  	v3 =	vmov s13;
	v4 =	vmov s31;
	s31 =	simm.s32 $0xB;
	v12 =	vadd.s32 v41, v7;
	v44 =	vld [tilespmem:$0x1FD60]  }
0x1b3: {  	s5 =	simm.s32 $0xC;
	v16 =	vadd.s32 v43, v8;
	v4 =	vshrl.u32 v4, $0x3;
	v13 =	vmov s31;
	s31 =	simm.s32 $0xE;
	v18 =	vld [tilespmem:s10+$0xFFFFFFB0]  }
0x1b4: {  	s30 =	simm.s32 $0xF;
	v36 =	vmovc v25;
	s13 =	simm.s32 $0x10;
	v17 =	vmov s5;
	v19 =	vld [tilespmem:s10+$0xFFFFFFD0];
	v15 =	vshll.u32 v4, v0;
	v4 =	vmov s31  }
.LBB2_5:
0x1b5: {  	v22 =	vshrl.u32 v22, $0x3;
	v24 =	vmov s30  }
0x1b6: {  	p1 =	slt.u32 s13, $0x78;
	v25 =	vld [tilespmem:s10+$0xFFFFFFF0];
	v6 =	vadd.s32 v38, v6;
	[tilespmem:v10+s26+$0x0] =	vst.idx.msk $0xffff, v9;
	s5 =	simm.s32 $0xD8F0;
	v9 =	vshrl.u32 v23, $0x3;
	v5 =	vadd.s32 v40, v5  }
0x1b7: {  	v7 =	vadd.s32 v42, v7;
	v8 =	vadd.s32 v44, v8;
	v10 =	vshrl.u32 v24, $0x3;
	v23 =	vld [tilespmem:s10+$0x10];
	[tilespmem:v12+s26+$0x0] =	vst.idx.msk $0xffff, v11  }
0x1b8: {  	v34 =	vmov v26;
	v11 =	vshrl.u32 v13, $0x3;
	v10 =	vshll.u32 v10, v0;
	v12 =	vld [tilespmem:s10+$0x30];
	[tilespmem:v16+s26+$0x0] =	vst.idx.msk $0xffff, v14  }
0x1b9: {  	v3 =	vshrl.u32 v3, $0x3;
	v31 =	vmovc v27;
	v32 =	vmovc v28;
	v13 =	vshrl.u32 v17, $0x3;
	v10 =	vbroadcast v10, $0x0;
	[tilespmem:v20+s26+$0x0] =	vst.idx.msk $0xffff, v18;
	v14 =	vld [tilespmem:s10+$0x50]  }
0x1ba: {  	v16 =	vshll.u32 v22, v0;
	v18 =	vadd.s32 v28, v2;
	v2 =	vbroadcast v15, $0x0;
	v17 =	vld [tilespmem:s10+$0xFFFFFF90];
	[tilespmem:v21+s26+$0x0] =	vst.idx.msk $0xffff, v19;
	s10 =	sadd.s32 $0x100, s10  }
0x1bb: {  	v9 =	vshll.u32 v9, v0;
	v15 =	vbroadcast v16, $0x0;
	v16 =	vld [tilespmem:s10+$0x60];
	v19 =	vadd.s32 v45, v10;
	[tilespmem:v6+s26+$0x0] =	vst.idx.msk $0xffff, v25  }
0x1bc: {  	v24 =	vbroadcast v9, $0x0;
	v21 =	vadd.s32 v27, v2;
	v6 =	vshll.u32 v11, v0;
	v20 =	vld [tilespmem:s10+$0xFFFFFF80];
	[tilespmem:v5+s26+$0x0] =	vst.idx.msk $0xffff, v23  }
0x1bd: {  	v23 =	vadd.s32 v29, v15;
	v6 =	vbroadcast v6, $0x0;
	v5 =	vshll.u32 v13, v0;
	v11 =	vld [tilespmem:s10+$0xFFFFFFA0];
	[tilespmem:v7+s26+$0x0] =	vst.idx.msk $0xffff, v12  }
0x1be: {  	v4 =	vshrl.u32 v4, $0x3;
	v33 =	vmovc v29;
	s0 =	sadd.s32 $0x1, s13;
	v26 =	vadd.s32 v30, v24;
	v5 =	vbroadcast v5, $0x0;
	v25 =	vld [tilespmem:s10+$0xFFFFFFC0];
	[tilespmem:v8+s26+$0x0] =	vst.idx.msk $0xffff, v14  }
0x1bf: {  	v35 =	vmovc v30;
	v3 =	vshll.u32 v3, v0;
	v22 =	vmov s0;
	v28 =	vadd.s32 v37, v6;
	v27 =	vld [tilespmem:s10+$0xFFFFFFE0];
	[tilespmem:v18+s26+$0x0] =	vst.idx.msk $0xffff, v17  }
0x1c0: {  	v7 =	vbroadcast v3, $0x0;
	v3 =	vshll.u32 v4, v0;
	v30 =	vadd.s32 v39, v5;
	v29 =	vld [tilespmem:s10+$0x0];
	[tilespmem:v19+s26+$0x0] =	vst.idx.msk $0xffff, v16  }
.Ltmp1:
0x1c1: {  	s30 =	sadd.s32 $0x3, s13;
	v10 =	vadd.s32 v46, v10;
	v4 =	vmov s13;
	v8 =	vbroadcast v3, $0x0;
	[tilespmem:v21+s26+$0x0] =	vst.idx.msk $0xffff, v20;
	v9 =	vld [tilespmem:s10+$0x70];
	(pc) =	sbr.rel @p1 .LBB2_5-.Ltmp1, $4  }
0x1c2: {  	s0 =	sadd.s32 $0x2, s13;
	v13 =	vmov s30;
	v4 =	vshrl.u32 v4, $0x3;
	v12 =	vadd.s32 v41, v7;
	[tilespmem:v23+s26+$0x0] =	vst.idx.msk $0xffff, v11;
	v11 =	vld [tilespmem:s10+$0x20]  }
0x1c3: {  	s30 =	sadd.s32 $0x5, s13;
	v16 =	vadd.s32 v43, v8;
	v20 =	vadd.s32 v34, v15;
	v23 =	vmov s0;
	s0 =	sadd.s32 $0x4, s13;
	[tilespmem:v26+s26+$0x0] =	vst.idx.msk $0xffff, v25;
	v26 =	vmovc v34;
	v14 =	vld [tilespmem:s10+$0x40]  }
0x1c4: {  	v3 =	vmov s30;
	v15 =	vshll.u32 v4, v0;
	v17 =	vmov s0;
	s0 =	sadd.s32 $0x6, s13;
	v18 =	vld [tilespmem:s10+$0xFFFFFFB0];
	[tilespmem:v28+s26+$0x0] =	vst.idx.msk $0xffff, v27;
	v28 =	vmovc v32;
	v27 =	vmovc v31  }
0x1c5: {  	s30 =	sadd.s32 $0x7, s13;
	v21 =	vadd.s32 v36, v24;
	s13 =	sadd.s32 $0x8, s13;
	v4 =	vmov s0;
	v19 =	vld [tilespmem:s10+$0xFFFFFFD0];
	[tilespmem:v30+s26+$0x0] =	vst.idx.msk $0xffff, v29;
	v30 =	vmovc v35;
	v29 =	vmov v33  }
0x1c6: {  	_ =	sdelay $0x2  }
0x1c7: {  	v22 =	vshrl.u32 v22, $0x3  }
0x1c8: {  	v24 =	vmov s30;
	v25 =	vld [tilespmem:s10+$0xFFFFFFF0];
	v6 =	vadd.s32 v38, v6;
	[tilespmem:v10+s26+$0x0] =	vst.idx.msk $0xffff, v9;
	v9 =	vshrl.u32 v23, $0x3  }
0x1c9: {  	v23 =	vld [tilespmem:s10+$0x10];
	v5 =	vadd.s32 v40, v5;
	v2 =	vadd.s32 v28, v2;
	v10 =	vshrl.u32 v24, $0x3;
	[tilespmem:v12+s26+$0x0] =	vst.idx.msk $0xffff, v11  }
0x1ca: {  	v11 =	vshrl.u32 v13, $0x3;
	v13 =	vshrl.u32 v17, $0x3;
	v17 =	vld [tilespmem:s10+$0xFFFFFF90];
	v10 =	vshll.u32 v10, v0;
	[tilespmem:v16+s26+$0x0] =	vst.idx.msk $0xffff, v14  }
0x1cb: {  	v7 =	vadd.s32 v42, v7;
	v12 =	vld [tilespmem:s10+$0x30];
	v16 =	vshll.u32 v22, v0;
	v10 =	vbroadcast v10, $0x0;
	[tilespmem:v20+s26+$0x0] =	vst.idx.msk $0xffff, v18  }
0x1cc: {  	v8 =	vadd.s32 v44, v8;
	v15 =	vbroadcast v15, $0x0;
	s0 =	sadd.s32 $0x100, s10;
	v14 =	vld [tilespmem:s10+$0x50];
	v16 =	vbroadcast v16, $0x0;
	[tilespmem:v21+s26+$0x0] =	vst.idx.msk $0xffff, v19  }
0x1cd: {  	v3 =	vshrl.u32 v3, $0x3;
	v13 =	vshll.u32 v13, v0;
	v18 =	vld [tilespmem:s0+$0x60];
	v47 =	vadd.s32 v45, v10;
	[tilespmem:v6+s26+$0x0] =	vst.idx.msk $0xffff, v25  }
0x1ce: {  	v9 =	vshll.u32 v9, v0;
	v13 =	vbroadcast v13, $0x0;
	[tilespmem:v5+s26+$0x0] =	vst.idx.msk $0xffff, v23;
	v5 =	vld [tilespmem:s0+$0xFFFFFFA0];
	v45 =	vadd.s32 v29, v16  }
0x1cf: {  	v48 =	vadd.s32 v27, v15;
	v9 =	vbroadcast v9, $0x0;
	v11 =	vshll.u32 v11, v0;
	v6 =	vld [tilespmem:s0+$0xFFFFFF80];
	[tilespmem:v2+s26+$0x0] =	vst.idx.msk $0xffff, v17  }
0x1d0: {  	v3 =	vshll.u32 v3, v0;
	v11 =	vbroadcast v11, $0x0;
	v2 =	vld [tilespmem:s0+$0x0];
	v17 =	vadd.s32 v39, v13;
	[tilespmem:v7+s26+$0x0] =	vst.idx.msk $0xffff, v12  }
0x1d1: {  	v3 =	vbroadcast v3, $0x0;
	v7 =	vld [tilespmem:s0+$0xFFFFFFC0];
	v12 =	vadd.s32 v30, v9;
	[tilespmem:v8+s26+$0x0] =	vst.idx.msk $0xffff, v14  }
0x1d2: {  	v4 =	vshrl.u32 v4, $0x3;
	v8 =	vld [tilespmem:s0+$0xFFFFFFE0];
	v14 =	vadd.s32 v37, v11;
	[tilespmem:v47+s26+$0x0] =	vst.idx.msk $0xffff, v18  }
0x1d3: {  	v4 =	vshll.u32 v4, v0;
	[tilespmem:v45+s26+$0x0] =	vst.idx.msk $0xffff, v5;
	v5 =	vld [tilespmem:s0+$0x20];
	v47 =	vadd.s32 v41, v3  }
0x1d4: {  	v4 =	vbroadcast v4, $0x0;
	v10 =	vadd.s32 v46, v10;
	[tilespmem:v48+s26+$0x0] =	vst.idx.msk $0xffff, v6;
	v6 =	vld [tilespmem:s0+$0x70]  }
0x1d5: {  	v16 =	vadd.s32 v26, v16;
	v48 =	vld [tilespmem:s0+$0xFFFFFFB0];
	[tilespmem:v17+s26+$0x0] =	vst.idx.msk $0xffff, v2  }
0x1d6: {  	[tilespmem:v12+s26+$0x0] =	vst.idx.msk $0xffff, v7;
	v7 =	vld [tilespmem:s0+$0x40];
	v12 =	vadd.s32 v43, v4  }
0x1d7: {  	v9 =	vadd.s32 v36, v9;
	[tilespmem:v14+s26+$0x0] =	vst.idx.msk $0xffff, v8;
	v8 =	vld [tilespmem:s0+$0xFFFFFFD0]  }
0x1d8: {  	v11 =	vadd.s32 v38, v11;
	v2 =	vld [tilespmem:s0+$0xFFFFFFF0];
	[tilespmem:v47+s26+$0x0] =	vst.idx.msk $0xffff, v5  }
0x1d9: {  	[tilespmem:v10+s26+$0x0] =	vst.idx.msk $0xffff, v6;
	v6 =	vld [tilespmem:s0+$0x10];
	v10 =	vadd.s32 v40, v13  }
0x1da: {  	v3 =	vadd.s32 v42, v3;
	v5 =	vld [tilespmem:s0+$0x30];
	[tilespmem:v16+s26+$0x0] =	vst.idx.msk $0xffff, v48  }
0x1db: {  	v13 =	vadd.s32 v28, v15;
	[tilespmem:v12+s26+$0x0] =	vst.idx.msk $0xffff, v7;
	v12 =	vld [tilespmem:s0+$0xFFFFFF90]  }
0x1dc: {  	v4 =	vadd.s32 v44, v4;
	v7 =	vld [tilespmem:s0+$0x50];
	[tilespmem:v9+s26+$0x0] =	vst.idx.msk $0xffff, v8  }
0x1dd: {  	[tilespmem:v11+s26+$0x0] =	vst.idx.msk $0xffff, v2  }
0x1de: {  	[tilespmem:v10+s26+$0x0] =	vst.idx.msk $0xffff, v6  }
0x1df: {  	[tilespmem:v3+s26+$0x0] =	vst.idx.msk $0xffff, v5  }
0x1e0: {  	[tilespmem:v13+s26+$0x0] =	vst.idx.msk $0xffff, v12  }
0x1e1: {  	s31 =	simm.s32 $0x0;
	[tilespmem:v4+s26+$0x0] =	vst.idx.msk $0xffff, v7  }
0x1e2: {  	v2 =	vmov s31;
	v24 =	vld [tilespmem:$0x1FED0]  }
0x1e3: {  	v2 =	vshrl.u32 v2, $0x3;
	v39 =	vld [tilespmem:$0x1FF10]  }
0x1e4: {  	v2 =	vshll.u32 v2, $0x3;
	v3 =	vld [tilespmem:s5+$0xFFFFFF10]  }
0x1e5: {  	v20 =	vbroadcast v2, $0x0;
	v41 =	vld [tilespmem:$0x1FF30]  }
0x1e6: {  	v37 =	vld [tilespmem:$0x1FEF0]  }
0x1e7: {  	v6 =	vld [tilespmem:s5+$0xFFFFFF50];
	v4 =	vadd.s32 v24, v20  }
0x1e8: {  	v45 =	vld [tilespmem:$0x1FDA0];
	v7 =	vadd.s32 v39, v20  }
0x1e9: {  	v2 =	vld [tilespmem:s5+$0xFFFFFFF0]  }
0x1ea: {  	v8 =	vld [tilespmem:s5+$0xFFFFFF70];
	v9 =	vadd.s32 v41, v20  }
0x1eb: {  	v5 =	vld [tilespmem:s5+$0xFFFFFF30];
	v10 =	vadd.s32 v37, v20  }
0x1ec: {  	v12 =	vld [tilespmem:s5+$0xFFFFFFB0];
	[tilespmem:v4+s26+$0x0] =	vst.idx.msk $0xffff, v3  }
0x1ed: {  	v13 =	vadd.s32 v45, v20;
	v36 =	vld [tilespmem:$0x1FDC0];
	[tilespmem:v7+s26+$0x0] =	vst.idx.msk $0xffff, v6  }
0x1ee: {  	v47 =	vld [tilespmem:$0x1FF50]  }
0x1ef: {  	v43 =	vld [tilespmem:$0x1FD80];
	[tilespmem:v9+s26+$0x0] =	vst.idx.msk $0xffff, v8  }
0x1f0: {  	v3 =	vld [tilespmem:s5+$0xFFFFFFD0];
	[tilespmem:v10+s26+$0x0] =	vst.idx.msk $0xffff, v5  }
0x1f1: {  	v42 =	vld [tilespmem:$0x1FD70]  }
0x1f2: {  	v26 =	vld [tilespmem:$0x1FEE0];
	[tilespmem:v13+s26+$0x0] =	vst.idx.msk $0xffff, v12;
	v4 =	vadd.s32 v36, v20  }
0x1f3: {  	v46 =	vld [tilespmem:$0x1FDB0];
	v6 =	vadd.s32 v47, v20  }
0x1f4: {  	v11 =	vld [tilespmem:s5+$0xFFFFFF90];
	v7 =	vadd.s32 v43, v20  }
0x1f5: {  	v14 =	vld [tilespmem:s5+$0xFFFFFF20]  }
0x1f6: {  	s10 =	simm.s32 $0x8;
	v5 =	vld [tilespmem:s5+$0xFFFFFF80];
	v8 =	vadd.s32 v42, v20  }
0x1f7: {  	v12 =	vmov s10;
	v13 =	vld [tilespmem:s5+$0xFFFFFFC0];
	v9 =	vadd.s32 v26, v20;
	[tilespmem:v4+s26+$0x0] =	vst.idx.msk $0xffff, v3  }
0x1f8: {  	s13 =	simm.s32 $0xD9F0;
	v16 =	vadd.s32 v46, v20;
	v3 =	vshrl.u32 v12, $0x3;
	v25 =	vld [tilespmem:$0x1FF40];
	[tilespmem:v6+s26+$0x0] =	vst.idx.msk $0xffff, v2  }
0x1f9: {  	v17 =	vld [tilespmem:s13+$0xFFFFFF30];
	[tilespmem:v7+s26+$0x0] =	vst.idx.msk $0xffff, v11;
	v2 =	vshll.u32 v3, $0x3  }
0x1fa: {  	v48 =	vld [tilespmem:$0x1FF60];
	v2 =	vbroadcast v2, $0x0  }
0x1fb: {  	v38 =	vld [tilespmem:$0x1FF00];
	[tilespmem:v8+s26+$0x0] =	vst.idx.msk $0xffff, v5  }
0x1fc: {  	v5 =	vld [tilespmem:s13+$0xFFFFFF10];
	[tilespmem:v9+s26+$0x0] =	vst.idx.msk $0xffff, v14;
	v14 =	vadd.s32 v24, v2  }
0x1fd: {  	v40 =	vld [tilespmem:$0x1FF20];
	[tilespmem:v16+s26+$0x0] =	vst.idx.msk $0xffff, v13;
	v13 =	vadd.s32 v37, v2  }
0x1fe: {  	v18 =	vld [tilespmem:s13+$0xFFFFFF50];
	v19 =	vadd.s32 v39, v2  }
0x1ff: {  	v44 =	vld [tilespmem:s13+$0xFFFFFF70];
	v21 =	vadd.s32 v41, v2  }
0x200: {  	v4 =	vld [tilespmem:s5+$0xFFFFFFE0];
	v12 =	vadd.s32 v25, v20  }
0x201: {  	v6 =	vld [tilespmem:s5+$0x0];
	v7 =	vadd.s32 v48, v20;
	[tilespmem:v14+s26+$0x0] =	vst.idx.msk $0xffff, v5  }
0x202: {  	v10 =	vld [tilespmem:s5+$0xFFFFFF40];
	v11 =	vadd.s32 v38, v20;
	[tilespmem:v13+s26+$0x0] =	vst.idx.msk $0xffff, v17  }
0x203: {  	v15 =	vld [tilespmem:s5+$0xFFFFFF60];
	v9 =	vadd.s32 v40, v20;
	[tilespmem:v19+s26+$0x0] =	vst.idx.msk $0xffff, v18  }
0x204: {  	[tilespmem:v21+s26+$0x0] =	vst.idx.msk $0xffff, v44  }
0x205: {  	[tilespmem:v12+s26+$0x0] =	vst.idx.msk $0xffff, v4  }
0x206: {  	[tilespmem:v7+s26+$0x0] =	vst.idx.msk $0xffff, v6  }
0x207: {  	v3 =	vld [tilespmem:s13+$0xFFFFFFF0];
	[tilespmem:v11+s26+$0x0] =	vst.idx.msk $0xffff, v10  }
0x208: {  	v8 =	vld [tilespmem:s13+$0xFFFFFFB0];
	[tilespmem:v9+s26+$0x0] =	vst.idx.msk $0xffff, v15  }
0x209: {  	v44 =	vld [tilespmem:$0x1FD90]  }
0x20a: {  	v16 =	vld [tilespmem:s13+$0xFFFFFF90];
	v22 =	vadd.s32 v43, v2  }
0x20b: {  	v5 =	vld [tilespmem:s13+$0xFFFFFF60];
	v15 =	vadd.s32 v45, v2  }
0x20c: {  	v14 =	vadd.s32 v36, v2;
	v12 =	vld [tilespmem:s13+$0xFFFFFFD0]  }
0x20d: {  	v13 =	vadd.s32 v47, v2;
	v6 =	vld [tilespmem:s5+$0xFFFFFFA0]  }
0x20e: {  	v7 =	vld [tilespmem:s13+$0xFFFFFF20];
	[tilespmem:$0x1FD40] =	vst v20;
	v10 =	vadd.s32 v44, v20  }
0x20f: {  	s30 =	simm.s32 $0xD9F0;
	v4 =	vadd.s32 v26, v2;
	v11 =	vadd.s32 v42, v2;
	v9 =	vld [tilespmem:s13+$0xFFFFFF80];
	[tilespmem:v22+s26+$0x0] =	vst.idx.msk $0xffff, v16  }
.LBB2_7:
0x210: {  	s10 =	sadd.s32 $0x8, s10;
	v16 =	vld [tilespmem:s13+$0xFFFFFF40];
	[tilespmem:v15+s26+$0x0] =	vst.idx.msk $0xffff, v8;
	s5 =	simm.s32 $0xE8F0  }
0x211: {  	v17 =	vadd.s32 v46, v2;
	v8 =	vmov s10;
	p1 =	slt.u32 s10, $0x78;
	v15 =	vld [tilespmem:s13+$0xFFFFFFC0];
	[tilespmem:v14+s26+$0x0] =	vst.idx.msk $0xffff, v12  }
0x212: {  	v14 =	vadd.s32 v25, v2;
	v8 =	vshrl.u32 v8, $0x3;
	v12 =	vld [tilespmem:s13+$0xFFFFFFE0];
	[tilespmem:v13+s26+$0x0] =	vst.idx.msk $0xffff, v3  }
0x213: {  	v13 =	vadd.s32 v48, v2;
	s13 =	sadd.s32 $0x100, s13;
	v3 =	vshll.u32 v8, $0x3;
	v8 =	vld [tilespmem:s30+$0x0];
	[tilespmem:v10+s26+$0x0] =	vst.idx.msk $0xffff, v6  }
0x214: {  	v6 =	vadd.s32 v38, v2;
	v18 =	vbroadcast v3, $0x0;
	v3 =	vld [tilespmem:s13+$0xFFFFFFF0];
	[tilespmem:v11+s26+$0x0] =	vst.idx.msk $0xffff, v9  }
0x215: {  	v9 =	vld [tilespmem:s13+$0xFFFFFF10];
	[tilespmem:v4+s26+$0x0] =	vst.idx.msk $0xffff, v7;
	v7 =	vadd.s32 v40, v2  }
0x216: {  	v10 =	vadd.s32 v24, v18;
	v4 =	vadd.s32 v26, v18;
	v11 =	vld [tilespmem:s13+$0xFFFFFF30];
	[tilespmem:v17+s26+$0x0] =	vst.idx.msk $0xffff, v15  }
0x217: {  	v17 =	vadd.s32 v37, v18;
	v19 =	vld [tilespmem:s13+$0xFFFFFF90];
	[tilespmem:v14+s26+$0x0] =	vst.idx.msk $0xffff, v12  }
0x218: {  	v21 =	vadd.s32 v39, v18;
	v20 =	vld [tilespmem:s13+$0xFFFFFF50];
	[tilespmem:v13+s26+$0x0] =	vst.idx.msk $0xffff, v8  }
0x219: {  	v23 =	vadd.s32 v41, v18;
	v22 =	vld [tilespmem:s13+$0xFFFFFF70];
	[tilespmem:v6+s26+$0x0] =	vst.idx.msk $0xffff, v16  }
0x21a: {  	v16 =	vadd.s32 v43, v18;
	v8 =	vld [tilespmem:s13+$0xFFFFFFB0];
	[tilespmem:v7+s26+$0x0] =	vst.idx.msk $0xffff, v5  }
.Ltmp2:
0x21b: {  	v15 =	vadd.s32 v45, v18;
	[tilespmem:v10+s26+$0x0] =	vst.idx.msk $0xffff, v9;
	v6 =	vld [tilespmem:s30+$0xFFFFFFA0];
	s30 =	smov.u32 s13;
	(pc) =	sbr.rel @p1 .LBB2_7-.Ltmp2, $4  }
0x21c: {  	v14 =	vadd.s32 v36, v18;
	[tilespmem:v17+s26+$0x0] =	vst.idx.msk $0xffff, v11;
	v12 =	vld [tilespmem:s13+$0xFFFFFFD0]  }
0x21d: {  	v13 =	vadd.s32 v47, v18;
	v10 =	vadd.s32 v44, v2;
	v2 =	vmov v18;
	v7 =	vld [tilespmem:s13+$0xFFFFFF20];
	[tilespmem:v21+s26+$0x0] =	vst.idx.msk $0xffff, v20  }
0x21e: {  	v5 =	vld [tilespmem:s13+$0xFFFFFF60];
	[tilespmem:v23+s26+$0x0] =	vst.idx.msk $0xffff, v22  }
0x21f: {  	v11 =	vadd.s32 v42, v2;
	v9 =	vld [tilespmem:s13+$0xFFFFFF80];
	[tilespmem:v16+s26+$0x0] =	vst.idx.msk $0xffff, v19  }
0x220: {  	_ =	sdelay $0x3  }
0x221: {  	[tilespmem:v15+s26+$0x0] =	vst.idx.msk $0xffff, v8  }
0x222: {  	[tilespmem:v10+s26+$0x0] =	vst.idx.msk $0xffff, v6;
	v6 =	vld [tilespmem:s13+$0xFFFFFF40];
	v10 =	vadd.s32 v38, v2  }
0x223: {  	v15 =	vadd.s32 v46, v2;
	[tilespmem:v13+s26+$0x0] =	vst.idx.msk $0xffff, v3;
	v8 =	vld [tilespmem:s13+$0xFFFFFFC0]  }
0x224: {  	v13 =	vadd.s32 v48, v2;
	[tilespmem:v14+s26+$0x0] =	vst.idx.msk $0xffff, v12;
	v3 =	vld [tilespmem:s30+$0x0]  }
0x225: {  	v14 =	vadd.s32 v25, v2;
	v12 =	vld [tilespmem:s13+$0xFFFFFFE0];
	[tilespmem:v4+s26+$0x0] =	vst.idx.msk $0xffff, v7  }
0x226: {  	v4 =	vadd.s32 v40, v2;
	[tilespmem:v11+s26+$0x0] =	vst.idx.msk $0xffff, v9  }
0x227: {  	v7 =	vld [tilespmem:s30+$0xFFFFFFA0];
	v2 =	vadd.s32 v44, v2;
	[tilespmem:v10+s26+$0x0] =	vst.idx.msk $0xffff, v6  }
0x228: {  	[tilespmem:v15+s26+$0x0] =	vst.idx.msk $0xffff, v8  }
0x229: {  	[tilespmem:v13+s26+$0x0] =	vst.idx.msk $0xffff, v3  }
0x22a: {  	[tilespmem:v14+s26+$0x0] =	vst.idx.msk $0xffff, v12  }
0x22b: {  	[tilespmem:v4+s26+$0x0] =	vst.idx.msk $0xffff, v5  }
0x22c: {  	[tilespmem:v2+s26+$0x0] =	vst.idx.msk $0xffff, v7  }
0x22d: {  	v48 =	vld [tilespmem:$0x1FF70]  }
0x22e: {  	v24 =	vld [tilespmem:$0x1FD40]  }
0x22f: {  	v26 =	vld [tilespmem:$0x1FF90]  }
0x230: {  	v37 =	vld [tilespmem:$0x1FFB0];
	_ =	sdelay $0x1  }
0x231: {  	v3 =	vld [tilespmem:s5+$0xFFFFFF10]  }
0x232: {  	v39 =	vld [tilespmem:$0x1FFD0];
	v5 =	vadd.s32 v48, v24  }
0x233: {  	v6 =	vld [tilespmem:s5+$0xFFFFFF30];
	v7 =	vadd.s32 v26, v24  }
0x234: {  	v8 =	vld [tilespmem:s5+$0xFFFFFF50];
	v9 =	vadd.s32 v37, v24  }
0x235: {  	v2 =	vld [tilespmem:s5+$0xFFFFFFF0]  }
0x236: {  	v4 =	vld [tilespmem:s5+$0xFFFFFFD0]  }
0x237: {  	v10 =	vld [tilespmem:s5+$0xFFFFFF70];
	v11 =	vadd.s32 v39, v24;
	[tilespmem:v5+s26+$0x0] =	vst.idx.msk $0xffff, v3  }
0x238: {  	v43 =	vld [tilespmem:$0x1FE00];
	[tilespmem:v7+s26+$0x0] =	vst.idx.msk $0xffff, v6  }
0x239: {  	v45 =	vld [tilespmem:$0x1FE20];
	[tilespmem:v9+s26+$0x0] =	vst.idx.msk $0xffff, v8  }
0x23a: {  	v47 =	vld [tilespmem:$0x1FE40]  }
0x23b: {  	v41 =	vld [tilespmem:$0x1FDE0]  }
0x23c: {  	v13 =	vld [tilespmem:s5+$0xFFFFFFB0];
	[tilespmem:v11+s26+$0x0] =	vst.idx.msk $0xffff, v10  }
0x23d: {  	v25 =	vld [tilespmem:$0x1FF80];
	v5 =	vadd.s32 v43, v24  }
0x23e: {  	v40 =	vld [tilespmem:$0x1FDD0];
	v6 =	vadd.s32 v45, v24  }
0x23f: {  	s10 =	simm.s32 $0xE9F0;
	v12 =	vld [tilespmem:s5+$0xFFFFFF90];
	v8 =	vadd.s32 v47, v24  }
0x240: {  	v19 =	vld [tilespmem:s10+$0xFFFFFF50];
	v9 =	vadd.s32 v41, v24  }
0x241: {  	s13 =	simm.s32 $0x8;
	v14 =	vld [tilespmem:s5+$0xFFFFFF20]  }
0x242: {  	v10 =	vld [tilespmem:s5+$0xFFFFFF80];
	v16 =	vadd.s32 v25, v24;
	[tilespmem:v5+s26+$0x0] =	vst.idx.msk $0xffff, v13;
	v5 =	vmov s13  }
0x243: {  	v11 =	vadd.s32 v40, v24;
	v44 =	vld [tilespmem:$0x1FE10];
	[tilespmem:v6+s26+$0x0] =	vst.idx.msk $0xffff, v4;
	v4 =	vshrl.u32 v5, $0x3  }
0x244: {  	v46 =	vld [tilespmem:$0x1FE30];
	[tilespmem:v8+s26+$0x0] =	vst.idx.msk $0xffff, v2;
	v2 =	vshll.u32 v4, $0x3  }
0x245: {  	[tilespmem:v9+s26+$0x0] =	vst.idx.msk $0xffff, v12;
	v12 =	vld [tilespmem:s10+$0xFFFFFF10];
	v2 =	vbroadcast v2, $0x0  }
0x246: {  	v23 =	vld [tilespmem:$0x1FFE0]  }
0x247: {  	v36 =	vld [tilespmem:$0x1FFA0];
	[tilespmem:v16+s26+$0x0] =	vst.idx.msk $0xffff, v14;
	v14 =	vadd.s32 v48, v2  }
0x248: {  	v21 =	vld [tilespmem:s10+$0xFFFFFF70];
	[tilespmem:v11+s26+$0x0] =	vst.idx.msk $0xffff, v10;
	v20 =	vadd.s32 v37, v2  }
0x249: {  	v38 =	vld [tilespmem:$0x1FFC0];
	v22 =	vadd.s32 v39, v2  }
0x24a: {  	v13 =	vld [tilespmem:s5+$0xFFFFFFC0];
	v17 =	vadd.s32 v44, v24  }
0x24b: {  	v5 =	vld [tilespmem:s5+$0xFFFFFFE0];
	v6 =	vadd.s32 v46, v24  }
0x24c: {  	v8 =	vld [tilespmem:s5+$0x0];
	v9 =	vadd.s32 v23, v24;
	[tilespmem:v14+s26+$0x0] =	vst.idx.msk $0xffff, v12  }
0x24d: {  	v7 =	vld [tilespmem:s5+$0xFFFFFF40];
	v18 =	vadd.s32 v36, v24;
	[tilespmem:v20+s26+$0x0] =	vst.idx.msk $0xffff, v19  }
0x24e: {  	v15 =	vld [tilespmem:s5+$0xFFFFFF60];
	v11 =	vadd.s32 v38, v24;
	[tilespmem:v22+s26+$0x0] =	vst.idx.msk $0xffff, v21  }
0x24f: {  	v16 =	vld [tilespmem:s10+$0xFFFFFF30];
	[tilespmem:v17+s26+$0x0] =	vst.idx.msk $0xffff, v13;
	v13 =	vadd.s32 v26, v2  }
0x250: {  	[tilespmem:v6+s26+$0x0] =	vst.idx.msk $0xffff, v5  }
0x251: {  	v3 =	vld [tilespmem:s10+$0xFFFFFFF0];
	[tilespmem:v9+s26+$0x0] =	vst.idx.msk $0xffff, v8  }
0x252: {  	v4 =	vld [tilespmem:s10+$0xFFFFFFD0];
	[tilespmem:v18+s26+$0x0] =	vst.idx.msk $0xffff, v7  }
0x253: {  	v10 =	vld [tilespmem:s10+$0xFFFFFFB0];
	[tilespmem:v11+s26+$0x0] =	vst.idx.msk $0xffff, v15  }
0x254: {  	v17 =	vld [tilespmem:s10+$0xFFFFFF90];
	[tilespmem:v13+s26+$0x0] =	vst.idx.msk $0xffff, v16  }
0x255: {  	v18 =	vadd.s32 v41, v2;
	v42 =	vld [tilespmem:$0x1FDF0]  }
0x256: {  	v12 =	vld [tilespmem:s10+$0xFFFFFF80]  }
0x257: {  	v9 =	vld [tilespmem:s5+$0xFFFFFFA0]  }
0x258: {  	v14 =	vadd.s32 v47, v2;
	v8 =	vld [tilespmem:s10+$0xFFFFFF20]  }
0x259: {  	v5 =	vadd.s32 v25, v2;
	v7 =	vld [tilespmem:s10+$0xFFFFFF60];
	v15 =	vadd.s32 v45, v2;
	v16 =	vadd.s32 v43, v2  }
0x25a: {  	s30 =	simm.s32 $0xEAF0;
	v13 =	vadd.s32 v40, v2;
	v6 =	vld [tilespmem:s10+$0xFFFFFF40];
	[tilespmem:v18+s26+$0x0] =	vst.idx.msk $0xffff, v17;
	v11 =	vadd.s32 v42, v24  }
.LBB2_9:
0x25b: {  	_ =	sdelay $0x2  }
0x25c: {  	v17 =	vld [tilespmem:s30+$0xFFFFFFF0];
	[tilespmem:v14+s26+$0x0] =	vst.idx.msk $0xffff, v3  }
0x25d: {  	[tilespmem:v11+s26+$0x0] =	vst.idx.msk $0xffff, v9  }
0x25e: {  	s13 =	sadd.s32 $0x8, s13;
	[tilespmem:v16+s26+$0x0] =	vst.idx.msk $0xffff, v10  }
0x25f: {  	v14 =	vld [tilespmem:s10+$0x0];
	v11 =	vadd.s32 v36, v2;
	v10 =	vmov s13;
	[tilespmem:v15+s26+$0x0] =	vst.idx.msk $0xffff, v4  }
0x260: {  	v9 =	vld [tilespmem:s30+$0xFFFFFF10];
	v19 =	vadd.s32 v23, v2;
	[tilespmem:v13+s26+$0x0] =	vst.idx.msk $0xffff, v12;
	v4 =	vshrl.u32 v10, $0x3  }
0x261: {  	[tilespmem:v5+s26+$0x0] =	vst.idx.msk $0xffff, v8;
	v8 =	vadd.s32 v38, v2;
	v13 =	vld [tilespmem:s30+$0xFFFFFF30];
	v21 =	vshll.u32 v4, $0x3  }
0x262: {  	v18 =	vadd.s32 v44, v2;
	v16 =	vld [tilespmem:s10+$0xFFFFFFC0];
	v20 =	vbroadcast v21, $0x0  }
0x263: {  	v15 =	vadd.s32 v46, v2;
	v10 =	vld [tilespmem:s10+$0xFFFFFFE0]  }
0x264: {  	v4 =	vld [tilespmem:s30+$0xFFFFFFD0];
	[tilespmem:v11+s26+$0x0] =	vst.idx.msk $0xffff, v6;
	v12 =	vadd.s32 v48, v20  }
0x265: {  	[tilespmem:v19+s26+$0x0] =	vst.idx.msk $0xffff, v14;
	v19 =	vld [tilespmem:s30+$0xFFFFFF70];
	v23 =	vadd.s32 v39, v20  }
0x266: {  	v3 =	vmov v17;
	v21 =	vld [tilespmem:s30+$0xFFFFFF50];
	v17 =	vadd.s32 v26, v20;
	[tilespmem:v8+s26+$0x0] =	vst.idx.msk $0xffff, v7  }
0x267: {  	v22 =	vadd.s32 v37, v20;
	[tilespmem:v18+s26+$0x0] =	vst.idx.msk $0xffff, v16;
	v18 =	vld [tilespmem:s30+$0xFFFFFF90]  }
0x268: {  	[tilespmem:v15+s26+$0x0] =	vst.idx.msk $0xffff, v10;
	v10 =	vld [tilespmem:s30+$0xFFFFFFB0]  }
0x269: {  	p1 =	slt.u32 s13, $0x78;
	v24 =	vadd.s32 v41, v20;
	[tilespmem:v12+s26+$0x0] =	vst.idx.msk $0xffff, v9;
	v9 =	vld [tilespmem:s10+$0xFFFFFFA0]  }
.Ltmp3:
0x26a: {  	[tilespmem:v23+s26+$0x0] =	vst.idx.msk $0xffff, v19;
	v23 =	vld [tilespmem:$0x1FFE0];
	(pc) =	sbr.rel @p1 .LBB2_9-.Ltmp3, $4  }
0x26b: {  	[tilespmem:v17+s26+$0x0] =	vst.idx.msk $0xffff, v13;
	v8 =	vld [tilespmem:s30+$0xFFFFFF20]  }
0x26c: {  	v11 =	vadd.s32 v42, v2;
	[tilespmem:v22+s26+$0x0] =	vst.idx.msk $0xffff, v21;
	v6 =	vld [tilespmem:s30+$0xFFFFFF40]  }
0x26d: {  	v5 =	vadd.s32 v25, v20;
	v14 =	vadd.s32 v47, v20;
	v2 =	vmovc v20;
	v16 =	vadd.s32 v43, v20;
	s10 =	smov.u32 s30;
	v7 =	vld [tilespmem:s30+$0xFFFFFF60]  }
0x26e: {  	s5 =	simm.s32 $0xF8F0;
	v15 =	vadd.s32 v45, v20;
	v13 =	vadd.s32 v40, v2;
	v12 =	vld [tilespmem:s10+$0xFFFFFF80];
	[tilespmem:v24+s26+$0x0] =	vst.idx.msk $0xffff, v18;
	s30 =	sadd.s32 $0x100, s30  }
0x26f: {  	_ =	sdelay $0x3  }
0x270: {  	[tilespmem:v16+s26+$0x0] =	vst.idx.msk $0xffff, v10  }
0x271: {  	[tilespmem:v11+s26+$0x0] =	vst.idx.msk $0xffff, v9;
	v9 =	vadd.s32 v36, v2  }
0x272: {  	v16 =	vadd.s32 v44, v2;
	[tilespmem:v14+s26+$0x0] =	vst.idx.msk $0xffff, v3;
	v10 =	vld [tilespmem:s10+$0xFFFFFFC0]  }
0x273: {  	[tilespmem:v15+s26+$0x0] =	vst.idx.msk $0xffff, v4;
	v14 =	vadd.s32 v23, v2;
	v3 =	vld [tilespmem:s10+$0x0]  }
0x274: {  	v15 =	vadd.s32 v46, v2;
	v4 =	vld [tilespmem:s10+$0xFFFFFFE0];
	[tilespmem:v5+s26+$0x0] =	vst.idx.msk $0xffff, v8  }
0x275: {  	v5 =	vadd.s32 v38, v2;
	v8 =	vld [tilespmem:s10+$0xFFFFFFA0];
	v2 =	vadd.s32 v42, v2;
	[tilespmem:v13+s26+$0x0] =	vst.idx.msk $0xffff, v12  }
0x276: {  	[tilespmem:v9+s26+$0x0] =	vst.idx.msk $0xffff, v6  }
0x277: {  	s0 =	simm.s32 $0x0;
	[tilespmem:v16+s26+$0x0] =	vst.idx.msk $0xffff, v10  }
0x278: {  	[tilespmem:v14+s26+$0x0] =	vst.idx.msk $0xffff, v3;
	v3 =	vmov s0  }
0x279: {  	[tilespmem:v15+s26+$0x0] =	vst.idx.msk $0xffff, v4;
	v3 =	vshrl.u32 v3, $0x3  }
0x27a: {  	[tilespmem:v2+s26+$0x0] =	vst.idx.msk $0xffff, v8;
	v2 =	vshll.u32 v3, $0x3  }
0x27b: {  	[tilespmem:v5+s26+$0x0] =	vst.idx.msk $0xffff, v7;
	v9 =	vbroadcast v2, $0x0  }
0x27c: {  	v5 =	vld [tilespmem:s5+$0xFFFFFF30]  }
0x27d: {  	v3 =	vld [tilespmem:s5+$0xFFFFFF10];
	v4 =	vadd.s32 v49, v9  }
0x27e: {  	v6 =	vld [tilespmem:s5+$0xFFFFFF50];
	v7 =	vadd.s32 v53, v9  }
0x27f: {  	v8 =	vld [tilespmem:s5+$0xFFFFFF70];
	v10 =	vadd.s32 v55, v9  }
0x280: {  	v12 =	vld [tilespmem:s5+$0xFFFFFF90];
	v11 =	vadd.s32 v51, v9  }
0x281: {  	v13 =	vld [tilespmem:s5+$0xFFFFFFB0];
	v14 =	vadd.s32 v59, v9  }
0x282: {  	[tilespmem:v4+s26+$0x0] =	vst.idx.msk $0xffff, v3;
	v3 =	vld [tilespmem:s5+$0xFFFFFFD0];
	v4 =	vadd.s32 v61, v9  }
0x283: {  	s13 =	simm.s32 $0xF9F0;
	v2 =	vld [tilespmem:s5+$0xFFFFFFF0];
	[tilespmem:v7+s26+$0x0] =	vst.idx.msk $0xffff, v6;
	v6 =	vadd.s32 v63, v9  }
0x284: {  	v18 =	vld [tilespmem:s13+$0xFFFFFF30];
	v7 =	vadd.s32 v57, v9;
	[tilespmem:v10+s26+$0x0] =	vst.idx.msk $0xffff, v8  }
0x285: {  	v20 =	vld [tilespmem:s13+$0xFFFFFF70];
	[tilespmem:v11+s26+$0x0] =	vst.idx.msk $0xffff, v5  }
0x286: {  	s10 =	simm.s32 $0x8;
	v8 =	vadd.s32 v56, v9;
	[tilespmem:v14+s26+$0x0] =	vst.idx.msk $0xffff, v13;
	v5 =	vld [tilespmem:s5+$0xFFFFFF80]  }
0x287: {  	v10 =	vadd.s32 v50, v9;
	v13 =	vmov s10;
	v15 =	vld [tilespmem:s5+$0xFFFFFF20];
	[tilespmem:v4+s26+$0x0] =	vst.idx.msk $0xffff, v3  }
0x288: {  	v17 =	vadd.s32 v60, v9;
	v14 =	vld [tilespmem:s5+$0xFFFFFFC0];
	v3 =	vshrl.u32 v13, $0x3;
	[tilespmem:v6+s26+$0x0] =	vst.idx.msk $0xffff, v2  }
0x289: {  	v11 =	vld [tilespmem:s5+$0xFFFFFF40];
	[tilespmem:v7+s26+$0x0] =	vst.idx.msk $0xffff, v12;
	v12 =	vadd.s32 v52, v9;
	v2 =	vshll.u32 v3, $0x3  }
0x28a: {  	v13 =	vadd.s32 v62, v9;
	v4 =	vld [tilespmem:s5+$0xFFFFFFE0];
	v2 =	vbroadcast v2, $0x0  }
0x28b: {  	v7 =	vadd.s32 v1, v9;
	v6 =	vld [tilespmem:s5+$0x0];
	[tilespmem:v8+s26+$0x0] =	vst.idx.msk $0xffff, v5  }
0x28c: {  	v5 =	vld [tilespmem:s13+$0xFFFFFF10];
	[tilespmem:v10+s26+$0x0] =	vst.idx.msk $0xffff, v15;
	v15 =	vadd.s32 v49, v2  }
0x28d: {  	v16 =	vld [tilespmem:s5+$0xFFFFFF60];
	[tilespmem:v17+s26+$0x0] =	vst.idx.msk $0xffff, v14;
	v14 =	vadd.s32 v51, v2  }
0x28e: {  	v3 =	vld [tilespmem:s13+$0xFFFFFFF0];
	v21 =	vadd.s32 v55, v2;
	[tilespmem:v12+s26+$0x0] =	vst.idx.msk $0xffff, v11  }
0x28f: {  	v19 =	vadd.s32 v53, v2;
	[tilespmem:v13+s26+$0x0] =	vst.idx.msk $0xffff, v4;
	v13 =	vld [tilespmem:s13+$0xFFFFFF50]  }
0x290: {  	v10 =	vadd.s32 v54, v9;
	v17 =	vld [tilespmem:s13+$0xFFFFFF90];
	[tilespmem:v7+s26+$0x0] =	vst.idx.msk $0xffff, v6  }
0x291: {  	v8 =	vld [tilespmem:s13+$0xFFFFFFB0];
	v22 =	vadd.s32 v57, v2;
	[tilespmem:v15+s26+$0x0] =	vst.idx.msk $0xffff, v5  }
0x292: {  	v12 =	vld [tilespmem:s13+$0xFFFFFFD0];
	[tilespmem:v14+s26+$0x0] =	vst.idx.msk $0xffff, v18;
	v14 =	vadd.s32 v59, v2  }
0x293: {  	v6 =	vld [tilespmem:s5+$0xFFFFFFA0];
	v15 =	vadd.s32 v61, v2;
	[tilespmem:v21+s26+$0x0] =	vst.idx.msk $0xffff, v20  }
0x294: {  	v7 =	vld [tilespmem:s13+$0xFFFFFF20];
	[tilespmem:v19+s26+$0x0] =	vst.idx.msk $0xffff, v13;
	v13 =	vadd.s32 v63, v2  }
0x295: {  	[tilespmem:v10+s26+$0x0] =	vst.idx.msk $0xffff, v16;
	v10 =	vadd.s32 v58, v9;
	v9 =	vld [tilespmem:s13+$0xFFFFFF80]  }
0x296: {  	v11 =	vadd.s32 v56, v2;
	v4 =	vadd.s32 v50, v2;
	s5 =	simm.s32 $0xF9F0;
	[tilespmem:v22+s26+$0x0] =	vst.idx.msk $0xffff, v17;
	v5 =	vld [tilespmem:s13+$0xFFFFFF60]  }
.LBB2_11:
0x297: {  	s10 =	sadd.s32 $0x8, s10;
	v16 =	vld [tilespmem:s13+$0xFFFFFF40];
	[tilespmem:v14+s26+$0x0] =	vst.idx.msk $0xffff, v8  }
0x298: {  	v17 =	vadd.s32 v60, v2;
	v8 =	vmov s10;
	p1 =	slt.u32 s10, $0x78;
	v14 =	vld [tilespmem:s13+$0xFFFFFFC0];
	[tilespmem:v15+s26+$0x0] =	vst.idx.msk $0xffff, v12  }
0x299: {  	v15 =	vadd.s32 v62, v2;
	v8 =	vshrl.u32 v8, $0x3;
	v12 =	vld [tilespmem:s13+$0xFFFFFFE0];
	[tilespmem:v13+s26+$0x0] =	vst.idx.msk $0xffff, v3  }
0x29a: {  	v13 =	vadd.s32 v1, v2;
	s13 =	sadd.s32 $0x100, s13;
	v3 =	vshll.u32 v8, $0x3;
	v8 =	vld [tilespmem:s5+$0x0];
	[tilespmem:v10+s26+$0x0] =	vst.idx.msk $0xffff, v6  }
0x29b: {  	v6 =	vadd.s32 v52, v2;
	v18 =	vbroadcast v3, $0x0;
	v3 =	vld [tilespmem:s13+$0xFFFFFFF0];
	[tilespmem:v11+s26+$0x0] =	vst.idx.msk $0xffff, v9  }
0x29c: {  	v9 =	vld [tilespmem:s13+$0xFFFFFF10];
	[tilespmem:v4+s26+$0x0] =	vst.idx.msk $0xffff, v7;
	v7 =	vadd.s32 v54, v2  }
0x29d: {  	v10 =	vadd.s32 v49, v18;
	v4 =	vadd.s32 v50, v18;
	v11 =	vld [tilespmem:s13+$0xFFFFFF30];
	[tilespmem:v17+s26+$0x0] =	vst.idx.msk $0xffff, v14  }
0x29e: {  	v17 =	vadd.s32 v51, v18;
	v19 =	vld [tilespmem:s13+$0xFFFFFF90];
	[tilespmem:v15+s26+$0x0] =	vst.idx.msk $0xffff, v12  }
0x29f: {  	v21 =	vadd.s32 v53, v18;
	v20 =	vld [tilespmem:s13+$0xFFFFFF50];
	[tilespmem:v13+s26+$0x0] =	vst.idx.msk $0xffff, v8  }
0x2a0: {  	v23 =	vadd.s32 v55, v18;
	v22 =	vld [tilespmem:s13+$0xFFFFFF70];
	[tilespmem:v6+s26+$0x0] =	vst.idx.msk $0xffff, v16  }
0x2a1: {  	v16 =	vadd.s32 v57, v18;
	v8 =	vld [tilespmem:s13+$0xFFFFFFB0];
	[tilespmem:v7+s26+$0x0] =	vst.idx.msk $0xffff, v5  }
.Ltmp4:
0x2a2: {  	v14 =	vadd.s32 v59, v18;
	[tilespmem:v10+s26+$0x0] =	vst.idx.msk $0xffff, v9;
	v6 =	vld [tilespmem:s5+$0xFFFFFFA0];
	s5 =	smov.u32 s13;
	(pc) =	sbr.rel @p1 .LBB2_11-.Ltmp4, $4  }
0x2a3: {  	v15 =	vadd.s32 v61, v18;
	[tilespmem:v17+s26+$0x0] =	vst.idx.msk $0xffff, v11;
	v12 =	vld [tilespmem:s13+$0xFFFFFFD0]  }
0x2a4: {  	v13 =	vadd.s32 v63, v18;
	v10 =	vadd.s32 v58, v2;
	v2 =	vmov v18;
	v7 =	vld [tilespmem:s13+$0xFFFFFF20];
	[tilespmem:v21+s26+$0x0] =	vst.idx.msk $0xffff, v20  }
0x2a5: {  	v5 =	vld [tilespmem:s13+$0xFFFFFF60];
	[tilespmem:v23+s26+$0x0] =	vst.idx.msk $0xffff, v22  }
0x2a6: {  	v11 =	vadd.s32 v56, v2;
	v9 =	vld [tilespmem:s13+$0xFFFFFF80];
	[tilespmem:v16+s26+$0x0] =	vst.idx.msk $0xffff, v19  }
0x2a7: {  	_ =	sdelay $0x3  }
0x2a8: {  	[tilespmem:v14+s26+$0x0] =	vst.idx.msk $0xffff, v8  }
0x2a9: {  	v41 =	vadd.s32 v60, v2;
	[tilespmem:v13+s26+$0x0] =	vst.idx.msk $0xffff, v3;
	v44 =	vld [tilespmem:s13+$0xFFFFFF40];
	v45 =	vadd.s32 v52, v2  }
0x2aa: {  	v42 =	vadd.s32 v62, v2;
	[tilespmem:v10+s26+$0x0] =	vst.idx.msk $0xffff, v6;
	v46 =	vadd.s32 v54, v2  }
0x2ab: {  	v43 =	vadd.s32 v1, v2;
	v47 =	vld [tilespmem:s5+$0xFFFFFFA0];
	v2 =	vadd.s32 v58, v2;
	[tilespmem:v15+s26+$0x0] =	vst.idx.msk $0xffff, v12  }
0x2ac: {  	v8 =	vld [tilespmem:s13+$0xFFFFFFC0];
	[tilespmem:v4+s26+$0x0] =	vst.idx.msk $0xffff, v7  }
0x2ad: {  	v3 =	vld [tilespmem:s5+$0x0];
	[tilespmem:v11+s26+$0x0] =	vst.idx.msk $0xffff, v9  }
0x2ae: {  	v12 =	vld [tilespmem:s13+$0xFFFFFFE0];
	[tilespmem:v45+s26+$0x0] =	vst.idx.msk $0xffff, v44  }
0x2af: {  	s0 =	sshll.u32 s12, $0x14;
	[tilespmem:v46+s26+$0x0] =	vst.idx.msk $0xffff, v5  }
0x2b0: {  	s0 =	sor.u32 s6, s0;
	[tilespmem:v2+s26+$0x0] =	vst.idx.msk $0xffff, v47  }
0x2b1: {  	s5 =	sshrl.u32 s0, $0x3;
	[tilespmem:v41+s26+$0x0] =	vst.idx.msk $0xffff, v8  }
0x2b2: {  	s30 =	simm.s32 $0x10;
	s10 =	sadd.s32 s1, s5;
	[tilespmem:v43+s26+$0x0] =	vst.idx.msk $0xffff, v3  }
0x2b3: {  	s31 =	simm.s32 $0x14888;
	s13 =	simm.s32 $0x14800;
	s0 =	sadd.s32 $0x0, s10;
	[tilespmem:v42+s26+$0x0] =	vst.idx.msk $0xffff, v12  }
.LBB2_13:
0x2b4: {  	[hbm4b:s0+s3] =	stream.linear.scatter [tilespmem:s13], [sflag:$0x3], $0x80, $0x38;
	[tilespmem:$0x1D000] =	vst v63  }
0x2b5: {  	s0 =	smov.u32 s30;
	s13 =	smov.u32 s31;
	p1 =	sne.s32 s30, $0x1F0  }
.Ltmp5:
0x2b6: {  	s30 =	sadd.s32 $0x10, s30;
	(pc) =	sbr.rel @p1 .LBB2_13-.Ltmp5, $2  }
0x2b7: {  	_ =	sdelay $0x2  }
0x2b8: {  	s31 =	sadd.s32 $0x88, s31;
	s0 =	sadd.s32 s0, s10  }
0x2b9: {  	[hbm4b:s0+s3] =	stream.linear.scatter [tilespmem:s13], [sflag:$0x3], $0x80, $0x38;
	v20 =	vld [tilespmem:$0x1FEA0]  }
0x2ba: {  	s10 =	sadd.s32 s5, s7;
	s13 =	simm.s32 $0x15900;
	v11 =	vld [tilespmem:$0x1FEB0]  }
0x2bb: {  	s30 =	simm.s32 $0x10;
	s31 =	simm.s32 $0x15988;
	v22 =	vld [tilespmem:$0x1FEC0];
	s0 =	sadd.s32 $0x0, s10  }
.LBB2_15:
0x2bc: {  	[hbm4b:s0+s3] =	stream.linear.scatter [tilespmem:s13], [sflag:$0x3], $0x80, $0x38;
	[tilespmem:$0x1D000] =	vst v63  }
0x2bd: {  	s0 =	smov.u32 s30;
	s13 =	smov.u32 s31;
	p1 =	sne.s32 s30, $0x1F0  }
.Ltmp6:
0x2be: {  	s30 =	sadd.s32 $0x10, s30;
	(pc) =	sbr.rel @p1 .LBB2_15-.Ltmp6, $2  }
0x2bf: {  	_ =	sdelay $0x2  }
0x2c0: {  	s31 =	sadd.s32 $0x88, s31;
	s0 =	sadd.s32 s0, s10  }
0x2c1: {  	[hbm4b:s0+s3] =	stream.linear.scatter [tilespmem:s13], [sflag:$0x3], $0x80, $0x38;
	[tilespmem:$0x1D000] =	vst v63  }
0x2c2: {  	s10 =	sadd.s32 s5, s8;
	s13 =	simm.s32 $0x16A00  }
0x2c3: {  	s30 =	simm.s32 $0x10;
	s31 =	simm.s32 $0x16A88;
	s0 =	sadd.s32 $0x0, s10  }
.LBB2_17:
0x2c4: {  	[hbm4b:s0+s3] =	stream.linear.scatter [tilespmem:s13], [sflag:$0x3], $0x80, $0x38;
	[tilespmem:$0x1D000] =	vst v63  }
0x2c5: {  	s0 =	smov.u32 s30;
	s13 =	smov.u32 s31;
	p1 =	sne.s32 s30, $0x1F0  }
.Ltmp7:
0x2c6: {  	s30 =	sadd.s32 $0x10, s30;
	(pc) =	sbr.rel @p1 .LBB2_17-.Ltmp7, $2  }
0x2c7: {  	_ =	sdelay $0x2  }
0x2c8: {  	s31 =	sadd.s32 $0x88, s31;
	s0 =	sadd.s32 s0, s10  }
0x2c9: {  	[hbm4b:s0+s3] =	stream.linear.scatter [tilespmem:s13], [sflag:$0x3], $0x80, $0x38;
	[tilespmem:$0x1D000] =	vst v63  }
0x2ca: {  	s5 =	sadd.s32 s5, s9;
	s10 =	simm.s32 $0x17B00  }
0x2cb: {  	s13 =	simm.s32 $0x10;
	s30 =	simm.s32 $0x17B88;
	s0 =	sadd.s32 $0x0, s5  }
.LBB2_19:
0x2cc: {  	[hbm4b:s0+s3] =	stream.linear.scatter [tilespmem:s10], [sflag:$0x3], $0x80, $0x38;
	[tilespmem:$0x1D000] =	vst v63  }
0x2cd: {  	s0 =	smov.u32 s13;
	s10 =	smov.u32 s30;
	p1 =	sne.s32 s13, $0x1F0  }
.Ltmp8:
0x2ce: {  	s13 =	sadd.s32 $0x10, s13;
	(pc) =	sbr.rel @p1 .LBB2_19-.Ltmp8, $2  }
0x2cf: {  	_ =	sdelay $0x2  }
0x2d0: {  	s30 =	sadd.s32 $0x88, s30;
	s0 =	sadd.s32 s0, s5  }
0x2d1: {  	p1 =	seq.s32 s12, $0x31  }
.Ltmp9:
0x2d2: {  	_ = 	snop;
	(pc) =	sbr.rel @p1 .LBB2_24-.Ltmp9, $2  }
0x2d3: {  	_ =	sdelay $0x2  }
0x2d4: {  	v36 =	vld [tilespmem:$0x1FFF0];
	[hbm4b:s0+s3] =	stream.linear.scatter [tilespmem:s10], [sflag:$0x3], $0x80, $0x38  }
0x2d5: {  	v6 =	vld [tilespmem:s11+$0x0]  }
0x2d6: {  	s0 =	sadd.s32 $0x2, s19;
	v7 =	vld [tilespmem:s11+$0xFFFFFFA0]  }
0x2d7: {  	v8 =	vld [tilespmem:s11+$0xFFFFFFB0];
	s5 =	smul.u32 $0x3E8, s0  }
0x2d8: {  	v5 =	vld [tilespmem:s11+$0xFFFFFFC0]  }
0x2d9: {  	v4 =	vld [tilespmem:s11+$0xFFFFFFD0];
	v2 =	vmov s5  }
0x2da: {  	v3 =	vld [tilespmem:s11+$0xFFFFFFE0];
	v9 =	vadd.s32 v2, v6  }
0x2db: {  	s13 =	simm.s32 $0x0;
	s0 =	sshll.u32 s0, $0x9;
	v10 =	vadd.s32 v2, v7;
	v6 =	vld [tilespmem:s11+$0xFFFFFFF0];
	[tilespmem:s11+$0x0] =	vst v9  }
0x2dc: {  	s19 =	sadd.s32 $0x80, s11;
	s10 =	smov.u32 s11;
	s5 =	sand.u32 $0x3FFFFE00, s0;
	v7 =	vld [tilespmem:s11+$0xFFFFFF90];
	v8 =	vadd.s32 v2, v8;
	[tilespmem:s11+$0xFFFFFFA0] =	vst v10  }
.LBB2_22:
0x2dd: {  	v9 =	vld [tilespmem:s19+$0x0];
	s13 =	sadd.s32 $0x8, s13;
	[tilespmem:s10+$0xFFFFFFB0] =	vst v8;
	v5 =	vadd.s32 v2, v5  }
0x2de: {  	v8 =	vld [tilespmem:s19+$0xFFFFFFA0];
	p1 =	slt.u32 s13, $0x18;
	[tilespmem:s10+$0xFFFFFFC0] =	vst v5;
	v4 =	vadd.s32 v2, v4  }
0x2df: {  	v10 =	vld [tilespmem:s19+$0xFFFFFFB0];
	[tilespmem:s10+$0xFFFFFFD0] =	vst v4;
	v3 =	vadd.s32 v2, v3  }
.Ltmp10:
0x2e0: {  	v5 =	vld [tilespmem:s19+$0xFFFFFFC0];
	[tilespmem:s10+$0xFFFFFFE0] =	vst v3;
	v3 =	vadd.s32 v2, v6;
	(pc) =	sbr.rel @p1 .LBB2_22-.Ltmp10, $4  }
0x2e1: {  	v4 =	vld [tilespmem:s19+$0xFFFFFFD0];
	v6 =	vadd.s32 v2, v7;
	[tilespmem:s10+$0xFFFFFFF0] =	vst v3  }
0x2e2: {  	v3 =	vld [tilespmem:s19+$0xFFFFFFE0];
	v7 =	vadd.s32 v2, v9;
	[tilespmem:s10+$0xFFFFFF90] =	vst v6;
	s10 =	smov.u32 s19  }
0x2e3: {  	v8 =	vadd.s32 v2, v8;
	v6 =	vld [tilespmem:s19+$0xFFFFFFF0];
	[tilespmem:s19+$0x0] =	vst v7  }
0x2e4: {  	s19 =	sadd.s32 $0x80, s19;
	v7 =	vld [tilespmem:s10+$0xFFFFFF90];
	[tilespmem:s10+$0xFFFFFFA0] =	vst v8;
	v8 =	vadd.s32 v2, v10  }
0x2e5: {  	[tilespmem:s10+$0xFFFFFFB0] =	vst v8;
	v5 =	vadd.s32 v2, v5  }
0x2e6: {  	[tilespmem:s10+$0xFFFFFFC0] =	vst v5;
	v4 =	vadd.s32 v2, v4  }
0x2e7: {  	[tilespmem:s10+$0xFFFFFFD0] =	vst v4;
	v3 =	vadd.s32 v2, v3  }
0x2e8: {  	[tilespmem:s10+$0xFFFFFFE0] =	vst v3;
	v3 =	vadd.s32 v2, v6  }
0x2e9: {  	v2 =	vadd.s32 v2, v7;
	[tilespmem:s10+$0xFFFFFFF0] =	vst v3  }
0x2ea: {  	[tilespmem:s10+$0xFFFFFF90] =	vst v2  }
0x2eb: {  	[tilespmem:s15], [sflag:$0x1] =	stream.indirect.gather [hbm4b:s4+s14], $0x20, s5, s14, $0xb8;
	[tilespmem:$0x1D000] =	vst v63  }
0x2ec: {  	s0 =	sadd.s32 $0x80, s5  }
0x2ed: {  	[tilespmem:s16], [sflag:$0x1] =	stream.indirect.gather [hbm4b:s4+s14], $0x20, s0, s14, $0xb8;
	[tilespmem:$0x1D000] =	vst v63  }
0x2ee: {  	s30 =	sadd.s32 $0x100, s5  }
0x2ef: {  	[tilespmem:s18], [sflag:$0x1] =	stream.indirect.gather [hbm4b:s4+s14], $0x20, s30, s14, $0xb8;
	[tilespmem:$0x1D000] =	vst v63  }
0x2f0: {  	s31 =	sadd.s32 $0x180, s5  }
0x2f1: {  	[tilespmem:s20], [sflag:$0x1] =	stream.indirect.gather [hbm4b:s4+s14], $0x20, s31, s14, $0xb8;
	[tilespmem:$0x1D000] =	vst v63  }
.LBB2_24:
0x2f2: {  	_ =	swait.ge [sflag:s28], $0x1000  }
0x2f3: {  	[sflag:s28] =	ssyncset.done $0x0  }
0x2f4: {  	[sflag:s28] =	ssyncadd.s32 $0xFFFFF000  }
0x2f5: {  	_ =	swait.ge [sflag:s28], $0x1000  }
0x2f6: {  	[sflag:s28] =	ssyncset.done $0x0  }
0x2f7: {  	[sflag:s28] =	ssyncadd.s32 $0xFFFFF000  }
0x2f8: {  	_ =	swait.ge [sflag:s28], $0x1000  }
0x2f9: {  	[sflag:s28] =	ssyncset.done $0x0  }
0x2fa: {  	[sflag:s28] =	ssyncadd.s32 $0xFFFFF000  }
0x2fb: {  	_ =	swait.ge [sflag:s28], $0x1000  }
0x2fc: {  	[sflag:s28] =	ssyncset.done $0x0  }
0x2fd: {  	s0 =	simm.s32 @!p0 $0x4;
	[sflag:s28] =	ssyncadd.s32 $0xFFFFF000  }
0x2fe: {  	_ =	swait.ge @!p0 [sflag:s0], $0x1000  }
0x2ff: {  	[sflag:s0] =	ssyncset.done @!p0 $0x0  }
0x300: {  	[sflag:s0] =	ssyncadd.s32 @!p0 $0xFFFFF000  }
0x301: {  	_ =	swait.ge @!p0 [sflag:s0], $0x1000  }
0x302: {  	s5 =	simm.s32 $0x0;
	[sflag:s0] =	ssyncset.done @!p0 $0x0  }
0x303: {  	s19 =	simm.s32 $0x1;
	s10 =	simm.s32 $0x2;
	[sflag:s0] =	ssyncadd.s32 @!p0 $0xFFFFF000  }
0x304: {  	s13 =	simm.s32 $0x3;
	s31 =	simm.s32 $0x7;
	v2 =	vmov s5;
	v3 =	vmov s19;
	_ =	swait.ge @!p0 [sflag:s0], $0x1000  }
0x305: {  	s30 =	simm.s32 $0x4;
	v4 =	vmov s10;
	v5 =	vmov s13;
	v7 =	vmov s31;
	[sflag:s0] =	ssyncset.done @!p0 $0x0  }
0x306: {  	v6 =	vmov s30;
	v2 =	vshrl.u32 v2, $0x3;
	v7 =	vshrl.u32 v7, $0x3;
	[sflag:s0] =	ssyncadd.s32 @!p0 $0xFFFFF000  }
0x307: {  	v3 =	vshrl.u32 v3, $0x3;
	v4 =	vshrl.u32 v4, $0x3;
	v7 =	vshll.u32 v7, v0;
	_ =	swait.ge @!p0 [sflag:s0], $0x1000  }
0x308: {  	v5 =	vshrl.u32 v5, $0x3;
	v2 =	vshll.u32 v2, v0;
	v10 =	vbroadcast v7, $0x0;
	[sflag:s0] =	ssyncset.done @!p0 $0x0;
	v37 =	vld [tilespmem:$0x1FE50]  }
0x309: {  	s10 =	simm.s32 $0x10880;
	v3 =	vshll.u32 v3, v0;
	v7 =	vshrl.u32 v6, $0x3;
	v2 =	vbroadcast v2, $0x0;
	v39 =	vld [tilespmem:$0x1FE70];
	[sflag:s0] =	ssyncadd.s32 @!p0 $0xFFFFF000  }
0x30a: {  	v45 =	vmovc v11;
	v15 =	vbroadcast v3, $0x0;
	v3 =	vshll.u32 v4, v0;
	v11 =	vadd.s32 v11, v10;
	v4 =	vld [tilespmem:s10+$0x60]  }
0x30b: {  	v21 =	vbroadcast v3, $0x0;
	v3 =	vshll.u32 v5, v0;
	v13 =	vadd.s32 v27, v2;
	v12 =	vld [tilespmem:s10+$0xFFFFFF80]  }
0x30c: {  	v16 =	vadd.s32 v29, v15;
	v6 =	vbroadcast v3, $0x0;
	v3 =	vshll.u32 v7, v0;
	v14 =	vld [tilespmem:s10+$0xFFFFFFA0]  }
0x30d: {  	v18 =	vadd.s32 v30, v21;
	v5 =	vbroadcast v3, $0x0;
	v17 =	vld [tilespmem:s10+$0xFFFFFFC0]  }
0x30e: {  	v19 =	vld [tilespmem:s10+$0xFFFFFFE0];
	v24 =	vadd.s32 v37, v6  }
0x30f: {  	s13 =	simm.s32 $0x5;
	v25 =	vld [tilespmem:s10+$0x0];
	v26 =	vadd.s32 v39, v5;
	[tilespmem:v11+s29+$0x0] =	vst.idx.msk $0xffff, v4  }
0x310: {  	s19 =	simm.s32 $0x6;
	v8 =	vmov s13;
	[tilespmem:v13+s29+$0x0] =	vst.idx.msk $0xffff, v12;
	v11 =	vld [tilespmem:s10+$0x20]  }
0x311: {  	v9 =	vmov s19;
	v3 =	vshrl.u32 v8, $0x3;
	[tilespmem:v16+s29+$0x0] =	vst.idx.msk $0xffff, v14;
	v14 =	vld [tilespmem:s10+$0x40]  }
0x312: {  	v8 =	vshrl.u32 v9, $0x3;
	v3 =	vshll.u32 v3, v0;
	v41 =	vld [tilespmem:$0x1FE90];
	[tilespmem:v18+s29+$0x0] =	vst.idx.msk $0xffff, v17  }
0x313: {  	v7 =	vbroadcast v3, $0x0;
	v3 =	vshll.u32 v8, v0;
	v9 =	vld [tilespmem:s10+$0x70];
	[tilespmem:v24+s29+$0x0] =	vst.idx.msk $0xffff, v19  }
0x314: {  	s5 =	simm.s32 $0xA;
	v8 =	vbroadcast v3, $0x0;
	v18 =	vld [tilespmem:s10+$0xFFFFFFB0];
	[tilespmem:v26+s29+$0x0] =	vst.idx.msk $0xffff, v25  }
0x315: {  	v46 =	vmov v22;
	s31 =	simm.s32 $0x9;
	v23 =	vmov s5;
	v10 =	vadd.s32 v22, v10;
	v38 =	vld [tilespmem:$0x1FE60]  }
0x316: {  	v40 =	vmovc v34;
	v43 =	vmovc v20;
	s30 =	simm.s32 $0x8;
	v22 =	vmov s31;
	v16 =	vadd.s32 v20, v8;
	v20 =	vadd.s32 v34, v15;
	v34 =	vld [tilespmem:$0x1FE80]  }
0x317: {  	s13 =	simm.s32 $0xB;
	s19 =	simm.s32 $0xC;
	v21 =	vadd.s32 v36, v21;
	v4 =	vmov s30;
	v42 =	vld [tilespmem:$0x1FD50];
	v12 =	vadd.s32 v41, v7  }
0x318: {  	s31 =	simm.s32 $0xE;
	v13 =	vmov s13;
	s30 =	simm.s32 $0xD;
	v4 =	vshrl.u32 v4, $0x3;
	v17 =	vmov s19;
	v44 =	vld [tilespmem:$0x1FD60]  }
0x319: {  	s13 =	simm.s32 $0x10;
	v3 =	vmov s30;
	s19 =	simm.s32 $0xF;
	v15 =	vshll.u32 v4, v0;
	v4 =	vmov s31;
	v19 =	vld [tilespmem:s10+$0xFFFFFFD0]  }
.LBB2_25:
0x31a: {  	v22 =	vshrl.u32 v22, $0x3  }
0x31b: {  	p0 =	slt.u32 s13, $0x78;
	v24 =	vmov s19;
	v25 =	vld [tilespmem:s10+$0xFFFFFFF0];
	v6 =	vadd.s32 v38, v6;
	[tilespmem:v10+s29+$0x0] =	vst.idx.msk $0xffff, v9;
	s5 =	simm.s32 $0x118F0;
	v9 =	vshrl.u32 v23, $0x3  }
0x31c: {  	v5 =	vadd.s32 v34, v5;
	v7 =	vadd.s32 v42, v7;
	v10 =	vshrl.u32 v24, $0x3;
	v23 =	vld [tilespmem:s10+$0x10];
	[tilespmem:v12+s29+$0x0] =	vst.idx.msk $0xffff, v11  }
0x31d: {  	v8 =	vadd.s32 v44, v8;
	v11 =	vshrl.u32 v13, $0x3;
	v10 =	vshll.u32 v10, v0;
	v12 =	vld [tilespmem:s10+$0x30];
	[tilespmem:v16+s29+$0x0] =	vst.idx.msk $0xffff, v14  }
0x31e: {  	v3 =	vshrl.u32 v3, $0x3;
	v13 =	vshrl.u32 v17, $0x3;
	v10 =	vbroadcast v10, $0x0;
	[tilespmem:v20+s29+$0x0] =	vst.idx.msk $0xffff, v18;
	v14 =	vld [tilespmem:s10+$0x50]  }
0x31f: {  	v16 =	vshll.u32 v22, v0;
	v18 =	vadd.s32 v28, v2;
	v2 =	vbroadcast v15, $0x0;
	v17 =	vld [tilespmem:s10+$0xFFFFFF90];
	[tilespmem:v21+s29+$0x0] =	vst.idx.msk $0xffff, v19;
	s10 =	sadd.s32 $0x100, s10  }
0x320: {  	v9 =	vshll.u32 v9, v0;
	v15 =	vbroadcast v16, $0x0;
	v16 =	vld [tilespmem:s10+$0x60];
	v19 =	vadd.s32 v45, v10;
	[tilespmem:v6+s29+$0x0] =	vst.idx.msk $0xffff, v25  }
0x321: {  	v24 =	vbroadcast v9, $0x0;
	v21 =	vadd.s32 v27, v2;
	v6 =	vshll.u32 v11, v0;
	v20 =	vld [tilespmem:s10+$0xFFFFFF80];
	[tilespmem:v5+s29+$0x0] =	vst.idx.msk $0xffff, v23  }
0x322: {  	v23 =	vadd.s32 v29, v15;
	v6 =	vbroadcast v6, $0x0;
	v5 =	vshll.u32 v13, v0;
	v11 =	vld [tilespmem:s10+$0xFFFFFFA0];
	[tilespmem:v7+s29+$0x0] =	vst.idx.msk $0xffff, v12  }
0x323: {  	v4 =	vshrl.u32 v4, $0x3;
	s0 =	sadd.s32 $0x1, s13;
	v26 =	vadd.s32 v30, v24;
	v5 =	vbroadcast v5, $0x0;
	v25 =	vld [tilespmem:s10+$0xFFFFFFC0];
	[tilespmem:v8+s29+$0x0] =	vst.idx.msk $0xffff, v14  }
0x324: {  	v3 =	vshll.u32 v3, v0;
	v22 =	vmov s0;
	v28 =	vadd.s32 v37, v6;
	v27 =	vld [tilespmem:s10+$0xFFFFFFE0];
	[tilespmem:v18+s29+$0x0] =	vst.idx.msk $0xffff, v17  }
0x325: {  	v7 =	vbroadcast v3, $0x0;
	v3 =	vshll.u32 v4, v0;
	v30 =	vadd.s32 v39, v5;
	v29 =	vld [tilespmem:s10+$0x0];
	[tilespmem:v19+s29+$0x0] =	vst.idx.msk $0xffff, v16  }
.Ltmp11:
0x326: {  	s19 =	sadd.s32 $0x3, s13;
	v10 =	vadd.s32 v46, v10;
	v4 =	vmov s13;
	v8 =	vbroadcast v3, $0x0;
	[tilespmem:v21+s29+$0x0] =	vst.idx.msk $0xffff, v20;
	v9 =	vld [tilespmem:s10+$0x70];
	(pc) =	sbr.rel @p0 .LBB2_25-.Ltmp11, $4  }
0x327: {  	s0 =	sadd.s32 $0x2, s13;
	v13 =	vmov s19;
	v4 =	vshrl.u32 v4, $0x3;
	v12 =	vadd.s32 v41, v7;
	[tilespmem:v23+s29+$0x0] =	vst.idx.msk $0xffff, v11;
	v11 =	vld [tilespmem:s10+$0x20]  }
0x328: {  	s19 =	sadd.s32 $0x5, s13;
	v16 =	vadd.s32 v43, v8;
	v20 =	vadd.s32 v40, v15;
	v23 =	vmov s0;
	s0 =	sadd.s32 $0x4, s13;
	[tilespmem:v26+s29+$0x0] =	vst.idx.msk $0xffff, v25;
	v14 =	vld [tilespmem:s10+$0x40]  }
0x329: {  	v3 =	vmov s19;
	v15 =	vshll.u32 v4, v0;
	v17 =	vmov s0;
	s0 =	sadd.s32 $0x6, s13;
	v18 =	vld [tilespmem:s10+$0xFFFFFFB0];
	[tilespmem:v28+s29+$0x0] =	vst.idx.msk $0xffff, v27;
	v28 =	vmovc v32;
	v27 =	vmovc v31  }
0x32a: {  	s19 =	sadd.s32 $0x7, s13;
	v21 =	vadd.s32 v36, v24;
	s13 =	sadd.s32 $0x8, s13;
	v4 =	vmov s0;
	v19 =	vld [tilespmem:s10+$0xFFFFFFD0];
	[tilespmem:v30+s29+$0x0] =	vst.idx.msk $0xffff, v29;
	v30 =	vmovc v35;
	v29 =	vmov v33  }
0x32b: {  	_ =	sdelay $0x2  }
0x32c: {  	v22 =	vshrl.u32 v22, $0x3  }
0x32d: {  	v24 =	vmov s19;
	v25 =	vld [tilespmem:s10+$0xFFFFFFF0];
	v6 =	vadd.s32 v38, v6;
	[tilespmem:v10+s29+$0x0] =	vst.idx.msk $0xffff, v9;
	v9 =	vshrl.u32 v23, $0x3  }
0x32e: {  	v33 =	vld [tilespmem:s10+$0x10];
	v5 =	vadd.s32 v34, v5;
	v2 =	vadd.s32 v28, v2;
	v10 =	vshrl.u32 v24, $0x3;
	[tilespmem:v12+s29+$0x0] =	vst.idx.msk $0xffff, v11  }
0x32f: {  	v11 =	vshrl.u32 v13, $0x3;
	v13 =	vshrl.u32 v17, $0x3;
	v17 =	vld [tilespmem:s10+$0xFFFFFF90];
	v10 =	vshll.u32 v10, v0;
	[tilespmem:v16+s29+$0x0] =	vst.idx.msk $0xffff, v14  }
0x330: {  	v7 =	vadd.s32 v42, v7;
	v12 =	vld [tilespmem:s10+$0x30];
	v16 =	vshll.u32 v22, v0;
	v10 =	vbroadcast v10, $0x0;
	[tilespmem:v20+s29+$0x0] =	vst.idx.msk $0xffff, v18  }
0x331: {  	v8 =	vadd.s32 v44, v8;
	v15 =	vbroadcast v15, $0x0;
	s0 =	sadd.s32 $0x100, s10;
	v14 =	vld [tilespmem:s10+$0x50];
	v16 =	vbroadcast v16, $0x0;
	[tilespmem:v21+s29+$0x0] =	vst.idx.msk $0xffff, v19  }
0x332: {  	v3 =	vshrl.u32 v3, $0x3;
	v35 =	vld [tilespmem:s0+$0x60];
	v13 =	vshll.u32 v13, v0;
	v45 =	vadd.s32 v45, v10;
	[tilespmem:v6+s29+$0x0] =	vst.idx.msk $0xffff, v25  }
0x333: {  	v9 =	vshll.u32 v9, v0;
	v13 =	vbroadcast v13, $0x0;
	[tilespmem:v5+s29+$0x0] =	vst.idx.msk $0xffff, v33;
	v5 =	vld [tilespmem:s0+$0xFFFFFFA0];
	v32 =	vadd.s32 v29, v16  }
0x334: {  	v47 =	vadd.s32 v27, v15;
	v9 =	vbroadcast v9, $0x0;
	v11 =	vshll.u32 v11, v0;
	v6 =	vld [tilespmem:s0+$0xFFFFFF80];
	[tilespmem:v2+s29+$0x0] =	vst.idx.msk $0xffff, v17  }
0x335: {  	v3 =	vshll.u32 v3, v0;
	v11 =	vbroadcast v11, $0x0;
	v2 =	vld [tilespmem:s0+$0x0];
	v17 =	vadd.s32 v39, v13;
	[tilespmem:v7+s29+$0x0] =	vst.idx.msk $0xffff, v12  }
0x336: {  	v3 =	vbroadcast v3, $0x0;
	v7 =	vld [tilespmem:s0+$0xFFFFFFC0];
	v12 =	vadd.s32 v30, v9;
	[tilespmem:v8+s29+$0x0] =	vst.idx.msk $0xffff, v14  }
0x337: {  	v4 =	vshrl.u32 v4, $0x3;
	v8 =	vld [tilespmem:s0+$0xFFFFFFE0];
	v14 =	vadd.s32 v37, v11;
	[tilespmem:v45+s29+$0x0] =	vst.idx.msk $0xffff, v35  }
0x338: {  	v4 =	vshll.u32 v4, v0;
	v33 =	vadd.s32 v41, v3;
	[tilespmem:v32+s29+$0x0] =	vst.idx.msk $0xffff, v5;
	v5 =	vld [tilespmem:s0+$0x20]  }
0x339: {  	v4 =	vbroadcast v4, $0x0;
	v10 =	vadd.s32 v46, v10;
	[tilespmem:v47+s29+$0x0] =	vst.idx.msk $0xffff, v6;
	v6 =	vld [tilespmem:s0+$0x70]  }
0x33a: {  	v16 =	vadd.s32 v40, v16;
	v35 =	vld [tilespmem:s0+$0xFFFFFFB0];
	[tilespmem:v17+s29+$0x0] =	vst.idx.msk $0xffff, v2  }
0x33b: {  	[tilespmem:v12+s29+$0x0] =	vst.idx.msk $0xffff, v7;
	v7 =	vld [tilespmem:s0+$0x40];
	v12 =	vadd.s32 v43, v4  }
0x33c: {  	v9 =	vadd.s32 v36, v9;
	[tilespmem:v14+s29+$0x0] =	vst.idx.msk $0xffff, v8;
	v8 =	vld [tilespmem:s0+$0xFFFFFFD0]  }
0x33d: {  	v11 =	vadd.s32 v38, v11;
	v2 =	vld [tilespmem:s0+$0xFFFFFFF0];
	[tilespmem:v33+s29+$0x0] =	vst.idx.msk $0xffff, v5  }
0x33e: {  	[tilespmem:v10+s29+$0x0] =	vst.idx.msk $0xffff, v6;
	v6 =	vld [tilespmem:s0+$0x10];
	v10 =	vadd.s32 v34, v13  }
0x33f: {  	v3 =	vadd.s32 v42, v3;
	v5 =	vld [tilespmem:s0+$0x30];
	[tilespmem:v16+s29+$0x0] =	vst.idx.msk $0xffff, v35  }
0x340: {  	v13 =	vadd.s32 v28, v15;
	[tilespmem:v12+s29+$0x0] =	vst.idx.msk $0xffff, v7;
	v12 =	vld [tilespmem:s0+$0xFFFFFF90]  }
0x341: {  	v4 =	vadd.s32 v44, v4;
	v7 =	vld [tilespmem:s0+$0x50];
	[tilespmem:v9+s29+$0x0] =	vst.idx.msk $0xffff, v8  }
0x342: {  	[tilespmem:v11+s29+$0x0] =	vst.idx.msk $0xffff, v2  }
0x343: {  	[tilespmem:v10+s29+$0x0] =	vst.idx.msk $0xffff, v6  }
0x344: {  	[tilespmem:v3+s29+$0x0] =	vst.idx.msk $0xffff, v5  }
0x345: {  	[tilespmem:v13+s29+$0x0] =	vst.idx.msk $0xffff, v12  }
0x346: {  	s31 =	simm.s32 $0x0;
	[tilespmem:v4+s29+$0x0] =	vst.idx.msk $0xffff, v7  }
0x347: {  	v2 =	vmov s31;
	v43 =	vld [tilespmem:$0x1FED0]  }
0x348: {  	v2 =	vshrl.u32 v2, $0x3;
	v19 =	vld [tilespmem:$0x1FF10]  }
0x349: {  	v2 =	vshll.u32 v2, $0x3;
	v3 =	vld [tilespmem:s5+$0xFFFFFF10]  }
0x34a: {  	v37 =	vbroadcast v2, $0x0;
	v21 =	vld [tilespmem:$0x1FF30]  }
0x34b: {  	v46 =	vld [tilespmem:$0x1FEF0]  }
0x34c: {  	v6 =	vld [tilespmem:s5+$0xFFFFFF50];
	v4 =	vadd.s32 v43, v37  }
0x34d: {  	v33 =	vld [tilespmem:$0x1FDA0];
	v7 =	vadd.s32 v19, v37  }
0x34e: {  	v2 =	vld [tilespmem:s5+$0xFFFFFFF0]  }
0x34f: {  	v8 =	vld [tilespmem:s5+$0xFFFFFF70];
	v9 =	vadd.s32 v21, v37  }
0x350: {  	v5 =	vld [tilespmem:s5+$0xFFFFFF30];
	v10 =	vadd.s32 v46, v37  }
0x351: {  	v12 =	vld [tilespmem:s5+$0xFFFFFFB0];
	[tilespmem:v4+s29+$0x0] =	vst.idx.msk $0xffff, v3  }
0x352: {  	v13 =	vadd.s32 v33, v37;
	v24 =	vld [tilespmem:$0x1FDC0];
	[tilespmem:v7+s29+$0x0] =	vst.idx.msk $0xffff, v6  }
0x353: {  	v47 =	vld [tilespmem:$0x1FF50]  }
0x354: {  	v25 =	vld [tilespmem:$0x1FD80];
	[tilespmem:v9+s29+$0x0] =	vst.idx.msk $0xffff, v8  }
0x355: {  	v3 =	vld [tilespmem:s5+$0xFFFFFFD0];
	[tilespmem:v10+s29+$0x0] =	vst.idx.msk $0xffff, v5  }
0x356: {  	v32 =	vld [tilespmem:$0x1FD70]  }
0x357: {  	v34 =	vld [tilespmem:$0x1FEE0];
	[tilespmem:v13+s29+$0x0] =	vst.idx.msk $0xffff, v12;
	v4 =	vadd.s32 v24, v37  }
0x358: {  	v35 =	vld [tilespmem:$0x1FDB0];
	v6 =	vadd.s32 v47, v37  }
0x359: {  	v11 =	vld [tilespmem:s5+$0xFFFFFF90];
	v7 =	vadd.s32 v25, v37  }
0x35a: {  	v14 =	vld [tilespmem:s5+$0xFFFFFF20]  }
0x35b: {  	s10 =	simm.s32 $0x8;
	v5 =	vld [tilespmem:s5+$0xFFFFFF80];
	v8 =	vadd.s32 v32, v37  }
0x35c: {  	v12 =	vmov s10;
	v13 =	vld [tilespmem:s5+$0xFFFFFFC0];
	v9 =	vadd.s32 v34, v37;
	[tilespmem:v4+s29+$0x0] =	vst.idx.msk $0xffff, v3  }
0x35d: {  	s13 =	simm.s32 $0x119F0;
	v38 =	vadd.s32 v35, v37;
	v3 =	vshrl.u32 v12, $0x3;
	v42 =	vld [tilespmem:$0x1FF40];
	[tilespmem:v6+s29+$0x0] =	vst.idx.msk $0xffff, v2  }
0x35e: {  	v17 =	vld [tilespmem:s13+$0xFFFFFF30];
	[tilespmem:v7+s29+$0x0] =	vst.idx.msk $0xffff, v11;
	v2 =	vshll.u32 v3, $0x3  }
0x35f: {  	v44 =	vld [tilespmem:$0x1FF60];
	v2 =	vbroadcast v2, $0x0  }
0x360: {  	v45 =	vld [tilespmem:$0x1FF00];
	[tilespmem:v8+s29+$0x0] =	vst.idx.msk $0xffff, v5  }
0x361: {  	v5 =	vld [tilespmem:s13+$0xFFFFFF10];
	[tilespmem:v9+s29+$0x0] =	vst.idx.msk $0xffff, v14;
	v14 =	vadd.s32 v43, v2  }
0x362: {  	v23 =	vld [tilespmem:$0x1FF20];
	[tilespmem:v38+s29+$0x0] =	vst.idx.msk $0xffff, v13;
	v13 =	vadd.s32 v46, v2  }
0x363: {  	v39 =	vld [tilespmem:s13+$0xFFFFFF50];
	v19 =	vadd.s32 v19, v2  }
0x364: {  	v31 =	vld [tilespmem:s13+$0xFFFFFF70];
	v21 =	vadd.s32 v21, v2  }
0x365: {  	v4 =	vld [tilespmem:s5+$0xFFFFFFE0];
	v12 =	vadd.s32 v42, v37  }
0x366: {  	v6 =	vld [tilespmem:s5+$0x0];
	v7 =	vadd.s32 v44, v37;
	[tilespmem:v14+s29+$0x0] =	vst.idx.msk $0xffff, v5  }
0x367: {  	v10 =	vld [tilespmem:s5+$0xFFFFFF40];
	v11 =	vadd.s32 v45, v37;
	[tilespmem:v13+s29+$0x0] =	vst.idx.msk $0xffff, v17  }
0x368: {  	v15 =	vld [tilespmem:s5+$0xFFFFFF60];
	v9 =	vadd.s32 v23, v37;
	[tilespmem:v19+s29+$0x0] =	vst.idx.msk $0xffff, v39  }
0x369: {  	[tilespmem:v21+s29+$0x0] =	vst.idx.msk $0xffff, v31  }
0x36a: {  	v26 =	vld [tilespmem:s13+$0xFFFFFF90];
	[tilespmem:v12+s29+$0x0] =	vst.idx.msk $0xffff, v4  }
0x36b: {  	v3 =	vld [tilespmem:s13+$0xFFFFFFF0];
	[tilespmem:v7+s29+$0x0] =	vst.idx.msk $0xffff, v6  }
0x36c: {  	v8 =	vld [tilespmem:s13+$0xFFFFFFB0];
	[tilespmem:v11+s29+$0x0] =	vst.idx.msk $0xffff, v10  }
0x36d: {  	v41 =	vadd.s32 v25, v2;
	v5 =	vld [tilespmem:s13+$0xFFFFFF60];
	[tilespmem:v9+s29+$0x0] =	vst.idx.msk $0xffff, v15  }
0x36e: {  	v31 =	vld [tilespmem:$0x1FD90]  }
0x36f: {  	v12 =	vld [tilespmem:s13+$0xFFFFFFD0]  }
0x370: {  	v6 =	vld [tilespmem:s5+$0xFFFFFFA0];
	v15 =	vadd.s32 v33, v2  }
0x371: {  	v14 =	vadd.s32 v24, v2;
	v7 =	vld [tilespmem:s13+$0xFFFFFF20];
	[tilespmem:$0x1FD30] =	vst v37  }
0x372: {  	v13 =	vadd.s32 v47, v2;
	v9 =	vld [tilespmem:s13+$0xFFFFFF80];
	[tilespmem:v41+s29+$0x0] =	vst.idx.msk $0xffff, v26  }
0x373: {  	v36 =	vld [tilespmem:$0x1FF30];
	v10 =	vadd.s32 v31, v37  }
0x374: {  	s19 =	simm.s32 $0x119F0;
	v4 =	vadd.s32 v34, v2;
	v11 =	vadd.s32 v32, v2;
	v26 =	vmovc v40;
	v40 =	vmov v23;
	v37 =	vld [tilespmem:$0x1FF10]  }
.LBB2_27:
0x375: {  	s10 =	sadd.s32 $0x8, s10;
	v16 =	vld [tilespmem:s13+$0xFFFFFF40];
	[tilespmem:v15+s29+$0x0] =	vst.idx.msk $0xffff, v8;
	s5 =	simm.s32 $0x128F0  }
0x376: {  	v17 =	vadd.s32 v35, v2;
	v8 =	vmov s10;
	p0 =	slt.u32 s10, $0x78;
	v15 =	vld [tilespmem:s13+$0xFFFFFFC0];
	[tilespmem:v14+s29+$0x0] =	vst.idx.msk $0xffff, v12  }
0x377: {  	v14 =	vadd.s32 v42, v2;
	v8 =	vshrl.u32 v8, $0x3;
	v12 =	vld [tilespmem:s13+$0xFFFFFFE0];
	[tilespmem:v13+s29+$0x0] =	vst.idx.msk $0xffff, v3  }
0x378: {  	v13 =	vadd.s32 v44, v2;
	s13 =	sadd.s32 $0x100, s13;
	v3 =	vshll.u32 v8, $0x3;
	v8 =	vld [tilespmem:s19+$0x0];
	[tilespmem:v10+s29+$0x0] =	vst.idx.msk $0xffff, v6  }
0x379: {  	v6 =	vadd.s32 v45, v2;
	v18 =	vbroadcast v3, $0x0;
	v3 =	vld [tilespmem:s13+$0xFFFFFFF0];
	[tilespmem:v11+s29+$0x0] =	vst.idx.msk $0xffff, v9  }
0x37a: {  	v9 =	vld [tilespmem:s13+$0xFFFFFF10];
	[tilespmem:v4+s29+$0x0] =	vst.idx.msk $0xffff, v7;
	v7 =	vadd.s32 v40, v2  }
0x37b: {  	v10 =	vadd.s32 v43, v18;
	v4 =	vadd.s32 v34, v18;
	v11 =	vld [tilespmem:s13+$0xFFFFFF30];
	[tilespmem:v17+s29+$0x0] =	vst.idx.msk $0xffff, v15  }
0x37c: {  	v17 =	vadd.s32 v46, v18;
	v19 =	vld [tilespmem:s13+$0xFFFFFF90];
	[tilespmem:v14+s29+$0x0] =	vst.idx.msk $0xffff, v12  }
0x37d: {  	v21 =	vadd.s32 v37, v18;
	v20 =	vld [tilespmem:s13+$0xFFFFFF50];
	[tilespmem:v13+s29+$0x0] =	vst.idx.msk $0xffff, v8  }
0x37e: {  	v23 =	vadd.s32 v36, v18;
	v22 =	vld [tilespmem:s13+$0xFFFFFF70];
	[tilespmem:v6+s29+$0x0] =	vst.idx.msk $0xffff, v16  }
0x37f: {  	v16 =	vadd.s32 v25, v18;
	v8 =	vld [tilespmem:s13+$0xFFFFFFB0];
	[tilespmem:v7+s29+$0x0] =	vst.idx.msk $0xffff, v5  }
.Ltmp12:
0x380: {  	v15 =	vadd.s32 v33, v18;
	[tilespmem:v10+s29+$0x0] =	vst.idx.msk $0xffff, v9;
	v6 =	vld [tilespmem:s19+$0xFFFFFFA0];
	s19 =	smov.u32 s13;
	(pc) =	sbr.rel @p0 .LBB2_27-.Ltmp12, $4  }
0x381: {  	v14 =	vadd.s32 v24, v18;
	[tilespmem:v17+s29+$0x0] =	vst.idx.msk $0xffff, v11;
	v12 =	vld [tilespmem:s13+$0xFFFFFFD0]  }
0x382: {  	v13 =	vadd.s32 v47, v18;
	v10 =	vadd.s32 v31, v2;
	v2 =	vmov v18;
	v7 =	vld [tilespmem:s13+$0xFFFFFF20];
	[tilespmem:v21+s29+$0x0] =	vst.idx.msk $0xffff, v20  }
0x383: {  	v5 =	vld [tilespmem:s13+$0xFFFFFF60];
	[tilespmem:v23+s29+$0x0] =	vst.idx.msk $0xffff, v22  }
0x384: {  	v11 =	vadd.s32 v32, v2;
	v9 =	vld [tilespmem:s13+$0xFFFFFF80];
	[tilespmem:v16+s29+$0x0] =	vst.idx.msk $0xffff, v19  }
0x385: {  	_ =	sdelay $0x3  }
0x386: {  	[tilespmem:v15+s29+$0x0] =	vst.idx.msk $0xffff, v8  }
0x387: {  	[tilespmem:v10+s29+$0x0] =	vst.idx.msk $0xffff, v6;
	v6 =	vld [tilespmem:s13+$0xFFFFFF40];
	v10 =	vadd.s32 v45, v2  }
0x388: {  	v15 =	vadd.s32 v35, v2;
	[tilespmem:v13+s29+$0x0] =	vst.idx.msk $0xffff, v3;
	v8 =	vld [tilespmem:s13+$0xFFFFFFC0]  }
0x389: {  	v13 =	vadd.s32 v44, v2;
	[tilespmem:v14+s29+$0x0] =	vst.idx.msk $0xffff, v12;
	v3 =	vld [tilespmem:s19+$0x0]  }
0x38a: {  	v14 =	vadd.s32 v42, v2;
	v12 =	vld [tilespmem:s13+$0xFFFFFFE0];
	[tilespmem:v4+s29+$0x0] =	vst.idx.msk $0xffff, v7  }
0x38b: {  	v4 =	vadd.s32 v40, v2;
	[tilespmem:v11+s29+$0x0] =	vst.idx.msk $0xffff, v9  }
0x38c: {  	v7 =	vld [tilespmem:s19+$0xFFFFFFA0];
	v2 =	vadd.s32 v31, v2;
	[tilespmem:v10+s29+$0x0] =	vst.idx.msk $0xffff, v6  }
0x38d: {  	[tilespmem:v15+s29+$0x0] =	vst.idx.msk $0xffff, v8  }
0x38e: {  	[tilespmem:v13+s29+$0x0] =	vst.idx.msk $0xffff, v3  }
0x38f: {  	[tilespmem:v14+s29+$0x0] =	vst.idx.msk $0xffff, v12  }
0x390: {  	[tilespmem:v4+s29+$0x0] =	vst.idx.msk $0xffff, v5  }
0x391: {  	[tilespmem:v2+s29+$0x0] =	vst.idx.msk $0xffff, v7  }
0x392: {  	v12 =	vld [tilespmem:$0x1FD30]  }
0x393: {  	v33 =	vld [tilespmem:$0x1FF90]  }
0x394: {  	v47 =	vld [tilespmem:$0x1FFB0];
	_ =	sdelay $0x1  }
0x395: {  	v3 =	vld [tilespmem:s5+$0xFFFFFF10]  }
0x396: {  	v44 =	vld [tilespmem:$0x1FFD0];
	v5 =	vadd.s32 v48, v12  }
0x397: {  	v6 =	vld [tilespmem:s5+$0xFFFFFF30];
	v7 =	vadd.s32 v33, v12  }
0x398: {  	v8 =	vld [tilespmem:s5+$0xFFFFFF50];
	v9 =	vadd.s32 v47, v12  }
0x399: {  	v2 =	vld [tilespmem:s5+$0xFFFFFFF0]  }
0x39a: {  	v4 =	vld [tilespmem:s5+$0xFFFFFFD0]  }
0x39b: {  	v10 =	vld [tilespmem:s5+$0xFFFFFF70];
	v11 =	vadd.s32 v44, v12;
	[tilespmem:v5+s29+$0x0] =	vst.idx.msk $0xffff, v3  }
0x39c: {  	v37 =	vld [tilespmem:$0x1FE00];
	[tilespmem:v7+s29+$0x0] =	vst.idx.msk $0xffff, v6  }
0x39d: {  	v41 =	vld [tilespmem:$0x1FE20];
	[tilespmem:v9+s29+$0x0] =	vst.idx.msk $0xffff, v8  }
0x39e: {  	v43 =	vld [tilespmem:$0x1FE40]  }
0x39f: {  	v34 =	vld [tilespmem:$0x1FDE0]  }
0x3a0: {  	v13 =	vld [tilespmem:s5+$0xFFFFFFB0];
	[tilespmem:v11+s29+$0x0] =	vst.idx.msk $0xffff, v10  }
0x3a1: {  	v32 =	vld [tilespmem:$0x1FF80];
	v5 =	vadd.s32 v37, v12  }
0x3a2: {  	v38 =	vld [tilespmem:$0x1FDD0];
	v6 =	vadd.s32 v41, v12  }
0x3a3: {  	s10 =	simm.s32 $0x129F0;
	v18 =	vld [tilespmem:s5+$0xFFFFFF90];
	v8 =	vadd.s32 v43, v12  }
0x3a4: {  	v25 =	vld [tilespmem:s10+$0xFFFFFF10];
	v9 =	vadd.s32 v34, v12  }
0x3a5: {  	s13 =	simm.s32 $0x8;
	v14 =	vld [tilespmem:s5+$0xFFFFFF20]  }
0x3a6: {  	v10 =	vld [tilespmem:s5+$0xFFFFFF80];
	v16 =	vadd.s32 v32, v12;
	[tilespmem:v5+s29+$0x0] =	vst.idx.msk $0xffff, v13;
	v5 =	vmov s13  }
0x3a7: {  	v11 =	vadd.s32 v38, v12;
	v39 =	vld [tilespmem:$0x1FE10];
	[tilespmem:v6+s29+$0x0] =	vst.idx.msk $0xffff, v4;
	v4 =	vshrl.u32 v5, $0x3  }
0x3a8: {  	v31 =	vld [tilespmem:$0x1FE30];
	[tilespmem:v8+s29+$0x0] =	vst.idx.msk $0xffff, v2;
	v2 =	vshll.u32 v4, $0x3  }
0x3a9: {  	v19 =	vld [tilespmem:s10+$0xFFFFFF50];
	[tilespmem:v9+s29+$0x0] =	vst.idx.msk $0xffff, v18;
	v2 =	vbroadcast v2, $0x0  }
0x3aa: {  	v46 =	vld [tilespmem:$0x1FFE0]  }
0x3ab: {  	v35 =	vld [tilespmem:$0x1FFA0];
	[tilespmem:v16+s29+$0x0] =	vst.idx.msk $0xffff, v14;
	v14 =	vadd.s32 v48, v2  }
0x3ac: {  	v21 =	vld [tilespmem:s10+$0xFFFFFF70];
	[tilespmem:v11+s29+$0x0] =	vst.idx.msk $0xffff, v10;
	v20 =	vadd.s32 v47, v2  }
0x3ad: {  	v42 =	vld [tilespmem:$0x1FFC0];
	v22 =	vadd.s32 v44, v2  }
0x3ae: {  	v13 =	vld [tilespmem:s5+$0xFFFFFFC0];
	v17 =	vadd.s32 v39, v12  }
0x3af: {  	v5 =	vld [tilespmem:s5+$0xFFFFFFE0];
	v6 =	vadd.s32 v31, v12  }
0x3b0: {  	v8 =	vld [tilespmem:s5+$0x0];
	v9 =	vadd.s32 v46, v12;
	[tilespmem:v14+s29+$0x0] =	vst.idx.msk $0xffff, v25  }
0x3b1: {  	v7 =	vld [tilespmem:s5+$0xFFFFFF40];
	v18 =	vadd.s32 v35, v12;
	[tilespmem:v20+s29+$0x0] =	vst.idx.msk $0xffff, v19  }
0x3b2: {  	v15 =	vld [tilespmem:s5+$0xFFFFFF60];
	v11 =	vadd.s32 v42, v12;
	[tilespmem:v22+s29+$0x0] =	vst.idx.msk $0xffff, v21  }
0x3b3: {  	v16 =	vld [tilespmem:s10+$0xFFFFFF30];
	[tilespmem:v17+s29+$0x0] =	vst.idx.msk $0xffff, v13;
	v13 =	vadd.s32 v33, v2  }
0x3b4: {  	[tilespmem:v6+s29+$0x0] =	vst.idx.msk $0xffff, v5  }
0x3b5: {  	[tilespmem:v9+s29+$0x0] =	vst.idx.msk $0xffff, v8  }
0x3b6: {  	v3 =	vld [tilespmem:s10+$0xFFFFFFF0];
	[tilespmem:v18+s29+$0x0] =	vst.idx.msk $0xffff, v7  }
0x3b7: {  	v4 =	vld [tilespmem:s10+$0xFFFFFFD0];
	[tilespmem:v11+s29+$0x0] =	vst.idx.msk $0xffff, v15  }
0x3b8: {  	v10 =	vld [tilespmem:s10+$0xFFFFFFB0];
	[tilespmem:v13+s29+$0x0] =	vst.idx.msk $0xffff, v16  }
0x3b9: {  	v25 =	vld [tilespmem:$0x1FDF0]  }
0x3ba: {  	v17 =	vld [tilespmem:s10+$0xFFFFFF90];
	v18 =	vadd.s32 v34, v2  }
0x3bb: {  	v9 =	vld [tilespmem:s5+$0xFFFFFFA0];
	v16 =	vadd.s32 v37, v2  }
0x3bc: {  	v8 =	vld [tilespmem:s10+$0xFFFFFF20];
	v15 =	vadd.s32 v41, v2  }
0x3bd: {  	v14 =	vadd.s32 v43, v2;
	v7 =	vld [tilespmem:s10+$0xFFFFFF60]  }
0x3be: {  	v6 =	vld [tilespmem:s10+$0xFFFFFF40];
	v11 =	vadd.s32 v25, v12  }
0x3bf: {  	s19 =	simm.s32 $0x12AF0;
	v5 =	vadd.s32 v32, v2;
	v13 =	vadd.s32 v38, v2;
	[tilespmem:v18+s29+$0x0] =	vst.idx.msk $0xffff, v17;
	v12 =	vld [tilespmem:s10+$0xFFFFFF80]  }
.LBB2_29:
0x3c0: {  	s13 =	sadd.s32 $0x8, s13;
	v17 =	vld [tilespmem:s19+$0xFFFFFFF0];
	[tilespmem:v16+s29+$0x0] =	vst.idx.msk $0xffff, v10;
	s5 =	simm.s32 $0x138F0  }
0x3c1: {  	v18 =	vadd.s32 v39, v2;
	v10 =	vmov s13;
	p0 =	slt.u32 s13, $0x78;
	v16 =	vld [tilespmem:s10+$0xFFFFFFC0];
	[tilespmem:v15+s29+$0x0] =	vst.idx.msk $0xffff, v4  }
0x3c2: {  	v15 =	vadd.s32 v31, v2;
	v4 =	vshrl.u32 v10, $0x3;
	v10 =	vld [tilespmem:s10+$0xFFFFFFE0];
	[tilespmem:v14+s29+$0x0] =	vst.idx.msk $0xffff, v3  }
0x3c3: {  	v19 =	vadd.s32 v46, v2;
	v21 =	vshll.u32 v4, $0x3;
	v14 =	vld [tilespmem:s10+$0x0];
	[tilespmem:v11+s29+$0x0] =	vst.idx.msk $0xffff, v9  }
0x3c4: {  	v11 =	vadd.s32 v35, v2;
	v9 =	vld [tilespmem:s19+$0xFFFFFF10];
	v20 =	vbroadcast v21, $0x0;
	[tilespmem:v13+s29+$0x0] =	vst.idx.msk $0xffff, v12  }
0x3c5: {  	v4 =	vld [tilespmem:s19+$0xFFFFFFD0];
	[tilespmem:v5+s29+$0x0] =	vst.idx.msk $0xffff, v8;
	v8 =	vadd.s32 v42, v2;
	v3 =	vmov v17  }
0x3c6: {  	v12 =	vadd.s32 v48, v20;
	v5 =	vadd.s32 v32, v20;
	v13 =	vld [tilespmem:s19+$0xFFFFFF30];
	[tilespmem:v18+s29+$0x0] =	vst.idx.msk $0xffff, v16  }
0x3c7: {  	v17 =	vadd.s32 v33, v20;
	v18 =	vld [tilespmem:s19+$0xFFFFFF90];
	[tilespmem:v15+s29+$0x0] =	vst.idx.msk $0xffff, v10  }
0x3c8: {  	v22 =	vadd.s32 v47, v20;
	v21 =	vld [tilespmem:s19+$0xFFFFFF50];
	[tilespmem:v19+s29+$0x0] =	vst.idx.msk $0xffff, v14  }
0x3c9: {  	v23 =	vadd.s32 v44, v20;
	v19 =	vld [tilespmem:s19+$0xFFFFFF70];
	[tilespmem:v11+s29+$0x0] =	vst.idx.msk $0xffff, v6  }
0x3ca: {  	v24 =	vadd.s32 v34, v20;
	v10 =	vld [tilespmem:s19+$0xFFFFFFB0];
	[tilespmem:v8+s29+$0x0] =	vst.idx.msk $0xffff, v7  }
.Ltmp13:
0x3cb: {  	v16 =	vadd.s32 v37, v20;
	[tilespmem:v12+s29+$0x0] =	vst.idx.msk $0xffff, v9;
	v9 =	vld [tilespmem:s10+$0xFFFFFFA0];
	s10 =	smov.u32 s19;
	(pc) =	sbr.rel @p0 .LBB2_29-.Ltmp13, $4  }
0x3cc: {  	v15 =	vadd.s32 v41, v20;
	v8 =	vld [tilespmem:s19+$0xFFFFFF20];
	[tilespmem:v17+s29+$0x0] =	vst.idx.msk $0xffff, v13  }
0x3cd: {  	v14 =	vadd.s32 v43, v20;
	v11 =	vadd.s32 v25, v2;
	v2 =	vmov v20;
	v6 =	vld [tilespmem:s19+$0xFFFFFF40];
	[tilespmem:v22+s29+$0x0] =	vst.idx.msk $0xffff, v21  }
0x3ce: {  	v7 =	vld [tilespmem:s19+$0xFFFFFF60];
	[tilespmem:v23+s29+$0x0] =	vst.idx.msk $0xffff, v19  }
0x3cf: {  	v13 =	vadd.s32 v38, v2;
	s19 =	sadd.s32 $0x100, s19;
	v12 =	vld [tilespmem:s10+$0xFFFFFF80];
	[tilespmem:v24+s29+$0x0] =	vst.idx.msk $0xffff, v18  }
0x3d0: {  	_ =	sdelay $0x3  }
0x3d1: {  	[tilespmem:v16+s29+$0x0] =	vst.idx.msk $0xffff, v10  }
0x3d2: {  	[tilespmem:v11+s29+$0x0] =	vst.idx.msk $0xffff, v9;
	v9 =	vadd.s32 v35, v2  }
0x3d3: {  	v16 =	vadd.s32 v39, v2;
	[tilespmem:v14+s29+$0x0] =	vst.idx.msk $0xffff, v3;
	v10 =	vld [tilespmem:s10+$0xFFFFFFC0]  }
0x3d4: {  	[tilespmem:v15+s29+$0x0] =	vst.idx.msk $0xffff, v4;
	v14 =	vadd.s32 v46, v2;
	v3 =	vld [tilespmem:s10+$0x0]  }
0x3d5: {  	v15 =	vadd.s32 v31, v2;
	v4 =	vld [tilespmem:s10+$0xFFFFFFE0];
	[tilespmem:v5+s29+$0x0] =	vst.idx.msk $0xffff, v8  }
0x3d6: {  	v5 =	vadd.s32 v42, v2;
	v8 =	vld [tilespmem:s10+$0xFFFFFFA0];
	v2 =	vadd.s32 v25, v2;
	[tilespmem:v13+s29+$0x0] =	vst.idx.msk $0xffff, v12  }
0x3d7: {  	[tilespmem:v9+s29+$0x0] =	vst.idx.msk $0xffff, v6  }
0x3d8: {  	s0 =	simm.s32 $0x0;
	[tilespmem:v16+s29+$0x0] =	vst.idx.msk $0xffff, v10  }
0x3d9: {  	[tilespmem:v14+s29+$0x0] =	vst.idx.msk $0xffff, v3;
	v3 =	vmov s0  }
0x3da: {  	[tilespmem:v15+s29+$0x0] =	vst.idx.msk $0xffff, v4;
	v3 =	vshrl.u32 v3, $0x3  }
0x3db: {  	[tilespmem:v2+s29+$0x0] =	vst.idx.msk $0xffff, v8;
	v2 =	vshll.u32 v3, $0x3  }
0x3dc: {  	[tilespmem:v5+s29+$0x0] =	vst.idx.msk $0xffff, v7;
	v9 =	vbroadcast v2, $0x0  }
0x3dd: {  	v5 =	vld [tilespmem:s5+$0xFFFFFF30]  }
0x3de: {  	v3 =	vld [tilespmem:s5+$0xFFFFFF10];
	v4 =	vadd.s32 v49, v9  }
0x3df: {  	v6 =	vld [tilespmem:s5+$0xFFFFFF50];
	v7 =	vadd.s32 v53, v9  }
0x3e0: {  	v8 =	vld [tilespmem:s5+$0xFFFFFF70];
	v10 =	vadd.s32 v55, v9  }
0x3e1: {  	v12 =	vld [tilespmem:s5+$0xFFFFFF90];
	v11 =	vadd.s32 v51, v9  }
0x3e2: {  	v13 =	vld [tilespmem:s5+$0xFFFFFFB0];
	v14 =	vadd.s32 v59, v9  }
0x3e3: {  	[tilespmem:v4+s29+$0x0] =	vst.idx.msk $0xffff, v3;
	v3 =	vld [tilespmem:s5+$0xFFFFFFD0];
	v4 =	vadd.s32 v61, v9  }
0x3e4: {  	s13 =	simm.s32 $0x139F0;
	v2 =	vld [tilespmem:s5+$0xFFFFFFF0];
	[tilespmem:v7+s29+$0x0] =	vst.idx.msk $0xffff, v6;
	v6 =	vadd.s32 v63, v9  }
0x3e5: {  	v18 =	vld [tilespmem:s13+$0xFFFFFF30];
	v7 =	vadd.s32 v57, v9;
	[tilespmem:v10+s29+$0x0] =	vst.idx.msk $0xffff, v8  }
0x3e6: {  	v20 =	vld [tilespmem:s13+$0xFFFFFF70];
	[tilespmem:v11+s29+$0x0] =	vst.idx.msk $0xffff, v5  }
0x3e7: {  	s10 =	simm.s32 $0x8;
	v8 =	vadd.s32 v56, v9;
	[tilespmem:v14+s29+$0x0] =	vst.idx.msk $0xffff, v13;
	v5 =	vld [tilespmem:s5+$0xFFFFFF80]  }
0x3e8: {  	v10 =	vadd.s32 v50, v9;
	v13 =	vmov s10;
	v15 =	vld [tilespmem:s5+$0xFFFFFF20];
	[tilespmem:v4+s29+$0x0] =	vst.idx.msk $0xffff, v3  }
0x3e9: {  	v17 =	vadd.s32 v60, v9;
	v14 =	vld [tilespmem:s5+$0xFFFFFFC0];
	v3 =	vshrl.u32 v13, $0x3;
	[tilespmem:v6+s29+$0x0] =	vst.idx.msk $0xffff, v2  }
0x3ea: {  	v11 =	vld [tilespmem:s5+$0xFFFFFF40];
	[tilespmem:v7+s29+$0x0] =	vst.idx.msk $0xffff, v12;
	v12 =	vadd.s32 v52, v9;
	v2 =	vshll.u32 v3, $0x3  }
0x3eb: {  	v13 =	vadd.s32 v62, v9;
	v4 =	vld [tilespmem:s5+$0xFFFFFFE0];
	v2 =	vbroadcast v2, $0x0  }
0x3ec: {  	v7 =	vadd.s32 v1, v9;
	v6 =	vld [tilespmem:s5+$0x0];
	[tilespmem:v8+s29+$0x0] =	vst.idx.msk $0xffff, v5  }
0x3ed: {  	v5 =	vld [tilespmem:s13+$0xFFFFFF10];
	[tilespmem:v10+s29+$0x0] =	vst.idx.msk $0xffff, v15;
	v15 =	vadd.s32 v49, v2  }
0x3ee: {  	v16 =	vld [tilespmem:s5+$0xFFFFFF60];
	[tilespmem:v17+s29+$0x0] =	vst.idx.msk $0xffff, v14;
	v14 =	vadd.s32 v51, v2  }
0x3ef: {  	v3 =	vld [tilespmem:s13+$0xFFFFFFF0];
	v21 =	vadd.s32 v55, v2;
	[tilespmem:v12+s29+$0x0] =	vst.idx.msk $0xffff, v11  }
0x3f0: {  	v19 =	vadd.s32 v53, v2;
	[tilespmem:v13+s29+$0x0] =	vst.idx.msk $0xffff, v4;
	v13 =	vld [tilespmem:s13+$0xFFFFFF50]  }
0x3f1: {  	v10 =	vadd.s32 v54, v9;
	v17 =	vld [tilespmem:s13+$0xFFFFFF90];
	[tilespmem:v7+s29+$0x0] =	vst.idx.msk $0xffff, v6  }
0x3f2: {  	v8 =	vld [tilespmem:s13+$0xFFFFFFB0];
	v22 =	vadd.s32 v57, v2;
	[tilespmem:v15+s29+$0x0] =	vst.idx.msk $0xffff, v5  }
0x3f3: {  	v12 =	vld [tilespmem:s13+$0xFFFFFFD0];
	[tilespmem:v14+s29+$0x0] =	vst.idx.msk $0xffff, v18;
	v14 =	vadd.s32 v59, v2  }
0x3f4: {  	v6 =	vld [tilespmem:s5+$0xFFFFFFA0];
	v15 =	vadd.s32 v61, v2;
	[tilespmem:v21+s29+$0x0] =	vst.idx.msk $0xffff, v20  }
0x3f5: {  	v7 =	vld [tilespmem:s13+$0xFFFFFF20];
	[tilespmem:v19+s29+$0x0] =	vst.idx.msk $0xffff, v13;
	v13 =	vadd.s32 v63, v2  }
0x3f6: {  	[tilespmem:v10+s29+$0x0] =	vst.idx.msk $0xffff, v16;
	v10 =	vadd.s32 v58, v9;
	v9 =	vld [tilespmem:s13+$0xFFFFFF80]  }
0x3f7: {  	v11 =	vadd.s32 v56, v2;
	v4 =	vadd.s32 v50, v2;
	s5 =	simm.s32 $0x139F0;
	[tilespmem:v22+s29+$0x0] =	vst.idx.msk $0xffff, v17;
	v5 =	vld [tilespmem:s13+$0xFFFFFF60]  }
.LBB2_31:
0x3f8: {  	s10 =	sadd.s32 $0x8, s10;
	v16 =	vld [tilespmem:s13+$0xFFFFFF40];
	[tilespmem:v14+s29+$0x0] =	vst.idx.msk $0xffff, v8  }
0x3f9: {  	v17 =	vadd.s32 v60, v2;
	v8 =	vmov s10;
	p0 =	slt.u32 s10, $0x78;
	v14 =	vld [tilespmem:s13+$0xFFFFFFC0];
	[tilespmem:v15+s29+$0x0] =	vst.idx.msk $0xffff, v12  }
0x3fa: {  	v15 =	vadd.s32 v62, v2;
	v8 =	vshrl.u32 v8, $0x3;
	v12 =	vld [tilespmem:s13+$0xFFFFFFE0];
	[tilespmem:v13+s29+$0x0] =	vst.idx.msk $0xffff, v3  }
0x3fb: {  	v13 =	vadd.s32 v1, v2;
	s13 =	sadd.s32 $0x100, s13;
	v3 =	vshll.u32 v8, $0x3;
	v8 =	vld [tilespmem:s5+$0x0];
	[tilespmem:v10+s29+$0x0] =	vst.idx.msk $0xffff, v6  }
0x3fc: {  	v6 =	vadd.s32 v52, v2;
	v18 =	vbroadcast v3, $0x0;
	v3 =	vld [tilespmem:s13+$0xFFFFFFF0];
	[tilespmem:v11+s29+$0x0] =	vst.idx.msk $0xffff, v9  }
0x3fd: {  	v9 =	vld [tilespmem:s13+$0xFFFFFF10];
	[tilespmem:v4+s29+$0x0] =	vst.idx.msk $0xffff, v7;
	v7 =	vadd.s32 v54, v2  }
0x3fe: {  	v10 =	vadd.s32 v49, v18;
	v4 =	vadd.s32 v50, v18;
	v11 =	vld [tilespmem:s13+$0xFFFFFF30];
	[tilespmem:v17+s29+$0x0] =	vst.idx.msk $0xffff, v14  }
0x3ff: {  	v17 =	vadd.s32 v51, v18;
	v19 =	vld [tilespmem:s13+$0xFFFFFF90];
	[tilespmem:v15+s29+$0x0] =	vst.idx.msk $0xffff, v12  }
0x400: {  	v21 =	vadd.s32 v53, v18;
	v20 =	vld [tilespmem:s13+$0xFFFFFF50];
	[tilespmem:v13+s29+$0x0] =	vst.idx.msk $0xffff, v8  }
0x401: {  	v23 =	vadd.s32 v55, v18;
	v22 =	vld [tilespmem:s13+$0xFFFFFF70];
	[tilespmem:v6+s29+$0x0] =	vst.idx.msk $0xffff, v16  }
0x402: {  	v16 =	vadd.s32 v57, v18;
	v8 =	vld [tilespmem:s13+$0xFFFFFFB0];
	[tilespmem:v7+s29+$0x0] =	vst.idx.msk $0xffff, v5  }
.Ltmp14:
0x403: {  	v14 =	vadd.s32 v59, v18;
	[tilespmem:v10+s29+$0x0] =	vst.idx.msk $0xffff, v9;
	v6 =	vld [tilespmem:s5+$0xFFFFFFA0];
	s5 =	smov.u32 s13;
	(pc) =	sbr.rel @p0 .LBB2_31-.Ltmp14, $4  }
0x404: {  	v15 =	vadd.s32 v61, v18;
	[tilespmem:v17+s29+$0x0] =	vst.idx.msk $0xffff, v11;
	v12 =	vld [tilespmem:s13+$0xFFFFFFD0]  }
0x405: {  	v13 =	vadd.s32 v63, v18;
	v10 =	vadd.s32 v58, v2;
	v2 =	vmov v18;
	v7 =	vld [tilespmem:s13+$0xFFFFFF20];
	[tilespmem:v21+s29+$0x0] =	vst.idx.msk $0xffff, v20  }
0x406: {  	v5 =	vld [tilespmem:s13+$0xFFFFFF60];
	[tilespmem:v23+s29+$0x0] =	vst.idx.msk $0xffff, v22  }
0x407: {  	v11 =	vadd.s32 v56, v2;
	v9 =	vld [tilespmem:s13+$0xFFFFFF80];
	[tilespmem:v16+s29+$0x0] =	vst.idx.msk $0xffff, v19  }
0x408: {  	_ =	sdelay $0x3  }
0x409: {  	[tilespmem:v14+s29+$0x0] =	vst.idx.msk $0xffff, v8  }
0x40a: {  	v42 =	vadd.s32 v60, v2;
	[tilespmem:v13+s29+$0x0] =	vst.idx.msk $0xffff, v3;
	v45 =	vld [tilespmem:s13+$0xFFFFFF40];
	v46 =	vadd.s32 v52, v2  }
0x40b: {  	v43 =	vadd.s32 v62, v2;
	[tilespmem:v10+s29+$0x0] =	vst.idx.msk $0xffff, v6;
	v47 =	vadd.s32 v54, v2  }
0x40c: {  	v44 =	vadd.s32 v1, v2;
	v48 =	vld [tilespmem:s5+$0xFFFFFFA0];
	v2 =	vadd.s32 v58, v2;
	[tilespmem:v15+s29+$0x0] =	vst.idx.msk $0xffff, v12  }
0x40d: {  	v8 =	vld [tilespmem:s13+$0xFFFFFFC0];
	[tilespmem:v4+s29+$0x0] =	vst.idx.msk $0xffff, v7  }
0x40e: {  	v3 =	vld [tilespmem:s5+$0x0];
	[tilespmem:v11+s29+$0x0] =	vst.idx.msk $0xffff, v9  }
0x40f: {  	v12 =	vld [tilespmem:s13+$0xFFFFFFE0];
	[tilespmem:v46+s29+$0x0] =	vst.idx.msk $0xffff, v45  }
0x410: {  	[tilespmem:v47+s29+$0x0] =	vst.idx.msk $0xffff, v5  }
0x411: {  	[tilespmem:v2+s29+$0x0] =	vst.idx.msk $0xffff, v48  }
0x412: {  	[tilespmem:v42+s29+$0x0] =	vst.idx.msk $0xffff, v8  }
0x413: {  	[tilespmem:v44+s29+$0x0] =	vst.idx.msk $0xffff, v3  }
0x414: {  	s0 =	sshll.u32 s17, $0x13;
	[tilespmem:v43+s29+$0x0] =	vst.idx.msk $0xffff, v12  }
0x415: {  	s0 =	sor.u32 s6, s0;
	v25 =	vld [tilespmem:$0x1FFF0]  }
0x416: {  	s5 =	sshrl.u32 s0, $0x3;
	v37 =	vld [tilespmem:$0x1FE50]  }
0x417: {  	s17 =	simm.s32 $0x10;
	s10 =	sadd.s32 s1, s5;
	v39 =	vld [tilespmem:$0x1FE70]  }
0x418: {  	s19 =	simm.s32 $0x18C88;
	s13 =	simm.s32 $0x18C00;
	s0 =	sadd.s32 $0x0, s10;
	v41 =	vld [tilespmem:$0x1FE90]  }
.LBB2_33:
0x419: {  	[hbm4b:s0+s3] =	stream.linear.scatter [tilespmem:s13], [sflag:$0x4], $0x80, $0x38;
	[tilespmem:$0x1D000] =	vst v63  }
0x41a: {  	s0 =	smov.u32 s17;
	s13 =	smov.u32 s19;
	p0 =	sne.s32 s17, $0x1F0  }
.Ltmp15:
0x41b: {  	s17 =	sadd.s32 $0x10, s17;
	(pc) =	sbr.rel @p0 .LBB2_33-.Ltmp15, $2  }
0x41c: {  	_ =	sdelay $0x2  }
0x41d: {  	s19 =	sadd.s32 $0x88, s19;
	s0 =	sadd.s32 s0, s10  }
0x41e: {  	[hbm4b:s0+s3] =	stream.linear.scatter [tilespmem:s13], [sflag:$0x4], $0x80, $0x38;
	v43 =	vld [tilespmem:$0x1FEA0]  }
0x41f: {  	s10 =	sadd.s32 s5, s7;
	s13 =	simm.s32 $0x19D00;
	v11 =	vld [tilespmem:$0x1FEB0]  }
0x420: {  	s17 =	simm.s32 $0x10;
	s19 =	simm.s32 $0x19D88;
	v46 =	vld [tilespmem:$0x1FEC0];
	s0 =	sadd.s32 $0x0, s10  }
.LBB2_35:
0x421: {  	[hbm4b:s0+s3] =	stream.linear.scatter [tilespmem:s13], [sflag:$0x4], $0x80, $0x38;
	[tilespmem:$0x1D000] =	vst v63  }
0x422: {  	s0 =	smov.u32 s17;
	s13 =	smov.u32 s19;
	p0 =	sne.s32 s17, $0x1F0  }
.Ltmp16:
0x423: {  	s17 =	sadd.s32 $0x10, s17;
	(pc) =	sbr.rel @p0 .LBB2_35-.Ltmp16, $2  }
0x424: {  	_ =	sdelay $0x2  }
0x425: {  	s19 =	sadd.s32 $0x88, s19;
	s0 =	sadd.s32 s0, s10  }
0x426: {  	[hbm4b:s0+s3] =	stream.linear.scatter [tilespmem:s13], [sflag:$0x4], $0x80, $0x38;
	[tilespmem:$0x1D000] =	vst v63  }
0x427: {  	s10 =	sadd.s32 s5, s8;
	s13 =	simm.s32 $0x1AE00  }
0x428: {  	s17 =	simm.s32 $0x10;
	s19 =	simm.s32 $0x1AE88;
	s0 =	sadd.s32 $0x0, s10  }
.LBB2_37:
0x429: {  	[hbm4b:s0+s3] =	stream.linear.scatter [tilespmem:s13], [sflag:$0x4], $0x80, $0x38;
	[tilespmem:$0x1D000] =	vst v63  }
0x42a: {  	s0 =	smov.u32 s17;
	s13 =	smov.u32 s19;
	p0 =	sne.s32 s17, $0x1F0  }
.Ltmp17:
0x42b: {  	s17 =	sadd.s32 $0x10, s17;
	(pc) =	sbr.rel @p0 .LBB2_37-.Ltmp17, $2  }
0x42c: {  	_ =	sdelay $0x2  }
0x42d: {  	s19 =	sadd.s32 $0x88, s19;
	s0 =	sadd.s32 s0, s10  }
0x42e: {  	[hbm4b:s0+s3] =	stream.linear.scatter [tilespmem:s13], [sflag:$0x4], $0x80, $0x38;
	[tilespmem:$0x1D000] =	vst v63  }
0x42f: {  	s5 =	sadd.s32 s5, s9;
	s10 =	simm.s32 $0x1BF00  }
0x430: {  	s13 =	simm.s32 $0x10;
	s17 =	simm.s32 $0x1BF88;
	s0 =	sadd.s32 $0x0, s5  }
.LBB2_39:
0x431: {  	[hbm4b:s0+s3] =	stream.linear.scatter [tilespmem:s10], [sflag:$0x4], $0x80, $0x38;
	[tilespmem:$0x1D000] =	vst v63  }
0x432: {  	s0 =	smov.u32 s13;
	s10 =	smov.u32 s17;
	p0 =	sne.s32 s13, $0x1F0  }
.Ltmp18:
0x433: {  	s13 =	sadd.s32 $0x10, s13;
	(pc) =	sbr.rel @p0 .LBB2_39-.Ltmp18, $2  }
0x434: {  	_ =	sdelay $0x2  }
0x435: {  	s17 =	sadd.s32 $0x88, s17;
	s0 =	sadd.s32 s0, s5  }
0x436: {  	s12 =	sadd.s32 $0x1, s12  }
0x437: {  	p0 =	sne.s32 s12, $0x32  }
.Ltmp19:
0x438: {  	_ = 	snop;
	(pc) =	sbr.rel @p0 .LBB2_2-.Ltmp19, $3  }
0x439: {  	_ =	sdelay $0x1  }
0x43a: {  	[hbm4b:s0+s3] =	stream.linear.scatter [tilespmem:s10], [sflag:$0x4], $0x80, $0x38;
	[tilespmem:$0x1D000] =	vst v63  }
0x43b: {  	s2 =	sadd.s32 $0x400, s2;
	s11 =	sadd.s32 $0x400, s11  }
0x43c: {  	s0 =	simm.s32 $0x3  }
0x43d: {  	_ =	swait.ge [sflag:s0], $0x1000  }
0x43e: {  	[sflag:s0] =	ssyncset.done $0x0  }
0x43f: {  	[sflag:s0] =	ssyncadd.s32 $0xFFFFF000  }
0x440: {  	_ =	swait.ge [sflag:s0], $0x1000  }
0x441: {  	[sflag:s0] =	ssyncset.done $0x0  }
0x442: {  	[sflag:s0] =	ssyncadd.s32 $0xFFFFF000  }
0x443: {  	_ =	swait.ge [sflag:s0], $0x1000  }
0x444: {  	[sflag:s0] =	ssyncset.done $0x0  }
0x445: {  	[sflag:s0] =	ssyncadd.s32 $0xFFFFF000  }
0x446: {  	_ =	swait.ge [sflag:s0], $0x1000  }
0x447: {  	[sflag:s0] =	ssyncset.done $0x0  }
0x448: {  	s2 =	simm.s32 $0x4;
	[sflag:s0] =	ssyncadd.s32 $0xFFFFF000  }
0x449: {  	_ =	swait.ge [sflag:s2], $0x1000  }
0x44a: {  	[sflag:s2] =	ssyncset.done $0x0  }
0x44b: {  	[sflag:s2] =	ssyncadd.s32 $0xFFFFF000  }
0x44c: {  	_ =	swait.ge [sflag:s2], $0x1000  }
0x44d: {  	[sflag:s2] =	ssyncset.done $0x0  }
0x44e: {  	[sflag:s2] =	ssyncadd.s32 $0xFFFFF000  }
0x44f: {  	_ =	swait.ge [sflag:s2], $0x1000  }
0x450: {  	[sflag:s2] =	ssyncset.done $0x0  }
0x451: {  	[sflag:s2] =	ssyncadd.s32 $0xFFFFF000  }
0x452: {  	_ =	swait.ge [sflag:s2], $0x1000  }
0x453: {  	s5 =	rddreg [dreg:$0x5]  }
0x454: {  	s31 =	rddreg [dreg:$0x4];
	s5 =	sadd.s32 $0x1, s5  }
0x455: {  	p0 =	sne.s32 s5, s31  }
.Ltmp20:
0x456: {  	_ = 	snop;
	(pc) =	sbr.rel @p0 .LBB2_1-.Ltmp20, $3  }
0x457: {  	_ =	sdelay $0x1  }
0x458: {  	[sflag:s2] =	ssyncset.done $0x0  }
0x459: {  	[sflag:s2] =	ssyncadd.s32 $0xFFFFF000  }
0x45a: {  	_ =	sfence.sel $0x180000  }
0x45b: {  	[bflag:$0x0] =	sbarrier.arrive $0xFFFF  }
0x45c: {  	_ =	strace $0x90000047  }
0x45d: {  	s0 =	stileid.u32;
	[bflag:$0x2] =	sbarrier.arrive $0xFFFF  }
0x45e: {  	p0 =	sne.s32 s0, $0x0;
	s0 =	rddreg [dreg:$0x2]  }
0x45f: {  	s0 =	sadd.s32 @!p0 $0x100000, s0  }
0x460: {  	[sflag:s0] =	ssyncadd.tile.s32 @!p0 $0x1;
	_ =	shalt  }
.Lfunc_end2:
_tile_overlayer_lowered:
.L_overlay_start_2:
0x461: {  	(tag) =	ssettag $0x2  }
0x462: {  	s0 =	rddreg [dreg:$0x0];
	s2 =	stileid.u32  }
0x463: {  	s1 =	rddreg [dreg:$0x1];
	p0 =	sne.s32 s2, $0x0  }
0x464: {  	s3 =	rddreg [dreg:$0x2];
	[bflag:$0x3] =	sbarrier.arrive $0xFFFF;
	s2 =	simm.s32 @!p0 $0x1C05  }
0x465: {  	[timem:s3], [sflag:s2] =	dma.local @!p0 [hbm:s0], s1  }
0x466: {  	s0 =	simm.s32 @!p0 $0x5  }
0x467: {  	_ =	swait.ge @!p0 [sflag:s0], s1  }
0x468: {  	s1 =	ssub.s32 @!p0 $0x0, s1;
	[sflag:s0] =	ssyncset.done @!p0 $0x0  }
0x469: {  	[sflag:s0] =	ssyncadd.s32 @!p0 s1  }
0x46a: {  	[bflag:$0x3] =	sbarrier.arrive $0xFFFF  }
0x46b: {  	_ =	shalt  }

</sc_bundles>
